<compile_context>
chip_gen: v7x
topology: tpu7x:2x2x1
jax: 0.10.2.dev20260603
libtpu: 0.0.44.dev20260713+nightly
codegen_flags: <defaults>
</compile_context>

<pallas_src>
import jax
import jax.numpy as jnp
from jax import lax
from jax.experimental import pallas as pl
from jax.experimental.pallas import tpu as pltpu
from jax.experimental.pallas import tpu_sc as plsc

N_TOKENS = 32768
D_MODEL = 768
N_EXP = 64
BM = 4096

_INFO = plsc.get_sparse_core_info()
NC, NS, L = _INFO.num_cores, _INFO.num_subcores, _INFO.num_lanes
NW = NC * NS
TPW = N_TOKENS // NW
GPW = TPW // L


def _logits_body(x_ref, w_ref, b_ref, lt_ref):
    lt_ref[...] = lax.dot_general(
        w_ref[...], x_ref[...], (((1,), (1,)), ((), ())),
        preferred_element_type=jnp.float32,
    ) + b_ref[...]


def _logits_tc(x, W, b):
    return pl.pallas_call(
        _logits_body,
        grid=(N_TOKENS // BM,),
        in_specs=[
            pl.BlockSpec((BM, D_MODEL), lambda i: (i, 0)),
            pl.BlockSpec((N_EXP, D_MODEL), lambda i: (0, 0)),
            pl.BlockSpec((N_EXP, 1), lambda i: (0, 0)),
        ],
        out_specs=pl.BlockSpec((N_EXP, BM), lambda i: (0, i)),
        out_shape=jax.ShapeDtypeStruct((N_EXP, N_TOKENS), jnp.float32),
        compiler_params=pltpu.CompilerParams(
            dimension_semantics=("arbitrary",),
        ),
    )(x, W, b.reshape(N_EXP, 1))


def _router_sc(lt_hbm, ow_hbm, oi_hbm, lv, owv, oiv):
    wid = lax.axis_index("s") * NC + lax.axis_index("c")
    base = wid * TPW
    pltpu.sync_copy(lt_hbm.at[:, pl.ds(base, TPW)], lv)

    def group(g, carry):
        off = g * L
        m1 = lv[0, pl.ds(off, L)]
        i1 = jnp.zeros((L,), jnp.int32)
        m2 = jnp.full((L,), -jnp.inf, jnp.float32)
        i2 = jnp.zeros((L,), jnp.int32)
        for e in range(1, N_EXP):
            v = lv[e, pl.ds(off, L)]
            ev = jnp.full((L,), e, jnp.int32)
            gt2 = v > m2
            new1 = v > m1
            m2c = jnp.where(gt2, v, m2)
            i2c = jnp.where(gt2, ev, i2)
            m2 = jnp.where(new1, m1, m2c)
            i2 = jnp.where(new1, i1, i2c)
            m1 = jnp.where(new1, v, m1)
            i1 = jnp.where(new1, ev, i1)
        t = jnp.exp(m2 - m1)
        denom = 1.0 + t
        sl = pl.ds(off, L)
        owv[0, sl] = 1.0 / denom
        owv[1, sl] = t / denom
        oiv[0, sl] = i1
        oiv[1, sl] = i2
        return carry

    lax.fori_loop(0, GPW, group, 0)
    pltpu.sync_copy(owv, ow_hbm.at[:, pl.ds(base, TPW)])
    pltpu.sync_copy(oiv, oi_hbm.at[:, pl.ds(base, TPW)])


@jax.jit
def kernel(x, W, b):
    lt = _logits_tc(x, W, b)
    sc = pl.kernel(
        _router_sc,
        mesh=plsc.VectorSubcoreMesh(core_axis_name="c", subcore_axis_name="s"),
        out_type=[
            jax.ShapeDtypeStruct((2, N_TOKENS), jnp.float32),
            jax.ShapeDtypeStruct((2, N_TOKENS), jnp.int32),
        ],
        scratch_types=[
            pltpu.VMEM((N_EXP, TPW), jnp.float32),
            pltpu.VMEM((2, TPW), jnp.float32),
            pltpu.VMEM((2, TPW), jnp.int32),
        ],
    )
    ow, oi = sc(lt)
    return ow.T, oi.T

# --- scband reference (transcript-rebuilt; emitter-appended) ---
"""Pipeline reference for scband-simple-noisy-top-krouter-33509334844053 (READ-ONLY COPY).

The authoritative reference and input builder live on the scoring server;
editing this copy changes nothing except your own understanding.
"""

import jax, jax.numpy as jnp
import numpy as np

D_MODEL = 768
NUM_EXPERTS = 64
K = 2

def setup_inputs(seed: int = 0) -> dict:
    key = jax.random.key(seed)
    k1, k2, k3 = jax.random.split(key, 3)
    x = jax.random.normal(k1, (32768, D_MODEL), dtype=jnp.float32)
    # nn.Linear(d_model, num_experts): W [num_experts, d_model], b [num_experts]
    bound = 1.0 / np.sqrt(D_MODEL)
    W = jax.random.uniform(k2, (NUM_EXPERTS, D_MODEL), dtype=jnp.float32, minval=-bound, maxval=bound)
    b = jax.random.uniform(k3, (NUM_EXPERTS,), dtype=jnp.float32, minval=-bound, maxval=bound)
    return {"x": x, "W": W, "b": b}

def reference(x, W, b):
    # eval mode: no noise is added (self.training is False)
    logits = x @ W.T + b
    raw_weights = jax.nn.softmax(logits, axis=-1)
    top_k_weights, top_k_indices = jax.lax.top_k(raw_weights, K)
    normalized_weights = top_k_weights / jnp.sum(top_k_weights, axis=-1, keepdims=True)
    return (normalized_weights, top_k_indices)

if __name__ == "__main__":
    import jax
    _d = setup_inputs()
    print(jax.jit(kernel)(*tuple(_d.values())))

</pallas_src>

<mosaic_0001>
#map = affine_map<(d0, d1) -> (0, 0)>
module attributes {stable_mosaic.version = 14 : i64} {
  func.func @_router_sc(%arg0: i32, %arg1: i32, %arg2: memref<64x32768xf32, #tpu.memory_space<hbm>>, %arg3: memref<2x32768xf32, #tpu.memory_space<hbm>>, %arg4: memref<2x32768xi32, #tpu.memory_space<hbm>>, %arg5: memref<64x1024xf32, #tpu.memory_space<vmem>>, %arg6: memref<2x1024xf32, #tpu.memory_space<vmem>>, %arg7: memref<2x1024xi32, #tpu.memory_space<vmem>>) attributes {dimension_semantics = [#tpu.dimension_semantics<core_parallel>, #tpu.dimension_semantics<subcore_parallel>], iteration_bounds = array<i64: 2, 16>, scalar_prefetch = 0 : i64, scratch_operands = 3 : i64, tpu.core_type = #tpu.core_type<sc_vector_subcore>, window_params = [{transform_indices = #map}, {transform_indices = #map}, {transform_indices = #map}]} {
    %mul3A = arith.constant 2 : i32
    %mul3A_0 = arith.muli %arg1, %mul3A : i32
    %add3A = arith.addi %mul3A_0, %arg0 : i32
    %mul3A_1 = arith.constant 1024 : i32
    %mul3A_2 = arith.muli %add3A, %mul3A_1 : i32
    "tpu.region"() ({
      %run_scoped3A = tpu.sem_alloc : memref<!tpu.dma_semaphore, #tpu.memory_space<semaphore_mem>>
      %dma_start3A = arith.constant 0 : i32
      %dma_start3A_8 = tpu.memref_slice %arg2[%dma_start3A, %mul3A_2] : memref<64x32768xf32, #tpu.memory_space<hbm>> -> memref<64x1024xf32, #tpu.memory_space<hbm>>
      %dma_start3A_9 = arith.constant 0 : i32
      %dma_start3A_10 = tpu.memref_slice %arg2[%dma_start3A_9, %mul3A_2] : memref<64x32768xf32, #tpu.memory_space<hbm>> -> memref<64x1024xf32, #tpu.memory_space<hbm>>
      tpu.enqueue_dma source(%dma_start3A_10 : memref<64x1024xf32, #tpu.memory_space<hbm>>) target(%arg5 : memref<64x1024xf32, #tpu.memory_space<vmem>>) target_semaphore(%run_scoped3A : memref<!tpu.dma_semaphore, #tpu.memory_space<semaphore_mem>>)
      %dma_wait3A = arith.constant 0 : i32
      %dma_wait3A_11 = tpu.memref_slice %arg2[%dma_wait3A, %mul3A_2] : memref<64x32768xf32, #tpu.memory_space<hbm>> -> memref<64x1024xf32, #tpu.memory_space<hbm>>
      %dma_wait3A_12 = arith.constant 0 : i32
      %dma_wait3A_13 = tpu.memref_slice %arg2[%dma_wait3A_12, %mul3A_2] : memref<64x32768xf32, #tpu.memory_space<hbm>> -> memref<64x1024xf32, #tpu.memory_space<hbm>>
      tpu.wait_dma2 semaphore(%run_scoped3A : memref<!tpu.dma_semaphore, #tpu.memory_space<semaphore_mem>>) src(%dma_wait3A_13 : memref<64x1024xf32, #tpu.memory_space<hbm>>) dst(%arg5 : memref<64x1024xf32, #tpu.memory_space<vmem>>)
      tpu.yield
    }) : () -> ()
    %scan3A = arith.constant 0 : i32
    %scan3A_3 = arith.constant 0 : i32
    %scan3A_4 = arith.constant 64 : i32
    %scan3A_5 = arith.addi %scan3A_3, %scan3A_4 : i32
    %scan3A_6 = arith.constant 1 : i32
    scf.for %scan3A_8 = %scan3A_3 to %scan3A_5 step %scan3A_6  : i32 {
      %mul3A_9 = arith.constant 16 : i32
      %mul3A_10 = arith.muli %scan3A_8, %mul3A_9 : i32
      %get3A = arith.constant 0 : i32
      %get3A_11 = arith.index_cast %get3A : i32 to index
      %get3A_12 = arith.index_cast %mul3A_10 : i32 to index
      %get3A_13 = tpu.vector_load %arg5[%get3A_11, %get3A_12] {strides = array<i32>} : memref<64x1024xf32, #tpu.memory_space<vmem>>, vector<1x16xf32>,
      %get3A_14 = vector.shape_cast %get3A_13 : vector<1x16xf32> to vector<16xf32>
      %broadcast_in_dim3A = arith.constant 0 : i32
      %broadcast_in_dim3A_15 = vector.broadcast %broadcast_in_dim3A : i32 to vector<16xi32>
      %broadcast_in_dim3A_16 = arith.constant 0xFF800000 : f32
      %broadcast_in_dim3A_17 = vector.broadcast %broadcast_in_dim3A_16 : f32 to vector<16xf32>
      %broadcast_in_dim3A_18 = arith.constant 0 : i32
      %broadcast_in_dim3A_19 = vector.broadcast %broadcast_in_dim3A_18 : i32 to vector<16xi32>
      %get3A_20 = arith.constant 1 : i32
      %get3A_21 = arith.index_cast %get3A_20 : i32 to index
      %get3A_22 = arith.index_cast %mul3A_10 : i32 to index
      %get3A_23 = tpu.vector_load %arg5[%get3A_21, %get3A_22] {strides = array<i32>} : memref<64x1024xf32, #tpu.memory_space<vmem>>, vector<1x16xf32>,
      %get3A_24 = vector.shape_cast %get3A_23 : vector<1x16xf32> to vector<16xf32>
      %broadcast_in_dim3A_25 = arith.constant 1 : i32
      %broadcast_in_dim3A_26 = vector.broadcast %broadcast_in_dim3A_25 : i32 to vector<16xi32>
      %gt3A = arith.cmpf ogt, %get3A_24, %broadcast_in_dim3A_17 : vector<16xf32>
      %gt3A_27 = arith.cmpf ogt, %get3A_24, %get3A_14 : vector<16xf32>
      %select_n3A = arith.select %gt3A, %get3A_24, %broadcast_in_dim3A_17 : vector<16xi1>, vector<16xf32>
      %select_n3A_28 = arith.select %gt3A, %broadcast_in_dim3A_26, %broadcast_in_dim3A_19 : vector<16xi1>, vector<16xi32>
      %select_n3A_29 = arith.select %gt3A_27, %get3A_14, %select_n3A : vector<16xi1>, vector<16xf32>
      %select_n3A_30 = arith.select %gt3A_27, %broadcast_in_dim3A_15, %select_n3A_28 : vector<16xi1>, vector<16xi32>
      %select_n3A_31 = arith.select %gt3A_27, %get3A_24, %get3A_14 : vector<16xi1>, vector<16xf32>
      %select_n3A_32 = arith.select %gt3A_27, %broadcast_in_dim3A_26, %broadcast_in_dim3A_15 : vector<16xi1>, vector<16xi32>
      %get3A_33 = arith.constant 2 : i32
      %get3A_34 = arith.index_cast %get3A_33 : i32 to index
      %get3A_35 = arith.index_cast %mul3A_10 : i32 to index
      %get3A_36 = tpu.vector_load %arg5[%get3A_34, %get3A_35] {strides = array<i32>} : memref<64x1024xf32, #tpu.memory_space<vmem>>, vector<1x16xf32>,
      %get3A_37 = vector.shape_cast %get3A_36 : vector<1x16xf32> to vector<16xf32>
      %broadcast_in_dim3A_38 = arith.constant 2 : i32
      %broadcast_in_dim3A_39 = vector.broadcast %broadcast_in_dim3A_38 : i32 to vector<16xi32>
      %gt3A_40 = arith.cmpf ogt, %get3A_37, %select_n3A_29 : vector<16xf32>
      %gt3A_41 = arith.cmpf ogt, %get3A_37, %select_n3A_31 : vector<16xf32>
      %select_n3A_42 = arith.select %gt3A_40, %get3A_37, %select_n3A_29 : vector<16xi1>, vector<16xf32>
      %select_n3A_43 = arith.select %gt3A_40, %broadcast_in_dim3A_39, %select_n3A_30 : vector<16xi1>, vector<16xi32>
      %select_n3A_44 = arith.select %gt3A_41, %select_n3A_31, %select_n3A_42 : vector<16xi1>, vector<16xf32>
      %select_n3A_45 = arith.select %gt3A_41, %select_n3A_32, %select_n3A_43 : vector<16xi1>, vector<16xi32>
      %select_n3A_46 = arith.select %gt3A_41, %get3A_37, %select_n3A_31 : vector<16xi1>, vector<16xf32>
      %select_n3A_47 = arith.select %gt3A_41, %broadcast_in_dim3A_39, %select_n3A_32 : vector<16xi1>, vector<16xi32>
      %get3A_48 = arith.constant 3 : i32
      %get3A_49 = arith.index_cast %get3A_48 : i32 to index
      %get3A_50 = arith.index_cast %mul3A_10 : i32 to index
      %get3A_51 = tpu.vector_load %arg5[%get3A_49, %get3A_50] {strides = array<i32>} : memref<64x1024xf32, #tpu.memory_space<vmem>>, vector<1x16xf32>,
      %get3A_52 = vector.shape_cast %get3A_51 : vector<1x16xf32> to vector<16xf32>
      %broadcast_in_dim3A_53 = arith.constant 3 : i32
      %broadcast_in_dim3A_54 = vector.broadcast %broadcast_in_dim3A_53 : i32 to vector<16xi32>
      %gt3A_55 = arith.cmpf ogt, %get3A_52, %select_n3A_44 : vector<16xf32>
      %gt3A_56 = arith.cmpf ogt, %get3A_52, %select_n3A_46 : vector<16xf32>
      %select_n3A_57 = arith.select %gt3A_55, %get3A_52, %select_n3A_44 : vector<16xi1>, vector<16xf32>
      %select_n3A_58 = arith.select %gt3A_55, %broadcast_in_dim3A_54, %select_n3A_45 : vector<16xi1>, vector<16xi32>
      %select_n3A_59 = arith.select %gt3A_56, %select_n3A_46, %select_n3A_57 : vector<16xi1>, vector<16xf32>
      %select_n3A_60 = arith.select %gt3A_56, %select_n3A_47, %select_n3A_58 : vector<16xi1>, vector<16xi32>
      %select_n3A_61 = arith.select %gt3A_56, %get3A_52, %select_n3A_46 : vector<16xi1>, vector<16xf32>
      %select_n3A_62 = arith.select %gt3A_56, %broadcast_in_dim3A_54, %select_n3A_47 : vector<16xi1>, vector<16xi32>
      %get3A_63 = arith.constant 4 : i32
      %get3A_64 = arith.index_cast %get3A_63 : i32 to index
      %get3A_65 = arith.index_cast %mul3A_10 : i32 to index
      %get3A_66 = tpu.vector_load %arg5[%get3A_64, %get3A_65] {strides = array<i32>} : memref<64x1024xf32, #tpu.memory_space<vmem>>, vector<1x16xf32>,
      %get3A_67 = vector.shape_cast %get3A_66 : vector<1x16xf32> to vector<16xf32>
      %broadcast_in_dim3A_68 = arith.constant 4 : i32
      %broadcast_in_dim3A_69 = vector.broadcast %broadcast_in_dim3A_68 : i32 to vector<16xi32>
      %gt3A_70 = arith.cmpf ogt, %get3A_67, %select_n3A_59 : vector<16xf32>
      %gt3A_71 = arith.cmpf ogt, %get3A_67, %select_n3A_61 : vector<16xf32>
      %select_n3A_72 = arith.select %gt3A_70, %get3A_67, %select_n3A_59 : vector<16xi1>, vector<16xf32>
      %select_n3A_73 = arith.select %gt3A_70, %broadcast_in_dim3A_69, %select_n3A_60 : vector<16xi1>, vector<16xi32>
      %select_n3A_74 = arith.select %gt3A_71, %select_n3A_61, %select_n3A_72 : vector<16xi1>, vector<16xf32>
      %select_n3A_75 = arith.select %gt3A_71, %select_n3A_62, %select_n3A_73 : vector<16xi1>, vector<16xi32>
      %select_n3A_76 = arith.select %gt3A_71, %get3A_67, %select_n3A_61 : vector<16xi1>, vector<16xf32>
      %select_n3A_77 = arith.select %gt3A_71, %broadcast_in_dim3A_69, %select_n3A_62 : vector<16xi1>, vector<16xi32>
      %get3A_78 = arith.constant 5 : i32
      %get3A_79 = arith.index_cast %get3A_78 : i32 to index
      %get3A_80 = arith.index_cast %mul3A_10 : i32 to index
      %get3A_81 = tpu.vector_load %arg5[%get3A_79, %get3A_80] {strides = array<i32>} : memref<64x1024xf32, #tpu.memory_space<vmem>>, vector<1x16xf32>,
      %get3A_82 = vector.shape_cast %get3A_81 : vector<1x16xf32> to vector<16xf32>
      %broadcast_in_dim3A_83 = arith.constant 5 : i32
      %broadcast_in_dim3A_84 = vector.broadcast %broadcast_in_dim3A_83 : i32 to vector<16xi32>
      %gt3A_85 = arith.cmpf ogt, %get3A_82, %select_n3A_74 : vector<16xf32>
      %gt3A_86 = arith.cmpf ogt, %get3A_82, %select_n3A_76 : vector<16xf32>
      %select_n3A_87 = arith.select %gt3A_85, %get3A_82, %select_n3A_74 : vector<16xi1>, vector<16xf32>
      %select_n3A_88 = arith.select %gt3A_85, %broadcast_in_dim3A_84, %select_n3A_75 : vector<16xi1>, vector<16xi32>
      %select_n3A_89 = arith.select %gt3A_86, %select_n3A_76, %select_n3A_87 : vector<16xi1>, vector<16xf32>
      %select_n3A_90 = arith.select %gt3A_86, %select_n3A_77, %select_n3A_88 : vector<16xi1>, vector<16xi32>
      %select_n3A_91 = arith.select %gt3A_86, %get3A_82, %select_n3A_76 : vector<16xi1>, vector<16xf32>
      %select_n3A_92 = arith.select %gt3A_86, %broadcast_in_dim3A_84, %select_n3A_77 : vector<16xi1>, vector<16xi32>
      %get3A_93 = arith.constant 6 : i32
      %get3A_94 = arith.index_cast %get3A_93 : i32 to index
      %get3A_95 = arith.index_cast %mul3A_10 : i32 to index
      %get3A_96 = tpu.vector_load %arg5[%get3A_94, %get3A_95] {strides = array<i32>} : memref<64x1024xf32, #tpu.memory_space<vmem>>, vector<1x16xf32>,
      %get3A_97 = vector.shape_cast %get3A_96 : vector<1x16xf32> to vector<16xf32>
      %broadcast_in_dim3A_98 = arith.constant 6 : i32
      %broadcast_in_dim3A_99 = vector.broadcast %broadcast_in_dim3A_98 : i32 to vector<16xi32>
      %gt3A_100 = arith.cmpf ogt, %get3A_97, %select_n3A_89 : vector<16xf32>
      %gt3A_101 = arith.cmpf ogt, %get3A_97, %select_n3A_91 : vector<16xf32>
      %select_n3A_102 = arith.select %gt3A_100, %get3A_97, %select_n3A_89 : vector<16xi1>, vector<16xf32>
      %select_n3A_103 = arith.select %gt3A_100, %broadcast_in_dim3A_99, %select_n3A_90 : vector<16xi1>, vector<16xi32>
      %select_n3A_104 = arith.select %gt3A_101, %select_n3A_91, %select_n3A_102 : vector<16xi1>, vector<16xf32>
      %select_n3A_105 = arith.select %gt3A_101, %select_n3A_92, %select_n3A_103 : vector<16xi1>, vector<16xi32>
      %select_n3A_106 = arith.select %gt3A_101, %get3A_97, %select_n3A_91 : vector<16xi1>, vector<16xf32>
      %select_n3A_107 = arith.select %gt3A_101, %broadcast_in_dim3A_99, %select_n3A_92 : vector<16xi1>, vector<16xi32>
      %get3A_108 = arith.constant 7 : i32
      %get3A_109 = arith.index_cast %get3A_108 : i32 to index
      %get3A_110 = arith.index_cast %mul3A_10 : i32 to index
      %get3A_111 = tpu.vector_load %arg5[%get3A_109, %get3A_110] {strides = array<i32>} : memref<64x1024xf32, #tpu.memory_space<vmem>>, vector<1x16xf32>,
      %get3A_112 = vector.shape_cast %get3A_111 : vector<1x16xf32> to vector<16xf32>
      %broadcast_in_dim3A_113 = arith.constant 7 : i32
      %broadcast_in_dim3A_114 = vector.broadcast %broadcast_in_dim3A_113 : i32 to vector<16xi32>
      %gt3A_115 = arith.cmpf ogt, %get3A_112, %select_n3A_104 : vector<16xf32>
      %gt3A_116 = arith.cmpf ogt, %get3A_112, %select_n3A_106 : vector<16xf32>
      %select_n3A_117 = arith.select %gt3A_115, %get3A_112, %select_n3A_104 : vector<16xi1>, vector<16xf32>
      %select_n3A_118 = arith.select %gt3A_115, %broadcast_in_dim3A_114, %select_n3A_105 : vector<16xi1>, vector<16xi32>
      %select_n3A_119 = arith.select %gt3A_116, %select_n3A_106, %select_n3A_117 : vector<16xi1>, vector<16xf32>
      %select_n3A_120 = arith.select %gt3A_116, %select_n3A_107, %select_n3A_118 : vector<16xi1>, vector<16xi32>
      %select_n3A_121 = arith.select %gt3A_116, %get3A_112, %select_n3A_106 : vector<16xi1>, vector<16xf32>
      %select_n3A_122 = arith.select %gt3A_116, %broadcast_in_dim3A_114, %select_n3A_107 : vector<16xi1>, vector<16xi32>
      %get3A_123 = arith.constant 8 : i32
      %get3A_124 = arith.index_cast %get3A_123 : i32 to index
      %get3A_125 = arith.index_cast %mul3A_10 : i32 to index
      %get3A_126 = tpu.vector_load %arg5[%get3A_124, %get3A_125] {strides = array<i32>} : memref<64x1024xf32, #tpu.memory_space<vmem>>, vector<1x16xf32>,
      %get3A_127 = vector.shape_cast %get3A_126 : vector<1x16xf32> to vector<16xf32>
      %broadcast_in_dim3A_128 = arith.constant 8 : i32
      %broadcast_in_dim3A_129 = vector.broadcast %broadcast_in_dim3A_128 : i32 to vector<16xi32>
      %gt3A_130 = arith.cmpf ogt, %get3A_127, %select_n3A_119 : vector<16xf32>
      %gt3A_131 = arith.cmpf ogt, %get3A_127, %select_n3A_121 : vector<16xf32>
      %select_n3A_132 = arith.select %gt3A_130, %get3A_127, %select_n3A_119 : vector<16xi1>, vector<16xf32>
      %select_n3A_133 = arith.select %gt3A_130, %broadcast_in_dim3A_129, %select_n3A_120 : vector<16xi1>, vector<16xi32>
      %select_n3A_134 = arith.select %gt3A_131, %select_n3A_121, %select_n3A_132 : vector<16xi1>, vector<16xf32>
      %select_n3A_135 = arith.select %gt3A_131, %select_n3A_122, %select_n3A_133 : vector<16xi1>, vector<16xi32>
      %select_n3A_136 = arith.select %gt3A_131, %get3A_127, %select_n3A_121 : vector<16xi1>, vector<16xf32>
      %select_n3A_137 = arith.select %gt3A_131, %broadcast_in_dim3A_129, %select_n3A_122 : vector<16xi1>, vector<16xi32>
      %get3A_138 = arith.constant 9 : i32
      %get3A_139 = arith.index_cast %get3A_138 : i32 to index
      %get3A_140 = arith.index_cast %mul3A_10 : i32 to index
      %get3A_141 = tpu.vector_load %arg5[%get3A_139, %get3A_140] {strides = array<i32>} : memref<64x1024xf32, #tpu.memory_space<vmem>>, vector<1x16xf32>,
      %get3A_142 = vector.shape_cast %get3A_141 : vector<1x16xf32> to vector<16xf32>
      %broadcast_in_dim3A_143 = arith.constant 9 : i32
      %broadcast_in_dim3A_144 = vector.broadcast %broadcast_in_dim3A_143 : i32 to vector<16xi32>
      %gt3A_145 = arith.cmpf ogt, %get3A_142, %select_n3A_134 : vector<16xf32>
      %gt3A_146 = arith.cmpf ogt, %get3A_142, %select_n3A_136 : vector<16xf32>
      %select_n3A_147 = arith.select %gt3A_145, %get3A_142, %select_n3A_134 : vector<16xi1>, vector<16xf32>
      %select_n3A_148 = arith.select %gt3A_145, %broadcast_in_dim3A_144, %select_n3A_135 : vector<16xi1>, vector<16xi32>
      %select_n3A_149 = arith.select %gt3A_146, %select_n3A_136, %select_n3A_147 : vector<16xi1>, vector<16xf32>
      %select_n3A_150 = arith.select %gt3A_146, %select_n3A_137, %select_n3A_148 : vector<16xi1>, vector<16xi32>
      %select_n3A_151 = arith.select %gt3A_146, %get3A_142, %select_n3A_136 : vector<16xi1>, vector<16xf32>
      %select_n3A_152 = arith.select %gt3A_146, %broadcast_in_dim3A_144, %select_n3A_137 : vector<16xi1>, vector<16xi32>
      %get3A_153 = arith.constant 10 : i32
      %get3A_154 = arith.index_cast %get3A_153 : i32 to index
      %get3A_155 = arith.index_cast %mul3A_10 : i32 to index
      %get3A_156 = tpu.vector_load %arg5[%get3A_154, %get3A_155] {strides = array<i32>} : memref<64x1024xf32, #tpu.memory_space<vmem>>, vector<1x16xf32>,
      %get3A_157 = vector.shape_cast %get3A_156 : vector<1x16xf32> to vector<16xf32>
      %broadcast_in_dim3A_158 = arith.constant 10 : i32
      %broadcast_in_dim3A_159 = vector.broadcast %broadcast_in_dim3A_158 : i32 to vector<16xi32>
      %gt3A_160 = arith.cmpf ogt, %get3A_157, %select_n3A_149 : vector<16xf32>
      %gt3A_161 = arith.cmpf ogt, %get3A_157, %select_n3A_151 : vector<16xf32>
      %select_n3A_162 = arith.select %gt3A_160, %get3A_157, %select_n3A_149 : vector<16xi1>, vector<16xf32>
      %select_n3A_163 = arith.select %gt3A_160, %broadcast_in_dim3A_159, %select_n3A_150 : vector<16xi1>, vector<16xi32>
      %select_n3A_164 = arith.select %gt3A_161, %select_n3A_151, %select_n3A_162 : vector<16xi1>, vector<16xf32>
      %select_n3A_165 = arith.select %gt3A_161, %select_n3A_152, %select_n3A_163 : vector<16xi1>, vector<16xi32>
      %select_n3A_166 = arith.select %gt3A_161, %get3A_157, %select_n3A_151 : vector<16xi1>, vector<16xf32>
      %select_n3A_167 = arith.select %gt3A_161, %broadcast_in_dim3A_159, %select_n3A_152 : vector<16xi1>, vector<16xi32>
      %get3A_168 = arith.constant 11 : i32
      %get3A_169 = arith.index_cast %get3A_168 : i32 to index
      %get3A_170 = arith.index_cast %mul3A_10 : i32 to index
      %get3A_171 = tpu.vector_load %arg5[%get3A_169, %get3A_170] {strides = array<i32>} : memref<64x1024xf32, #tpu.memory_space<vmem>>, vector<1x16xf32>,
      %get3A_172 = vector.shape_cast %get3A_171 : vector<1x16xf32> to vector<16xf32>
      %broadcast_in_dim3A_173 = arith.constant 11 : i32
      %broadcast_in_dim3A_174 = vector.broadcast %broadcast_in_dim3A_173 : i32 to vector<16xi32>
      %gt3A_175 = arith.cmpf ogt, %get3A_172, %select_n3A_164 : vector<16xf32>
      %gt3A_176 = arith.cmpf ogt, %get3A_172, %select_n3A_166 : vector<16xf32>
      %select_n3A_177 = arith.select %gt3A_175, %get3A_172, %select_n3A_164 : vector<16xi1>, vector<16xf32>
      %select_n3A_178 = arith.select %gt3A_175, %broadcast_in_dim3A_174, %select_n3A_165 : vector<16xi1>, vector<16xi32>
      %select_n3A_179 = arith.select %gt3A_176, %select_n3A_166, %select_n3A_177 : vector<16xi1>, vector<16xf32>
      %select_n3A_180 = arith.select %gt3A_176, %select_n3A_167, %select_n3A_178 : vector<16xi1>, vector<16xi32>
      %select_n3A_181 = arith.select %gt3A_176, %get3A_172, %select_n3A_166 : vector<16xi1>, vector<16xf32>
      %select_n3A_182 = arith.select %gt3A_176, %broadcast_in_dim3A_174, %select_n3A_167 : vector<16xi1>, vector<16xi32>
      %get3A_183 = arith.constant 12 : i32
      %get3A_184 = arith.index_cast %get3A_183 : i32 to index
      %get3A_185 = arith.index_cast %mul3A_10 : i32 to index
      %get3A_186 = tpu.vector_load %arg5[%get3A_184, %get3A_185] {strides = array<i32>} : memref<64x1024xf32, #tpu.memory_space<vmem>>, vector<1x16xf32>,
      %get3A_187 = vector.shape_cast %get3A_186 : vector<1x16xf32> to vector<16xf32>
      %broadcast_in_dim3A_188 = arith.constant 12 : i32
      %broadcast_in_dim3A_189 = vector.broadcast %broadcast_in_dim3A_188 : i32 to vector<16xi32>
      %gt3A_190 = arith.cmpf ogt, %get3A_187, %select_n3A_179 : vector<16xf32>
      %gt3A_191 = arith.cmpf ogt, %get3A_187, %select_n3A_181 : vector<16xf32>
      %select_n3A_192 = arith.select %gt3A_190, %get3A_187, %select_n3A_179 : vector<16xi1>, vector<16xf32>
      %select_n3A_193 = arith.select %gt3A_190, %broadcast_in_dim3A_189, %select_n3A_180 : vector<16xi1>, vector<16xi32>
      %select_n3A_194 = arith.select %gt3A_191, %select_n3A_181, %select_n3A_192 : vector<16xi1>, vector<16xf32>
      %select_n3A_195 = arith.select %gt3A_191, %select_n3A_182, %select_n3A_193 : vector<16xi1>, vector<16xi32>
      %select_n3A_196 = arith.select %gt3A_191, %get3A_187, %select_n3A_181 : vector<16xi1>, vector<16xf32>
      %select_n3A_197 = arith.select %gt3A_191, %broadcast_in_dim3A_189, %select_n3A_182 : vector<16xi1>, vector<16xi32>
      %get3A_198 = arith.constant 13 : i32
      %get3A_199 = arith.index_cast %get3A_198 : i32 to index
      %get3A_200 = arith.index_cast %mul3A_10 : i32 to index
      %get3A_201 = tpu.vector_load %arg5[%get3A_199, %get3A_200] {strides = array<i32>} : memref<64x1024xf32, #tpu.memory_space<vmem>>, vector<1x16xf32>,
      %get3A_202 = vector.shape_cast %get3A_201 : vector<1x16xf32> to vector<16xf32>
      %broadcast_in_dim3A_203 = arith.constant 13 : i32
      %broadcast_in_dim3A_204 = vector.broadcast %broadcast_in_dim3A_203 : i32 to vector<16xi32>
      %gt3A_205 = arith.cmpf ogt, %get3A_202, %select_n3A_194 : vector<16xf32>
      %gt3A_206 = arith.cmpf ogt, %get3A_202, %select_n3A_196 : vector<16xf32>
      %select_n3A_207 = arith.select %gt3A_205, %get3A_202, %select_n3A_194 : vector<16xi1>, vector<16xf32>
      %select_n3A_208 = arith.select %gt3A_205, %broadcast_in_dim3A_204, %select_n3A_195 : vector<16xi1>, vector<16xi32>
      %select_n3A_209 = arith.select %gt3A_206, %select_n3A_196, %select_n3A_207 : vector<16xi1>, vector<16xf32>
      %select_n3A_210 = arith.select %gt3A_206, %select_n3A_197, %select_n3A_208 : vector<16xi1>, vector<16xi32>
      %select_n3A_211 = arith.select %gt3A_206, %get3A_202, %select_n3A_196 : vector<16xi1>, vector<16xf32>
      %select_n3A_212 = arith.select %gt3A_206, %broadcast_in_dim3A_204, %select_n3A_197 : vector<16xi1>, vector<16xi32>
      %get3A_213 = arith.constant 14 : i32
      %get3A_214 = arith.index_cast %get3A_213 : i32 to index
      %get3A_215 = arith.index_cast %mul3A_10 : i32 to index
      %get3A_216 = tpu.vector_load %arg5[%get3A_214, %get3A_215] {strides = array<i32>} : memref<64x1024xf32, #tpu.memory_space<vmem>>, vector<1x16xf32>,
      %get3A_217 = vector.shape_cast %get3A_216 : vector<1x16xf32> to vector<16xf32>
      %broadcast_in_dim3A_218 = arith.constant 14 : i32
      %broadcast_in_dim3A_219 = vector.broadcast %broadcast_in_dim3A_218 : i32 to vector<16xi32>
      %gt3A_220 = arith.cmpf ogt, %get3A_217, %select_n3A_209 : vector<16xf32>
      %gt3A_221 = arith.cmpf ogt, %get3A_217, %select_n3A_211 : vector<16xf32>
      %select_n3A_222 = arith.select %gt3A_220, %get3A_217, %select_n3A_209 : vector<16xi1>, vector<16xf32>
      %select_n3A_223 = arith.select %gt3A_220, %broadcast_in_dim3A_219, %select_n3A_210 : vector<16xi1>, vector<16xi32>
      %select_n3A_224 = arith.select %gt3A_221, %select_n3A_211, %select_n3A_222 : vector<16xi1>, vector<16xf32>
      %select_n3A_225 = arith.select %gt3A_221, %select_n3A_212, %select_n3A_223 : vector<16xi1>, vector<16xi32>
      %select_n3A_226 = arith.select %gt3A_221, %get3A_217, %select_n3A_211 : vector<16xi1>, vector<16xf32>
      %select_n3A_227 = arith.select %gt3A_221, %broadcast_in_dim3A_219, %select_n3A_212 : vector<16xi1>, vector<16xi32>
      %get3A_228 = arith.constant 15 : i32
      %get3A_229 = arith.index_cast %get3A_228 : i32 to index
      %get3A_230 = arith.index_cast %mul3A_10 : i32 to index
      %get3A_231 = tpu.vector_load %arg5[%get3A_229, %get3A_230] {strides = array<i32>} : memref<64x1024xf32, #tpu.memory_space<vmem>>, vector<1x16xf32>,
      %get3A_232 = vector.shape_cast %get3A_231 : vector<1x16xf32> to vector<16xf32>
      %broadcast_in_dim3A_233 = arith.constant 15 : i32
      %broadcast_in_dim3A_234 = vector.broadcast %broadcast_in_dim3A_233 : i32 to vector<16xi32>
      %gt3A_235 = arith.cmpf ogt, %get3A_232, %select_n3A_224 : vector<16xf32>
      %gt3A_236 = arith.cmpf ogt, %get3A_232, %select_n3A_226 : vector<16xf32>
      %select_n3A_237 = arith.select %gt3A_235, %get3A_232, %select_n3A_224 : vector<16xi1>, vector<16xf32>
      %select_n3A_238 = arith.select %gt3A_235, %broadcast_in_dim3A_234, %select_n3A_225 : vector<16xi1>, vector<16xi32>
      %select_n3A_239 = arith.select %gt3A_236, %select_n3A_226, %select_n3A_237 : vector<16xi1>, vector<16xf32>
      %select_n3A_240 = arith.select %gt3A_236, %select_n3A_227, %select_n3A_238 : vector<16xi1>, vector<16xi32>
      %select_n3A_241 = arith.select %gt3A_236, %get3A_232, %select_n3A_226 : vector<16xi1>, vector<16xf32>
      %select_n3A_242 = arith.select %gt3A_236, %broadcast_in_dim3A_234, %select_n3A_227 : vector<16xi1>, vector<16xi32>
      %get3A_243 = arith.constant 16 : i32
      %get3A_244 = arith.index_cast %get3A_243 : i32 to index
      %get3A_245 = arith.index_cast %mul3A_10 : i32 to index
      %get3A_246 = tpu.vector_load %arg5[%get3A_244, %get3A_245] {strides = array<i32>} : memref<64x1024xf32, #tpu.memory_space<vmem>>, vector<1x16xf32>,
      %get3A_247 = vector.shape_cast %get3A_246 : vector<1x16xf32> to vector<16xf32>
      %broadcast_in_dim3A_248 = arith.constant 16 : i32
      %broadcast_in_dim3A_249 = vector.broadcast %broadcast_in_dim3A_248 : i32 to vector<16xi32>
      %gt3A_250 = arith.cmpf ogt, %get3A_247, %select_n3A_239 : vector<16xf32>
      %gt3A_251 = arith.cmpf ogt, %get3A_247, %select_n3A_241 : vector<16xf32>
      %select_n3A_252 = arith.select %gt3A_250, %get3A_247, %select_n3A_239 : vector<16xi1>, vector<16xf32>
      %select_n3A_253 = arith.select %gt3A_250, %broadcast_in_dim3A_249, %select_n3A_240 : vector<16xi1>, vector<16xi32>
      %select_n3A_254 = arith.select %gt3A_251, %select_n3A_241, %select_n3A_252 : vector<16xi1>, vector<16xf32>
      %select_n3A_255 = arith.select %gt3A_251, %select_n3A_242, %select_n3A_253 : vector<16xi1>, vector<16xi32>
      %select_n3A_256 = arith.select %gt3A_251, %get3A_247, %select_n3A_241 : vector<16xi1>, vector<16xf32>
      %select_n3A_257 = arith.select %gt3A_251, %broadcast_in_dim3A_249, %select_n3A_242 : vector<16xi1>, vector<16xi32>
      %get3A_258 = arith.constant 17 : i32
      %get3A_259 = arith.index_cast %get3A_258 : i32 to index
      %get3A_260 = arith.index_cast %mul3A_10 : i32 to index
      %get3A_261 = tpu.vector_load %arg5[%get3A_259, %get3A_260] {strides = array<i32>} : memref<64x1024xf32, #tpu.memory_space<vmem>>, vector<1x16xf32>,
      %get3A_262 = vector.shape_cast %get3A_261 : vector<1x16xf32> to vector<16xf32>
      %broadcast_in_dim3A_263 = arith.constant 17 : i32
      %broadcast_in_dim3A_264 = vector.broadcast %broadcast_in_dim3A_263 : i32 to vector<16xi32>
      %gt3A_265 = arith.cmpf ogt, %get3A_262, %select_n3A_254 : vector<16xf32>
      %gt3A_266 = arith.cmpf ogt, %get3A_262, %select_n3A_256 : vector<16xf32>
      %select_n3A_267 = arith.select %gt3A_265, %get3A_262, %select_n3A_254 : vector<16xi1>, vector<16xf32>
      %select_n3A_268 = arith.select %gt3A_265, %broadcast_in_dim3A_264, %select_n3A_255 : vector<16xi1>, vector<16xi32>
      %select_n3A_269 = arith.select %gt3A_266, %select_n3A_256, %select_n3A_267 : vector<16xi1>, vector<16xf32>
      %select_n3A_270 = arith.select %gt3A_266, %select_n3A_257, %select_n3A_268 : vector<16xi1>, vector<16xi32>
      %select_n3A_271 = arith.select %gt3A_266, %get3A_262, %select_n3A_256 : vector<16xi1>, vector<16xf32>
      %select_n3A_272 = arith.select %gt3A_266, %broadcast_in_dim3A_264, %select_n3A_257 : vector<16xi1>, vector<16xi32>
      %get3A_273 = arith.constant 18 : i32
      %get3A_274 = arith.index_cast %get3A_273 : i32 to index
      %get3A_275 = arith.index_cast %mul3A_10 : i32 to index
      %get3A_276 = tpu.vector_load %arg5[%get3A_274, %get3A_275] {strides = array<i32>} : memref<64x1024xf32, #tpu.memory_space<vmem>>, vector<1x16xf32>,
      %get3A_277 = vector.shape_cast %get3A_276 : vector<1x16xf32> to vector<16xf32>
      %broadcast_in_dim3A_278 = arith.constant 18 : i32
      %broadcast_in_dim3A_279 = vector.broadcast %broadcast_in_dim3A_278 : i32 to vector<16xi32>
      %gt3A_280 = arith.cmpf ogt, %get3A_277, %select_n3A_269 : vector<16xf32>
      %gt3A_281 = arith.cmpf ogt, %get3A_277, %select_n3A_271 : vector<16xf32>
      %select_n3A_282 = arith.select %gt3A_280, %get3A_277, %select_n3A_269 : vector<16xi1>, vector<16xf32>
      %select_n3A_283 = arith.select %gt3A_280, %broadcast_in_dim3A_279, %select_n3A_270 : vector<16xi1>, vector<16xi32>
      %select_n3A_284 = arith.select %gt3A_281, %select_n3A_271, %select_n3A_282 : vector<16xi1>, vector<16xf32>
      %select_n3A_285 = arith.select %gt3A_281, %select_n3A_272, %select_n3A_283 : vector<16xi1>, vector<16xi32>
      %select_n3A_286 = arith.select %gt3A_281, %get3A_277, %select_n3A_271 : vector<16xi1>, vector<16xf32>
      %select_n3A_287 = arith.select %gt3A_281, %broadcast_in_dim3A_279, %select_n3A_272 : vector<16xi1>, vector<16xi32>
      %get3A_288 = arith.constant 19 : i32
      %get3A_289 = arith.index_cast %get3A_288 : i32 to index
      %get3A_290 = arith.index_cast %mul3A_10 : i32 to index
      %get3A_291 = tpu.vector_load %arg5[%get3A_289, %get3A_290] {strides = array<i32>} : memref<64x1024xf32, #tpu.memory_space<vmem>>, vector<1x16xf32>,
      %get3A_292 = vector.shape_cast %get3A_291 : vector<1x16xf32> to vector<16xf32>
      %broadcast_in_dim3A_293 = arith.constant 19 : i32
      %broadcast_in_dim3A_294 = vector.broadcast %broadcast_in_dim3A_293 : i32 to vector<16xi32>
      %gt3A_295 = arith.cmpf ogt, %get3A_292, %select_n3A_284 : vector<16xf32>
      %gt3A_296 = arith.cmpf ogt, %get3A_292, %select_n3A_286 : vector<16xf32>
      %select_n3A_297 = arith.select %gt3A_295, %get3A_292, %select_n3A_284 : vector<16xi1>, vector<16xf32>
      %select_n3A_298 = arith.select %gt3A_295, %broadcast_in_dim3A_294, %select_n3A_285 : vector<16xi1>, vector<16xi32>
      %select_n3A_299 = arith.select %gt3A_296, %select_n3A_286, %select_n3A_297 : vector<16xi1>, vector<16xf32>
      %select_n3A_300 = arith.select %gt3A_296, %select_n3A_287, %select_n3A_298 : vector<16xi1>, vector<16xi32>
      %select_n3A_301 = arith.select %gt3A_296, %get3A_292, %select_n3A_286 : vector<16xi1>, vector<16xf32>
      %select_n3A_302 = arith.select %gt3A_296, %broadcast_in_dim3A_294, %select_n3A_287 : vector<16xi1>, vector<16xi32>
      %get3A_303 = arith.constant 20 : i32
      %get3A_304 = arith.index_cast %get3A_303 : i32 to index
      %get3A_305 = arith.index_cast %mul3A_10 : i32 to index
      %get3A_306 = tpu.vector_load %arg5[%get3A_304, %get3A_305] {strides = array<i32>} : memref<64x1024xf32, #tpu.memory_space<vmem>>, vector<1x16xf32>,
      %get3A_307 = vector.shape_cast %get3A_306 : vector<1x16xf32> to vector<16xf32>
      %broadcast_in_dim3A_308 = arith.constant 20 : i32
      %broadcast_in_dim3A_309 = vector.broadcast %broadcast_in_dim3A_308 : i32 to vector<16xi32>
      %gt3A_310 = arith.cmpf ogt, %get3A_307, %select_n3A_299 : vector<16xf32>
      %gt3A_311 = arith.cmpf ogt, %get3A_307, %select_n3A_301 : vector<16xf32>
      %select_n3A_312 = arith.select %gt3A_310, %get3A_307, %select_n3A_299 : vector<16xi1>, vector<16xf32>
      %select_n3A_313 = arith.select %gt3A_310, %broadcast_in_dim3A_309, %select_n3A_300 : vector<16xi1>, vector<16xi32>
      %select_n3A_314 = arith.select %gt3A_311, %select_n3A_301, %select_n3A_312 : vector<16xi1>, vector<16xf32>
      %select_n3A_315 = arith.select %gt3A_311, %select_n3A_302, %select_n3A_313 : vector<16xi1>, vector<16xi32>
      %select_n3A_316 = arith.select %gt3A_311, %get3A_307, %select_n3A_301 : vector<16xi1>, vector<16xf32>
      %select_n3A_317 = arith.select %gt3A_311, %broadcast_in_dim3A_309, %select_n3A_302 : vector<16xi1>, vector<16xi32>
      %get3A_318 = arith.constant 21 : i32
      %get3A_319 = arith.index_cast %get3A_318 : i32 to index
      %get3A_320 = arith.index_cast %mul3A_10 : i32 to index
      %get3A_321 = tpu.vector_load %arg5[%get3A_319, %get3A_320] {strides = array<i32>} : memref<64x1024xf32, #tpu.memory_space<vmem>>, vector<1x16xf32>,
      %get3A_322 = vector.shape_cast %get3A_321 : vector<1x16xf32> to vector<16xf32>
      %broadcast_in_dim3A_323 = arith.constant 21 : i32
      %broadcast_in_dim3A_324 = vector.broadcast %broadcast_in_dim3A_323 : i32 to vector<16xi32>
      %gt3A_325 = arith.cmpf ogt, %get3A_322, %select_n3A_314 : vector<16xf32>
      %gt3A_326 = arith.cmpf ogt, %get3A_322, %select_n3A_316 : vector<16xf32>
      %select_n3A_327 = arith.select %gt3A_325, %get3A_322, %select_n3A_314 : vector<16xi1>, vector<16xf32>
      %select_n3A_328 = arith.select %gt3A_325, %broadcast_in_dim3A_324, %select_n3A_315 : vector<16xi1>, vector<16xi32>
      %select_n3A_329 = arith.select %gt3A_326, %select_n3A_316, %select_n3A_327 : vector<16xi1>, vector<16xf32>
      %select_n3A_330 = arith.select %gt3A_326, %select_n3A_317, %select_n3A_328 : vector<16xi1>, vector<16xi32>
      %select_n3A_331 = arith.select %gt3A_326, %get3A_322, %select_n3A_316 : vector<16xi1>, vector<16xf32>
      %select_n3A_332 = arith.select %gt3A_326, %broadcast_in_dim3A_324, %select_n3A_317 : vector<16xi1>, vector<16xi32>
      %get3A_333 = arith.constant 22 : i32
      %get3A_334 = arith.index_cast %get3A_333 : i32 to index
      %get3A_335 = arith.index_cast %mul3A_10 : i32 to index
      %get3A_336 = tpu.vector_load %arg5[%get3A_334, %get3A_335] {strides = array<i32>} : memref<64x1024xf32, #tpu.memory_space<vmem>>, vector<1x16xf32>,
      %get3A_337 = vector.shape_cast %get3A_336 : vector<1x16xf32> to vector<16xf32>
      %broadcast_in_dim3A_338 = arith.constant 22 : i32
      %broadcast_in_dim3A_339 = vector.broadcast %broadcast_in_dim3A_338 : i32 to vector<16xi32>
      %gt3A_340 = arith.cmpf ogt, %get3A_337, %select_n3A_329 : vector<16xf32>
      %gt3A_341 = arith.cmpf ogt, %get3A_337, %select_n3A_331 : vector<16xf32>
      %select_n3A_342 = arith.select %gt3A_340, %get3A_337, %select_n3A_329 : vector<16xi1>, vector<16xf32>
      %select_n3A_343 = arith.select %gt3A_340, %broadcast_in_dim3A_339, %select_n3A_330 : vector<16xi1>, vector<16xi32>
      %select_n3A_344 = arith.select %gt3A_341, %select_n3A_331, %select_n3A_342 : vector<16xi1>, vector<16xf32>
      %select_n3A_345 = arith.select %gt3A_341, %select_n3A_332, %select_n3A_343 : vector<16xi1>, vector<16xi32>
      %select_n3A_346 = arith.select %gt3A_341, %get3A_337, %select_n3A_331 : vector<16xi1>, vector<16xf32>
      %select_n3A_347 = arith.select %gt3A_341, %broadcast_in_dim3A_339, %select_n3A_332 : vector<16xi1>, vector<16xi32>
      %get3A_348 = arith.constant 23 : i32
      %get3A_349 = arith.index_cast %get3A_348 : i32 to index
      %get3A_350 = arith.index_cast %mul3A_10 : i32 to index
      %get3A_351 = tpu.vector_load %arg5[%get3A_349, %get3A_350] {strides = array<i32>} : memref<64x1024xf32, #tpu.memory_space<vmem>>, vector<1x16xf32>,
      %get3A_352 = vector.shape_cast %get3A_351 : vector<1x16xf32> to vector<16xf32>
      %broadcast_in_dim3A_353 = arith.constant 23 : i32
      %broadcast_in_dim3A_354 = vector.broadcast %broadcast_in_dim3A_353 : i32 to vector<16xi32>
      %gt3A_355 = arith.cmpf ogt, %get3A_352, %select_n3A_344 : vector<16xf32>
      %gt3A_356 = arith.cmpf ogt, %get3A_352, %select_n3A_346 : vector<16xf32>
      %select_n3A_357 = arith.select %gt3A_355, %get3A_352, %select_n3A_344 : vector<16xi1>, vector<16xf32>
      %select_n3A_358 = arith.select %gt3A_355, %broadcast_in_dim3A_354, %select_n3A_345 : vector<16xi1>, vector<16xi32>
      %select_n3A_359 = arith.select %gt3A_356, %select_n3A_346, %select_n3A_357 : vector<16xi1>, vector<16xf32>
      %select_n3A_360 = arith.select %gt3A_356, %select_n3A_347, %select_n3A_358 : vector<16xi1>, vector<16xi32>
      %select_n3A_361 = arith.select %gt3A_356, %get3A_352, %select_n3A_346 : vector<16xi1>, vector<16xf32>
      %select_n3A_362 = arith.select %gt3A_356, %broadcast_in_dim3A_354, %select_n3A_347 : vector<16xi1>, vector<16xi32>
      %get3A_363 = arith.constant 24 : i32
      %get3A_364 = arith.index_cast %get3A_363 : i32 to index
      %get3A_365 = arith.index_cast %mul3A_10 : i32 to index
      %get3A_366 = tpu.vector_load %arg5[%get3A_364, %get3A_365] {strides = array<i32>} : memref<64x1024xf32, #tpu.memory_space<vmem>>, vector<1x16xf32>,
      %get3A_367 = vector.shape_cast %get3A_366 : vector<1x16xf32> to vector<16xf32>
      %broadcast_in_dim3A_368 = arith.constant 24 : i32
      %broadcast_in_dim3A_369 = vector.broadcast %broadcast_in_dim3A_368 : i32 to vector<16xi32>
      %gt3A_370 = arith.cmpf ogt, %get3A_367, %select_n3A_359 : vector<16xf32>
      %gt3A_371 = arith.cmpf ogt, %get3A_367, %select_n3A_361 : vector<16xf32>
      %select_n3A_372 = arith.select %gt3A_370, %get3A_367, %select_n3A_359 : vector<16xi1>, vector<16xf32>
      %select_n3A_373 = arith.select %gt3A_370, %broadcast_in_dim3A_369, %select_n3A_360 : vector<16xi1>, vector<16xi32>
      %select_n3A_374 = arith.select %gt3A_371, %select_n3A_361, %select_n3A_372 : vector<16xi1>, vector<16xf32>
      %select_n3A_375 = arith.select %gt3A_371, %select_n3A_362, %select_n3A_373 : vector<16xi1>, vector<16xi32>
      %select_n3A_376 = arith.select %gt3A_371, %get3A_367, %select_n3A_361 : vector<16xi1>, vector<16xf32>
      %select_n3A_377 = arith.select %gt3A_371, %broadcast_in_dim3A_369, %select_n3A_362 : vector<16xi1>, vector<16xi32>
      %get3A_378 = arith.constant 25 : i32
      %get3A_379 = arith.index_cast %get3A_378 : i32 to index
      %get3A_380 = arith.index_cast %mul3A_10 : i32 to index
      %get3A_381 = tpu.vector_load %arg5[%get3A_379, %get3A_380] {strides = array<i32>} : memref<64x1024xf32, #tpu.memory_space<vmem>>, vector<1x16xf32>,
      %get3A_382 = vector.shape_cast %get3A_381 : vector<1x16xf32> to vector<16xf32>
      %broadcast_in_dim3A_383 = arith.constant 25 : i32
      %broadcast_in_dim3A_384 = vector.broadcast %broadcast_in_dim3A_383 : i32 to vector<16xi32>
      %gt3A_385 = arith.cmpf ogt, %get3A_382, %select_n3A_374 : vector<16xf32>
      %gt3A_386 = arith.cmpf ogt, %get3A_382, %select_n3A_376 : vector<16xf32>
      %select_n3A_387 = arith.select %gt3A_385, %get3A_382, %select_n3A_374 : vector<16xi1>, vector<16xf32>
      %select_n3A_388 = arith.select %gt3A_385, %broadcast_in_dim3A_384, %select_n3A_375 : vector<16xi1>, vector<16xi32>
      %select_n3A_389 = arith.select %gt3A_386, %select_n3A_376, %select_n3A_387 : vector<16xi1>, vector<16xf32>
      %select_n3A_390 = arith.select %gt3A_386, %select_n3A_377, %select_n3A_388 : vector<16xi1>, vector<16xi32>
      %select_n3A_391 = arith.select %gt3A_386, %get3A_382, %select_n3A_376 : vector<16xi1>, vector<16xf32>
      %select_n3A_392 = arith.select %gt3A_386, %broadcast_in_dim3A_384, %select_n3A_377 : vector<16xi1>, vector<16xi32>
      %get3A_393 = arith.constant 26 : i32
      %get3A_394 = arith.index_cast %get3A_393 : i32 to index
      %get3A_395 = arith.index_cast %mul3A_10 : i32 to index
      %get3A_396 = tpu.vector_load %arg5[%get3A_394, %get3A_395] {strides = array<i32>} : memref<64x1024xf32, #tpu.memory_space<vmem>>, vector<1x16xf32>,
      %get3A_397 = vector.shape_cast %get3A_396 : vector<1x16xf32> to vector<16xf32>
      %broadcast_in_dim3A_398 = arith.constant 26 : i32
      %broadcast_in_dim3A_399 = vector.broadcast %broadcast_in_dim3A_398 : i32 to vector<16xi32>
      %gt3A_400 = arith.cmpf ogt, %get3A_397, %select_n3A_389 : vector<16xf32>
      %gt3A_401 = arith.cmpf ogt, %get3A_397, %select_n3A_391 : vector<16xf32>
      %select_n3A_402 = arith.select %gt3A_400, %get3A_397, %select_n3A_389 : vector<16xi1>, vector<16xf32>
      %select_n3A_403 = arith.select %gt3A_400, %broadcast_in_dim3A_399, %select_n3A_390 : vector<16xi1>, vector<16xi32>
      %select_n3A_404 = arith.select %gt3A_401, %select_n3A_391, %select_n3A_402 : vector<16xi1>, vector<16xf32>
      %select_n3A_405 = arith.select %gt3A_401, %select_n3A_392, %select_n3A_403 : vector<16xi1>, vector<16xi32>
      %select_n3A_406 = arith.select %gt3A_401, %get3A_397, %select_n3A_391 : vector<16xi1>, vector<16xf32>
      %select_n3A_407 = arith.select %gt3A_401, %broadcast_in_dim3A_399, %select_n3A_392 : vector<16xi1>, vector<16xi32>
      %get3A_408 = arith.constant 27 : i32
      %get3A_409 = arith.index_cast %get3A_408 : i32 to index
      %get3A_410 = arith.index_cast %mul3A_10 : i32 to index
      %get3A_411 = tpu.vector_load %arg5[%get3A_409, %get3A_410] {strides = array<i32>} : memref<64x1024xf32, #tpu.memory_space<vmem>>, vector<1x16xf32>,
      %get3A_412 = vector.shape_cast %get3A_411 : vector<1x16xf32> to vector<16xf32>
      %broadcast_in_dim3A_413 = arith.constant 27 : i32
      %broadcast_in_dim3A_414 = vector.broadcast %broadcast_in_dim3A_413 : i32 to vector<16xi32>
      %gt3A_415 = arith.cmpf ogt, %get3A_412, %select_n3A_404 : vector<16xf32>
      %gt3A_416 = arith.cmpf ogt, %get3A_412, %select_n3A_406 : vector<16xf32>
      %select_n3A_417 = arith.select %gt3A_415, %get3A_412, %select_n3A_404 : vector<16xi1>, vector<16xf32>
      %select_n3A_418 = arith.select %gt3A_415, %broadcast_in_dim3A_414, %select_n3A_405 : vector<16xi1>, vector<16xi32>
      %select_n3A_419 = arith.select %gt3A_416, %select_n3A_406, %select_n3A_417 : vector<16xi1>, vector<16xf32>
      %select_n3A_420 = arith.select %gt3A_416, %select_n3A_407, %select_n3A_418 : vector<16xi1>, vector<16xi32>
      %select_n3A_421 = arith.select %gt3A_416, %get3A_412, %select_n3A_406 : vector<16xi1>, vector<16xf32>
      %select_n3A_422 = arith.select %gt3A_416, %broadcast_in_dim3A_414, %select_n3A_407 : vector<16xi1>, vector<16xi32>
      %get3A_423 = arith.constant 28 : i32
      %get3A_424 = arith.index_cast %get3A_423 : i32 to index
      %get3A_425 = arith.index_cast %mul3A_10 : i32 to index
      %get3A_426 = tpu.vector_load %arg5[%get3A_424, %get3A_425] {strides = array<i32>} : memref<64x1024xf32, #tpu.memory_space<vmem>>, vector<1x16xf32>,
      %get3A_427 = vector.shape_cast %get3A_426 : vector<1x16xf32> to vector<16xf32>
      %broadcast_in_dim3A_428 = arith.constant 28 : i32
      %broadcast_in_dim3A_429 = vector.broadcast %broadcast_in_dim3A_428 : i32 to vector<16xi32>
      %gt3A_430 = arith.cmpf ogt, %get3A_427, %select_n3A_419 : vector<16xf32>
      %gt3A_431 = arith.cmpf ogt, %get3A_427, %select_n3A_421 : vector<16xf32>
      %select_n3A_432 = arith.select %gt3A_430, %get3A_427, %select_n3A_419 : vector<16xi1>, vector<16xf32>
      %select_n3A_433 = arith.select %gt3A_430, %broadcast_in_dim3A_429, %select_n3A_420 : vector<16xi1>, vector<16xi32>
      %select_n3A_434 = arith.select %gt3A_431, %select_n3A_421, %select_n3A_432 : vector<16xi1>, vector<16xf32>
      %select_n3A_435 = arith.select %gt3A_431, %select_n3A_422, %select_n3A_433 : vector<16xi1>, vector<16xi32>
      %select_n3A_436 = arith.select %gt3A_431, %get3A_427, %select_n3A_421 : vector<16xi1>, vector<16xf32>
      %select_n3A_437 = arith.select %gt3A_431, %broadcast_in_dim3A_429, %select_n3A_422 : vector<16xi1>, vector<16xi32>
      %get3A_438 = arith.constant 29 : i32
      %get3A_439 = arith.index_cast %get3A_438 : i32 to index
      %get3A_440 = arith.index_cast %mul3A_10 : i32 to index
      %get3A_441 = tpu.vector_load %arg5[%get3A_439, %get3A_440] {strides = array<i32>} : memref<64x1024xf32, #tpu.memory_space<vmem>>, vector<1x16xf32>,
      %get3A_442 = vector.shape_cast %get3A_441 : vector<1x16xf32> to vector<16xf32>
      %broadcast_in_dim3A_443 = arith.constant 29 : i32
      %broadcast_in_dim3A_444 = vector.broadcast %broadcast_in_dim3A_443 : i32 to vector<16xi32>
      %gt3A_445 = arith.cmpf ogt, %get3A_442, %select_n3A_434 : vector<16xf32>
      %gt3A_446 = arith.cmpf ogt, %get3A_442, %select_n3A_436 : vector<16xf32>
      %select_n3A_447 = arith.select %gt3A_445, %get3A_442, %select_n3A_434 : vector<16xi1>, vector<16xf32>
      %select_n3A_448 = arith.select %gt3A_445, %broadcast_in_dim3A_444, %select_n3A_435 : vector<16xi1>, vector<16xi32>
      %select_n3A_449 = arith.select %gt3A_446, %select_n3A_436, %select_n3A_447 : vector<16xi1>, vector<16xf32>
      %select_n3A_450 = arith.select %gt3A_446, %select_n3A_437, %select_n3A_448 : vector<16xi1>, vector<16xi32>
      %select_n3A_451 = arith.select %gt3A_446, %get3A_442, %select_n3A_436 : vector<16xi1>, vector<16xf32>
      %select_n3A_452 = arith.select %gt3A_446, %broadcast_in_dim3A_444, %select_n3A_437 : vector<16xi1>, vector<16xi32>
      %get3A_453 = arith.constant 30 : i32
      %get3A_454 = arith.index_cast %get3A_453 : i32 to index
      %get3A_455 = arith.index_cast %mul3A_10 : i32 to index
      %get3A_456 = tpu.vector_load %arg5[%get3A_454, %get3A_455] {strides = array<i32>} : memref<64x1024xf32, #tpu.memory_space<vmem>>, vector<1x16xf32>,
      %get3A_457 = vector.shape_cast %get3A_456 : vector<1x16xf32> to vector<16xf32>
      %broadcast_in_dim3A_458 = arith.constant 30 : i32
      %broadcast_in_dim3A_459 = vector.broadcast %broadcast_in_dim3A_458 : i32 to vector<16xi32>
      %gt3A_460 = arith.cmpf ogt, %get3A_457, %select_n3A_449 : vector<16xf32>
      %gt3A_461 = arith.cmpf ogt, %get3A_457, %select_n3A_451 : vector<16xf32>
      %select_n3A_462 = arith.select %gt3A_460, %get3A_457, %select_n3A_449 : vector<16xi1>, vector<16xf32>
      %select_n3A_463 = arith.select %gt3A_460, %broadcast_in_dim3A_459, %select_n3A_450 : vector<16xi1>, vector<16xi32>
      %select_n3A_464 = arith.select %gt3A_461, %select_n3A_451, %select_n3A_462 : vector<16xi1>, vector<16xf32>
      %select_n3A_465 = arith.select %gt3A_461, %select_n3A_452, %select_n3A_463 : vector<16xi1>, vector<16xi32>
      %select_n3A_466 = arith.select %gt3A_461, %get3A_457, %select_n3A_451 : vector<16xi1>, vector<16xf32>
      %select_n3A_467 = arith.select %gt3A_461, %broadcast_in_dim3A_459, %select_n3A_452 : vector<16xi1>, vector<16xi32>
      %get3A_468 = arith.constant 31 : i32
      %get3A_469 = arith.index_cast %get3A_468 : i32 to index
      %get3A_470 = arith.index_cast %mul3A_10 : i32 to index
      %get3A_471 = tpu.vector_load %arg5[%get3A_469, %get3A_470] {strides = array<i32>} : memref<64x1024xf32, #tpu.memory_space<vmem>>, vector<1x16xf32>,
      %get3A_472 = vector.shape_cast %get3A_471 : vector<1x16xf32> to vector<16xf32>
      %broadcast_in_dim3A_473 = arith.constant 31 : i32
      %broadcast_in_dim3A_474 = vector.broadcast %broadcast_in_dim3A_473 : i32 to vector<16xi32>
      %gt3A_475 = arith.cmpf ogt, %get3A_472, %select_n3A_464 : vector<16xf32>
      %gt3A_476 = arith.cmpf ogt, %get3A_472, %select_n3A_466 : vector<16xf32>
      %select_n3A_477 = arith.select %gt3A_475, %get3A_472, %select_n3A_464 : vector<16xi1>, vector<16xf32>
      %select_n3A_478 = arith.select %gt3A_475, %broadcast_in_dim3A_474, %select_n3A_465 : vector<16xi1>, vector<16xi32>
      %select_n3A_479 = arith.select %gt3A_476, %select_n3A_466, %select_n3A_477 : vector<16xi1>, vector<16xf32>
      %select_n3A_480 = arith.select %gt3A_476, %select_n3A_467, %select_n3A_478 : vector<16xi1>, vector<16xi32>
      %select_n3A_481 = arith.select %gt3A_476, %get3A_472, %select_n3A_466 : vector<16xi1>, vector<16xf32>
      %select_n3A_482 = arith.select %gt3A_476, %broadcast_in_dim3A_474, %select_n3A_467 : vector<16xi1>, vector<16xi32>
      %get3A_483 = arith.constant 32 : i32
      %get3A_484 = arith.index_cast %get3A_483 : i32 to index
      %get3A_485 = arith.index_cast %mul3A_10 : i32 to index
      %get3A_486 = tpu.vector_load %arg5[%get3A_484, %get3A_485] {strides = array<i32>} : memref<64x1024xf32, #tpu.memory_space<vmem>>, vector<1x16xf32>,
      %get3A_487 = vector.shape_cast %get3A_486 : vector<1x16xf32> to vector<16xf32>
      %broadcast_in_dim3A_488 = arith.constant 32 : i32
      %broadcast_in_dim3A_489 = vector.broadcast %broadcast_in_dim3A_488 : i32 to vector<16xi32>
      %gt3A_490 = arith.cmpf ogt, %get3A_487, %select_n3A_479 : vector<16xf32>
      %gt3A_491 = arith.cmpf ogt, %get3A_487, %select_n3A_481 : vector<16xf32>
      %select_n3A_492 = arith.select %gt3A_490, %get3A_487, %select_n3A_479 : vector<16xi1>, vector<16xf32>
      %select_n3A_493 = arith.select %gt3A_490, %broadcast_in_dim3A_489, %select_n3A_480 : vector<16xi1>, vector<16xi32>
      %select_n3A_494 = arith.select %gt3A_491, %select_n3A_481, %select_n3A_492 : vector<16xi1>, vector<16xf32>
      %select_n3A_495 = arith.select %gt3A_491, %select_n3A_482, %select_n3A_493 : vector<16xi1>, vector<16xi32>
      %select_n3A_496 = arith.select %gt3A_491, %get3A_487, %select_n3A_481 : vector<16xi1>, vector<16xf32>
      %select_n3A_497 = arith.select %gt3A_491, %broadcast_in_dim3A_489, %select_n3A_482 : vector<16xi1>, vector<16xi32>
      %get3A_498 = arith.constant 33 : i32
      %get3A_499 = arith.index_cast %get3A_498 : i32 to index
      %get3A_500 = arith.index_cast %mul3A_10 : i32 to index
      %get3A_501 = tpu.vector_load %arg5[%get3A_499, %get3A_500] {strides = array<i32>} : memref<64x1024xf32, #tpu.memory_space<vmem>>, vector<1x16xf32>,
      %get3A_502 = vector.shape_cast %get3A_501 : vector<1x16xf32> to vector<16xf32>
      %broadcast_in_dim3A_503 = arith.constant 33 : i32
      %broadcast_in_dim3A_504 = vector.broadcast %broadcast_in_dim3A_503 : i32 to vector<16xi32>
      %gt3A_505 = arith.cmpf ogt, %get3A_502, %select_n3A_494 : vector<16xf32>
      %gt3A_506 = arith.cmpf ogt, %get3A_502, %select_n3A_496 : vector<16xf32>
      %select_n3A_507 = arith.select %gt3A_505, %get3A_502, %select_n3A_494 : vector<16xi1>, vector<16xf32>
      %select_n3A_508 = arith.select %gt3A_505, %broadcast_in_dim3A_504, %select_n3A_495 : vector<16xi1>, vector<16xi32>
      %select_n3A_509 = arith.select %gt3A_506, %select_n3A_496, %select_n3A_507 : vector<16xi1>, vector<16xf32>
      %select_n3A_510 = arith.select %gt3A_506, %select_n3A_497, %select_n3A_508 : vector<16xi1>, vector<16xi32>
      %select_n3A_511 = arith.select %gt3A_506, %get3A_502, %select_n3A_496 : vector<16xi1>, vector<16xf32>
      %select_n3A_512 = arith.select %gt3A_506, %broadcast_in_dim3A_504, %select_n3A_497 : vector<16xi1>, vector<16xi32>
      %get3A_513 = arith.constant 34 : i32
      %get3A_514 = arith.index_cast %get3A_513 : i32 to index
      %get3A_515 = arith.index_cast %mul3A_10 : i32 to index
      %get3A_516 = tpu.vector_load %arg5[%get3A_514, %get3A_515] {strides = array<i32>} : memref<64x1024xf32, #tpu.memory_space<vmem>>, vector<1x16xf32>,
      %get3A_517 = vector.shape_cast %get3A_516 : vector<1x16xf32> to vector<16xf32>
      %broadcast_in_dim3A_518 = arith.constant 34 : i32
      %broadcast_in_dim3A_519 = vector.broadcast %broadcast_in_dim3A_518 : i32 to vector<16xi32>
      %gt3A_520 = arith.cmpf ogt, %get3A_517, %select_n3A_509 : vector<16xf32>
      %gt3A_521 = arith.cmpf ogt, %get3A_517, %select_n3A_511 : vector<16xf32>
      %select_n3A_522 = arith.select %gt3A_520, %get3A_517, %select_n3A_509 : vector<16xi1>, vector<16xf32>
      %select_n3A_523 = arith.select %gt3A_520, %broadcast_in_dim3A_519, %select_n3A_510 : vector<16xi1>, vector<16xi32>
      %select_n3A_524 = arith.select %gt3A_521, %select_n3A_511, %select_n3A_522 : vector<16xi1>, vector<16xf32>
      %select_n3A_525 = arith.select %gt3A_521, %select_n3A_512, %select_n3A_523 : vector<16xi1>, vector<16xi32>
      %select_n3A_526 = arith.select %gt3A_521, %get3A_517, %select_n3A_511 : vector<16xi1>, vector<16xf32>
      %select_n3A_527 = arith.select %gt3A_521, %broadcast_in_dim3A_519, %select_n3A_512 : vector<16xi1>, vector<16xi32>
      %get3A_528 = arith.constant 35 : i32
      %get3A_529 = arith.index_cast %get3A_528 : i32 to index
      %get3A_530 = arith.index_cast %mul3A_10 : i32 to index
      %get3A_531 = tpu.vector_load %arg5[%get3A_529, %get3A_530] {strides = array<i32>} : memref<64x1024xf32, #tpu.memory_space<vmem>>, vector<1x16xf32>,
      %get3A_532 = vector.shape_cast %get3A_531 : vector<1x16xf32> to vector<16xf32>
      %broadcast_in_dim3A_533 = arith.constant 35 : i32
      %broadcast_in_dim3A_534 = vector.broadcast %broadcast_in_dim3A_533 : i32 to vector<16xi32>
      %gt3A_535 = arith.cmpf ogt, %get3A_532, %select_n3A_524 : vector<16xf32>
      %gt3A_536 = arith.cmpf ogt, %get3A_532, %select_n3A_526 : vector<16xf32>
      %select_n3A_537 = arith.select %gt3A_535, %get3A_532, %select_n3A_524 : vector<16xi1>, vector<16xf32>
      %select_n3A_538 = arith.select %gt3A_535, %broadcast_in_dim3A_534, %select_n3A_525 : vector<16xi1>, vector<16xi32>
      %select_n3A_539 = arith.select %gt3A_536, %select_n3A_526, %select_n3A_537 : vector<16xi1>, vector<16xf32>
      %select_n3A_540 = arith.select %gt3A_536, %select_n3A_527, %select_n3A_538 : vector<16xi1>, vector<16xi32>
      %select_n3A_541 = arith.select %gt3A_536, %get3A_532, %select_n3A_526 : vector<16xi1>, vector<16xf32>
      %select_n3A_542 = arith.select %gt3A_536, %broadcast_in_dim3A_534, %select_n3A_527 : vector<16xi1>, vector<16xi32>
      %get3A_543 = arith.constant 36 : i32
      %get3A_544 = arith.index_cast %get3A_543 : i32 to index
      %get3A_545 = arith.index_cast %mul3A_10 : i32 to index
      %get3A_546 = tpu.vector_load %arg5[%get3A_544, %get3A_545] {strides = array<i32>} : memref<64x1024xf32, #tpu.memory_space<vmem>>, vector<1x16xf32>,
      %get3A_547 = vector.shape_cast %get3A_546 : vector<1x16xf32> to vector<16xf32>
      %broadcast_in_dim3A_548 = arith.constant 36 : i32
      %broadcast_in_dim3A_549 = vector.broadcast %broadcast_in_dim3A_548 : i32 to vector<16xi32>
      %gt3A_550 = arith.cmpf ogt, %get3A_547, %select_n3A_539 : vector<16xf32>
      %gt3A_551 = arith.cmpf ogt, %get3A_547, %select_n3A_541 : vector<16xf32>
      %select_n3A_552 = arith.select %gt3A_550, %get3A_547, %select_n3A_539 : vector<16xi1>, vector<16xf32>
      %select_n3A_553 = arith.select %gt3A_550, %broadcast_in_dim3A_549, %select_n3A_540 : vector<16xi1>, vector<16xi32>
      %select_n3A_554 = arith.select %gt3A_551, %select_n3A_541, %select_n3A_552 : vector<16xi1>, vector<16xf32>
      %select_n3A_555 = arith.select %gt3A_551, %select_n3A_542, %select_n3A_553 : vector<16xi1>, vector<16xi32>
      %select_n3A_556 = arith.select %gt3A_551, %get3A_547, %select_n3A_541 : vector<16xi1>, vector<16xf32>
      %select_n3A_557 = arith.select %gt3A_551, %broadcast_in_dim3A_549, %select_n3A_542 : vector<16xi1>, vector<16xi32>
      %get3A_558 = arith.constant 37 : i32
      %get3A_559 = arith.index_cast %get3A_558 : i32 to index
      %get3A_560 = arith.index_cast %mul3A_10 : i32 to index
      %get3A_561 = tpu.vector_load %arg5[%get3A_559, %get3A_560] {strides = array<i32>} : memref<64x1024xf32, #tpu.memory_space<vmem>>, vector<1x16xf32>,
      %get3A_562 = vector.shape_cast %get3A_561 : vector<1x16xf32> to vector<16xf32>
      %broadcast_in_dim3A_563 = arith.constant 37 : i32
      %broadcast_in_dim3A_564 = vector.broadcast %broadcast_in_dim3A_563 : i32 to vector<16xi32>
      %gt3A_565 = arith.cmpf ogt, %get3A_562, %select_n3A_554 : vector<16xf32>
      %gt3A_566 = arith.cmpf ogt, %get3A_562, %select_n3A_556 : vector<16xf32>
      %select_n3A_567 = arith.select %gt3A_565, %get3A_562, %select_n3A_554 : vector<16xi1>, vector<16xf32>
      %select_n3A_568 = arith.select %gt3A_565, %broadcast_in_dim3A_564, %select_n3A_555 : vector<16xi1>, vector<16xi32>
      %select_n3A_569 = arith.select %gt3A_566, %select_n3A_556, %select_n3A_567 : vector<16xi1>, vector<16xf32>
      %select_n3A_570 = arith.select %gt3A_566, %select_n3A_557, %select_n3A_568 : vector<16xi1>, vector<16xi32>
      %select_n3A_571 = arith.select %gt3A_566, %get3A_562, %select_n3A_556 : vector<16xi1>, vector<16xf32>
      %select_n3A_572 = arith.select %gt3A_566, %broadcast_in_dim3A_564, %select_n3A_557 : vector<16xi1>, vector<16xi32>
      %get3A_573 = arith.constant 38 : i32
      %get3A_574 = arith.index_cast %get3A_573 : i32 to index
      %get3A_575 = arith.index_cast %mul3A_10 : i32 to index
      %get3A_576 = tpu.vector_load %arg5[%get3A_574, %get3A_575] {strides = array<i32>} : memref<64x1024xf32, #tpu.memory_space<vmem>>, vector<1x16xf32>,
      %get3A_577 = vector.shape_cast %get3A_576 : vector<1x16xf32> to vector<16xf32>
      %broadcast_in_dim3A_578 = arith.constant 38 : i32
      %broadcast_in_dim3A_579 = vector.broadcast %broadcast_in_dim3A_578 : i32 to vector<16xi32>
      %gt3A_580 = arith.cmpf ogt, %get3A_577, %select_n3A_569 : vector<16xf32>
      %gt3A_581 = arith.cmpf ogt, %get3A_577, %select_n3A_571 : vector<16xf32>
      %select_n3A_582 = arith.select %gt3A_580, %get3A_577, %select_n3A_569 : vector<16xi1>, vector<16xf32>
      %select_n3A_583 = arith.select %gt3A_580, %broadcast_in_dim3A_579, %select_n3A_570 : vector<16xi1>, vector<16xi32>
      %select_n3A_584 = arith.select %gt3A_581, %select_n3A_571, %select_n3A_582 : vector<16xi1>, vector<16xf32>
      %select_n3A_585 = arith.select %gt3A_581, %select_n3A_572, %select_n3A_583 : vector<16xi1>, vector<16xi32>
      %select_n3A_586 = arith.select %gt3A_581, %get3A_577, %select_n3A_571 : vector<16xi1>, vector<16xf32>
      %select_n3A_587 = arith.select %gt3A_581, %broadcast_in_dim3A_579, %select_n3A_572 : vector<16xi1>, vector<16xi32>
      %get3A_588 = arith.constant 39 : i32
      %get3A_589 = arith.index_cast %get3A_588 : i32 to index
      %get3A_590 = arith.index_cast %mul3A_10 : i32 to index
      %get3A_591 = tpu.vector_load %arg5[%get3A_589, %get3A_590] {strides = array<i32>} : memref<64x1024xf32, #tpu.memory_space<vmem>>, vector<1x16xf32>,
      %get3A_592 = vector.shape_cast %get3A_591 : vector<1x16xf32> to vector<16xf32>
      %broadcast_in_dim3A_593 = arith.constant 39 : i32
      %broadcast_in_dim3A_594 = vector.broadcast %broadcast_in_dim3A_593 : i32 to vector<16xi32>
      %gt3A_595 = arith.cmpf ogt, %get3A_592, %select_n3A_584 : vector<16xf32>
      %gt3A_596 = arith.cmpf ogt, %get3A_592, %select_n3A_586 : vector<16xf32>
      %select_n3A_597 = arith.select %gt3A_595, %get3A_592, %select_n3A_584 : vector<16xi1>, vector<16xf32>
      %select_n3A_598 = arith.select %gt3A_595, %broadcast_in_dim3A_594, %select_n3A_585 : vector<16xi1>, vector<16xi32>
      %select_n3A_599 = arith.select %gt3A_596, %select_n3A_586, %select_n3A_597 : vector<16xi1>, vector<16xf32>
      %select_n3A_600 = arith.select %gt3A_596, %select_n3A_587, %select_n3A_598 : vector<16xi1>, vector<16xi32>
      %select_n3A_601 = arith.select %gt3A_596, %get3A_592, %select_n3A_586 : vector<16xi1>, vector<16xf32>
      %select_n3A_602 = arith.select %gt3A_596, %broadcast_in_dim3A_594, %select_n3A_587 : vector<16xi1>, vector<16xi32>
      %get3A_603 = arith.constant 40 : i32
      %get3A_604 = arith.index_cast %get3A_603 : i32 to index
      %get3A_605 = arith.index_cast %mul3A_10 : i32 to index
      %get3A_606 = tpu.vector_load %arg5[%get3A_604, %get3A_605] {strides = array<i32>} : memref<64x1024xf32, #tpu.memory_space<vmem>>, vector<1x16xf32>,
      %get3A_607 = vector.shape_cast %get3A_606 : vector<1x16xf32> to vector<16xf32>
      %broadcast_in_dim3A_608 = arith.constant 40 : i32
      %broadcast_in_dim3A_609 = vector.broadcast %broadcast_in_dim3A_608 : i32 to vector<16xi32>
      %gt3A_610 = arith.cmpf ogt, %get3A_607, %select_n3A_599 : vector<16xf32>
      %gt3A_611 = arith.cmpf ogt, %get3A_607, %select_n3A_601 : vector<16xf32>
      %select_n3A_612 = arith.select %gt3A_610, %get3A_607, %select_n3A_599 : vector<16xi1>, vector<16xf32>
      %select_n3A_613 = arith.select %gt3A_610, %broadcast_in_dim3A_609, %select_n3A_600 : vector<16xi1>, vector<16xi32>
      %select_n3A_614 = arith.select %gt3A_611, %select_n3A_601, %select_n3A_612 : vector<16xi1>, vector<16xf32>
      %select_n3A_615 = arith.select %gt3A_611, %select_n3A_602, %select_n3A_613 : vector<16xi1>, vector<16xi32>
      %select_n3A_616 = arith.select %gt3A_611, %get3A_607, %select_n3A_601 : vector<16xi1>, vector<16xf32>
      %select_n3A_617 = arith.select %gt3A_611, %broadcast_in_dim3A_609, %select_n3A_602 : vector<16xi1>, vector<16xi32>
      %get3A_618 = arith.constant 41 : i32
      %get3A_619 = arith.index_cast %get3A_618 : i32 to index
      %get3A_620 = arith.index_cast %mul3A_10 : i32 to index
      %get3A_621 = tpu.vector_load %arg5[%get3A_619, %get3A_620] {strides = array<i32>} : memref<64x1024xf32, #tpu.memory_space<vmem>>, vector<1x16xf32>,
      %get3A_622 = vector.shape_cast %get3A_621 : vector<1x16xf32> to vector<16xf32>
      %broadcast_in_dim3A_623 = arith.constant 41 : i32
      %broadcast_in_dim3A_624 = vector.broadcast %broadcast_in_dim3A_623 : i32 to vector<16xi32>
      %gt3A_625 = arith.cmpf ogt, %get3A_622, %select_n3A_614 : vector<16xf32>
      %gt3A_626 = arith.cmpf ogt, %get3A_622, %select_n3A_616 : vector<16xf32>
      %select_n3A_627 = arith.select %gt3A_625, %get3A_622, %select_n3A_614 : vector<16xi1>, vector<16xf32>
      %select_n3A_628 = arith.select %gt3A_625, %broadcast_in_dim3A_624, %select_n3A_615 : vector<16xi1>, vector<16xi32>
      %select_n3A_629 = arith.select %gt3A_626, %select_n3A_616, %select_n3A_627 : vector<16xi1>, vector<16xf32>
      %select_n3A_630 = arith.select %gt3A_626, %select_n3A_617, %select_n3A_628 : vector<16xi1>, vector<16xi32>
      %select_n3A_631 = arith.select %gt3A_626, %get3A_622, %select_n3A_616 : vector<16xi1>, vector<16xf32>
      %select_n3A_632 = arith.select %gt3A_626, %broadcast_in_dim3A_624, %select_n3A_617 : vector<16xi1>, vector<16xi32>
      %get3A_633 = arith.constant 42 : i32
      %get3A_634 = arith.index_cast %get3A_633 : i32 to index
      %get3A_635 = arith.index_cast %mul3A_10 : i32 to index
      %get3A_636 = tpu.vector_load %arg5[%get3A_634, %get3A_635] {strides = array<i32>} : memref<64x1024xf32, #tpu.memory_space<vmem>>, vector<1x16xf32>,
      %get3A_637 = vector.shape_cast %get3A_636 : vector<1x16xf32> to vector<16xf32>
      %broadcast_in_dim3A_638 = arith.constant 42 : i32
      %broadcast_in_dim3A_639 = vector.broadcast %broadcast_in_dim3A_638 : i32 to vector<16xi32>
      %gt3A_640 = arith.cmpf ogt, %get3A_637, %select_n3A_629 : vector<16xf32>
      %gt3A_641 = arith.cmpf ogt, %get3A_637, %select_n3A_631 : vector<16xf32>
      %select_n3A_642 = arith.select %gt3A_640, %get3A_637, %select_n3A_629 : vector<16xi1>, vector<16xf32>
      %select_n3A_643 = arith.select %gt3A_640, %broadcast_in_dim3A_639, %select_n3A_630 : vector<16xi1>, vector<16xi32>
      %select_n3A_644 = arith.select %gt3A_641, %select_n3A_631, %select_n3A_642 : vector<16xi1>, vector<16xf32>
      %select_n3A_645 = arith.select %gt3A_641, %select_n3A_632, %select_n3A_643 : vector<16xi1>, vector<16xi32>
      %select_n3A_646 = arith.select %gt3A_641, %get3A_637, %select_n3A_631 : vector<16xi1>, vector<16xf32>
      %select_n3A_647 = arith.select %gt3A_641, %broadcast_in_dim3A_639, %select_n3A_632 : vector<16xi1>, vector<16xi32>
      %get3A_648 = arith.constant 43 : i32
      %get3A_649 = arith.index_cast %get3A_648 : i32 to index
      %get3A_650 = arith.index_cast %mul3A_10 : i32 to index
      %get3A_651 = tpu.vector_load %arg5[%get3A_649, %get3A_650] {strides = array<i32>} : memref<64x1024xf32, #tpu.memory_space<vmem>>, vector<1x16xf32>,
      %get3A_652 = vector.shape_cast %get3A_651 : vector<1x16xf32> to vector<16xf32>
      %broadcast_in_dim3A_653 = arith.constant 43 : i32
      %broadcast_in_dim3A_654 = vector.broadcast %broadcast_in_dim3A_653 : i32 to vector<16xi32>
      %gt3A_655 = arith.cmpf ogt, %get3A_652, %select_n3A_644 : vector<16xf32>
      %gt3A_656 = arith.cmpf ogt, %get3A_652, %select_n3A_646 : vector<16xf32>
      %select_n3A_657 = arith.select %gt3A_655, %get3A_652, %select_n3A_644 : vector<16xi1>, vector<16xf32>
      %select_n3A_658 = arith.select %gt3A_655, %broadcast_in_dim3A_654, %select_n3A_645 : vector<16xi1>, vector<16xi32>
      %select_n3A_659 = arith.select %gt3A_656, %select_n3A_646, %select_n3A_657 : vector<16xi1>, vector<16xf32>
      %select_n3A_660 = arith.select %gt3A_656, %select_n3A_647, %select_n3A_658 : vector<16xi1>, vector<16xi32>
      %select_n3A_661 = arith.select %gt3A_656, %get3A_652, %select_n3A_646 : vector<16xi1>, vector<16xf32>
      %select_n3A_662 = arith.select %gt3A_656, %broadcast_in_dim3A_654, %select_n3A_647 : vector<16xi1>, vector<16xi32>
      %get3A_663 = arith.constant 44 : i32
      %get3A_664 = arith.index_cast %get3A_663 : i32 to index
      %get3A_665 = arith.index_cast %mul3A_10 : i32 to index
      %get3A_666 = tpu.vector_load %arg5[%get3A_664, %get3A_665] {strides = array<i32>} : memref<64x1024xf32, #tpu.memory_space<vmem>>, vector<1x16xf32>,
      %get3A_667 = vector.shape_cast %get3A_666 : vector<1x16xf32> to vector<16xf32>
      %broadcast_in_dim3A_668 = arith.constant 44 : i32
      %broadcast_in_dim3A_669 = vector.broadcast %broadcast_in_dim3A_668 : i32 to vector<16xi32>
      %gt3A_670 = arith.cmpf ogt, %get3A_667, %select_n3A_659 : vector<16xf32>
      %gt3A_671 = arith.cmpf ogt, %get3A_667, %select_n3A_661 : vector<16xf32>
      %select_n3A_672 = arith.select %gt3A_670, %get3A_667, %select_n3A_659 : vector<16xi1>, vector<16xf32>
      %select_n3A_673 = arith.select %gt3A_670, %broadcast_in_dim3A_669, %select_n3A_660 : vector<16xi1>, vector<16xi32>
      %select_n3A_674 = arith.select %gt3A_671, %select_n3A_661, %select_n3A_672 : vector<16xi1>, vector<16xf32>
      %select_n3A_675 = arith.select %gt3A_671, %select_n3A_662, %select_n3A_673 : vector<16xi1>, vector<16xi32>
      %select_n3A_676 = arith.select %gt3A_671, %get3A_667, %select_n3A_661 : vector<16xi1>, vector<16xf32>
      %select_n3A_677 = arith.select %gt3A_671, %broadcast_in_dim3A_669, %select_n3A_662 : vector<16xi1>, vector<16xi32>
      %get3A_678 = arith.constant 45 : i32
      %get3A_679 = arith.index_cast %get3A_678 : i32 to index
      %get3A_680 = arith.index_cast %mul3A_10 : i32 to index
      %get3A_681 = tpu.vector_load %arg5[%get3A_679, %get3A_680] {strides = array<i32>} : memref<64x1024xf32, #tpu.memory_space<vmem>>, vector<1x16xf32>,
      %get3A_682 = vector.shape_cast %get3A_681 : vector<1x16xf32> to vector<16xf32>
      %broadcast_in_dim3A_683 = arith.constant 45 : i32
      %broadcast_in_dim3A_684 = vector.broadcast %broadcast_in_dim3A_683 : i32 to vector<16xi32>
      %gt3A_685 = arith.cmpf ogt, %get3A_682, %select_n3A_674 : vector<16xf32>
      %gt3A_686 = arith.cmpf ogt, %get3A_682, %select_n3A_676 : vector<16xf32>
      %select_n3A_687 = arith.select %gt3A_685, %get3A_682, %select_n3A_674 : vector<16xi1>, vector<16xf32>
      %select_n3A_688 = arith.select %gt3A_685, %broadcast_in_dim3A_684, %select_n3A_675 : vector<16xi1>, vector<16xi32>
      %select_n3A_689 = arith.select %gt3A_686, %select_n3A_676, %select_n3A_687 : vector<16xi1>, vector<16xf32>
      %select_n3A_690 = arith.select %gt3A_686, %select_n3A_677, %select_n3A_688 : vector<16xi1>, vector<16xi32>
      %select_n3A_691 = arith.select %gt3A_686, %get3A_682, %select_n3A_676 : vector<16xi1>, vector<16xf32>
      %select_n3A_692 = arith.select %gt3A_686, %broadcast_in_dim3A_684, %select_n3A_677 : vector<16xi1>, vector<16xi32>
      %get3A_693 = arith.constant 46 : i32
      %get3A_694 = arith.index_cast %get3A_693 : i32 to index
      %get3A_695 = arith.index_cast %mul3A_10 : i32 to index
      %get3A_696 = tpu.vector_load %arg5[%get3A_694, %get3A_695] {strides = array<i32>} : memref<64x1024xf32, #tpu.memory_space<vmem>>, vector<1x16xf32>,
      %get3A_697 = vector.shape_cast %get3A_696 : vector<1x16xf32> to vector<16xf32>
      %broadcast_in_dim3A_698 = arith.constant 46 : i32
      %broadcast_in_dim3A_699 = vector.broadcast %broadcast_in_dim3A_698 : i32 to vector<16xi32>
      %gt3A_700 = arith.cmpf ogt, %get3A_697, %select_n3A_689 : vector<16xf32>
      %gt3A_701 = arith.cmpf ogt, %get3A_697, %select_n3A_691 : vector<16xf32>
      %select_n3A_702 = arith.select %gt3A_700, %get3A_697, %select_n3A_689 : vector<16xi1>, vector<16xf32>
      %select_n3A_703 = arith.select %gt3A_700, %broadcast_in_dim3A_699, %select_n3A_690 : vector<16xi1>, vector<16xi32>
      %select_n3A_704 = arith.select %gt3A_701, %select_n3A_691, %select_n3A_702 : vector<16xi1>, vector<16xf32>
      %select_n3A_705 = arith.select %gt3A_701, %select_n3A_692, %select_n3A_703 : vector<16xi1>, vector<16xi32>
      %select_n3A_706 = arith.select %gt3A_701, %get3A_697, %select_n3A_691 : vector<16xi1>, vector<16xf32>
      %select_n3A_707 = arith.select %gt3A_701, %broadcast_in_dim3A_699, %select_n3A_692 : vector<16xi1>, vector<16xi32>
      %get3A_708 = arith.constant 47 : i32
      %get3A_709 = arith.index_cast %get3A_708 : i32 to index
      %get3A_710 = arith.index_cast %mul3A_10 : i32 to index
      %get3A_711 = tpu.vector_load %arg5[%get3A_709, %get3A_710] {strides = array<i32>} : memref<64x1024xf32, #tpu.memory_space<vmem>>, vector<1x16xf32>,
      %get3A_712 = vector.shape_cast %get3A_711 : vector<1x16xf32> to vector<16xf32>
      %broadcast_in_dim3A_713 = arith.constant 47 : i32
      %broadcast_in_dim3A_714 = vector.broadcast %broadcast_in_dim3A_713 : i32 to vector<16xi32>
      %gt3A_715 = arith.cmpf ogt, %get3A_712, %select_n3A_704 : vector<16xf32>
      %gt3A_716 = arith.cmpf ogt, %get3A_712, %select_n3A_706 : vector<16xf32>
      %select_n3A_717 = arith.select %gt3A_715, %get3A_712, %select_n3A_704 : vector<16xi1>, vector<16xf32>
      %select_n3A_718 = arith.select %gt3A_715, %broadcast_in_dim3A_714, %select_n3A_705 : vector<16xi1>, vector<16xi32>
      %select_n3A_719 = arith.select %gt3A_716, %select_n3A_706, %select_n3A_717 : vector<16xi1>, vector<16xf32>
      %select_n3A_720 = arith.select %gt3A_716, %select_n3A_707, %select_n3A_718 : vector<16xi1>, vector<16xi32>
      %select_n3A_721 = arith.select %gt3A_716, %get3A_712, %select_n3A_706 : vector<16xi1>, vector<16xf32>
      %select_n3A_722 = arith.select %gt3A_716, %broadcast_in_dim3A_714, %select_n3A_707 : vector<16xi1>, vector<16xi32>
      %get3A_723 = arith.constant 48 : i32
      %get3A_724 = arith.index_cast %get3A_723 : i32 to index
      %get3A_725 = arith.index_cast %mul3A_10 : i32 to index
      %get3A_726 = tpu.vector_load %arg5[%get3A_724, %get3A_725] {strides = array<i32>} : memref<64x1024xf32, #tpu.memory_space<vmem>>, vector<1x16xf32>,
      %get3A_727 = vector.shape_cast %get3A_726 : vector<1x16xf32> to vector<16xf32>
      %broadcast_in_dim3A_728 = arith.constant 48 : i32
      %broadcast_in_dim3A_729 = vector.broadcast %broadcast_in_dim3A_728 : i32 to vector<16xi32>
      %gt3A_730 = arith.cmpf ogt, %get3A_727, %select_n3A_719 : vector<16xf32>
      %gt3A_731 = arith.cmpf ogt, %get3A_727, %select_n3A_721 : vector<16xf32>
      %select_n3A_732 = arith.select %gt3A_730, %get3A_727, %select_n3A_719 : vector<16xi1>, vector<16xf32>
      %select_n3A_733 = arith.select %gt3A_730, %broadcast_in_dim3A_729, %select_n3A_720 : vector<16xi1>, vector<16xi32>
      %select_n3A_734 = arith.select %gt3A_731, %select_n3A_721, %select_n3A_732 : vector<16xi1>, vector<16xf32>
      %select_n3A_735 = arith.select %gt3A_731, %select_n3A_722, %select_n3A_733 : vector<16xi1>, vector<16xi32>
      %select_n3A_736 = arith.select %gt3A_731, %get3A_727, %select_n3A_721 : vector<16xi1>, vector<16xf32>
      %select_n3A_737 = arith.select %gt3A_731, %broadcast_in_dim3A_729, %select_n3A_722 : vector<16xi1>, vector<16xi32>
      %get3A_738 = arith.constant 49 : i32
      %get3A_739 = arith.index_cast %get3A_738 : i32 to index
      %get3A_740 = arith.index_cast %mul3A_10 : i32 to index
      %get3A_741 = tpu.vector_load %arg5[%get3A_739, %get3A_740] {strides = array<i32>} : memref<64x1024xf32, #tpu.memory_space<vmem>>, vector<1x16xf32>,
      %get3A_742 = vector.shape_cast %get3A_741 : vector<1x16xf32> to vector<16xf32>
      %broadcast_in_dim3A_743 = arith.constant 49 : i32
      %broadcast_in_dim3A_744 = vector.broadcast %broadcast_in_dim3A_743 : i32 to vector<16xi32>
      %gt3A_745 = arith.cmpf ogt, %get3A_742, %select_n3A_734 : vector<16xf32>
      %gt3A_746 = arith.cmpf ogt, %get3A_742, %select_n3A_736 : vector<16xf32>
      %select_n3A_747 = arith.select %gt3A_745, %get3A_742, %select_n3A_734 : vector<16xi1>, vector<16xf32>
      %select_n3A_748 = arith.select %gt3A_745, %broadcast_in_dim3A_744, %select_n3A_735 : vector<16xi1>, vector<16xi32>
      %select_n3A_749 = arith.select %gt3A_746, %select_n3A_736, %select_n3A_747 : vector<16xi1>, vector<16xf32>
      %select_n3A_750 = arith.select %gt3A_746, %select_n3A_737, %select_n3A_748 : vector<16xi1>, vector<16xi32>
      %select_n3A_751 = arith.select %gt3A_746, %get3A_742, %select_n3A_736 : vector<16xi1>, vector<16xf32>
      %select_n3A_752 = arith.select %gt3A_746, %broadcast_in_dim3A_744, %select_n3A_737 : vector<16xi1>, vector<16xi32>
      %get3A_753 = arith.constant 50 : i32
      %get3A_754 = arith.index_cast %get3A_753 : i32 to index
      %get3A_755 = arith.index_cast %mul3A_10 : i32 to index
      %get3A_756 = tpu.vector_load %arg5[%get3A_754, %get3A_755] {strides = array<i32>} : memref<64x1024xf32, #tpu.memory_space<vmem>>, vector<1x16xf32>,
      %get3A_757 = vector.shape_cast %get3A_756 : vector<1x16xf32> to vector<16xf32>
      %broadcast_in_dim3A_758 = arith.constant 50 : i32
      %broadcast_in_dim3A_759 = vector.broadcast %broadcast_in_dim3A_758 : i32 to vector<16xi32>
      %gt3A_760 = arith.cmpf ogt, %get3A_757, %select_n3A_749 : vector<16xf32>
      %gt3A_761 = arith.cmpf ogt, %get3A_757, %select_n3A_751 : vector<16xf32>
      %select_n3A_762 = arith.select %gt3A_760, %get3A_757, %select_n3A_749 : vector<16xi1>, vector<16xf32>
      %select_n3A_763 = arith.select %gt3A_760, %broadcast_in_dim3A_759, %select_n3A_750 : vector<16xi1>, vector<16xi32>
      %select_n3A_764 = arith.select %gt3A_761, %select_n3A_751, %select_n3A_762 : vector<16xi1>, vector<16xf32>
      %select_n3A_765 = arith.select %gt3A_761, %select_n3A_752, %select_n3A_763 : vector<16xi1>, vector<16xi32>
      %select_n3A_766 = arith.select %gt3A_761, %get3A_757, %select_n3A_751 : vector<16xi1>, vector<16xf32>
      %select_n3A_767 = arith.select %gt3A_761, %broadcast_in_dim3A_759, %select_n3A_752 : vector<16xi1>, vector<16xi32>
      %get3A_768 = arith.constant 51 : i32
      %get3A_769 = arith.index_cast %get3A_768 : i32 to index
      %get3A_770 = arith.index_cast %mul3A_10 : i32 to index
      %get3A_771 = tpu.vector_load %arg5[%get3A_769, %get3A_770] {strides = array<i32>} : memref<64x1024xf32, #tpu.memory_space<vmem>>, vector<1x16xf32>,
      %get3A_772 = vector.shape_cast %get3A_771 : vector<1x16xf32> to vector<16xf32>
      %broadcast_in_dim3A_773 = arith.constant 51 : i32
      %broadcast_in_dim3A_774 = vector.broadcast %broadcast_in_dim3A_773 : i32 to vector<16xi32>
      %gt3A_775 = arith.cmpf ogt, %get3A_772, %select_n3A_764 : vector<16xf32>
      %gt3A_776 = arith.cmpf ogt, %get3A_772, %select_n3A_766 : vector<16xf32>
      %select_n3A_777 = arith.select %gt3A_775, %get3A_772, %select_n3A_764 : vector<16xi1>, vector<16xf32>
      %select_n3A_778 = arith.select %gt3A_775, %broadcast_in_dim3A_774, %select_n3A_765 : vector<16xi1>, vector<16xi32>
      %select_n3A_779 = arith.select %gt3A_776, %select_n3A_766, %select_n3A_777 : vector<16xi1>, vector<16xf32>
      %select_n3A_780 = arith.select %gt3A_776, %select_n3A_767, %select_n3A_778 : vector<16xi1>, vector<16xi32>
      %select_n3A_781 = arith.select %gt3A_776, %get3A_772, %select_n3A_766 : vector<16xi1>, vector<16xf32>
      %select_n3A_782 = arith.select %gt3A_776, %broadcast_in_dim3A_774, %select_n3A_767 : vector<16xi1>, vector<16xi32>
      %get3A_783 = arith.constant 52 : i32
      %get3A_784 = arith.index_cast %get3A_783 : i32 to index
      %get3A_785 = arith.index_cast %mul3A_10 : i32 to index
      %get3A_786 = tpu.vector_load %arg5[%get3A_784, %get3A_785] {strides = array<i32>} : memref<64x1024xf32, #tpu.memory_space<vmem>>, vector<1x16xf32>,
      %get3A_787 = vector.shape_cast %get3A_786 : vector<1x16xf32> to vector<16xf32>
      %broadcast_in_dim3A_788 = arith.constant 52 : i32
      %broadcast_in_dim3A_789 = vector.broadcast %broadcast_in_dim3A_788 : i32 to vector<16xi32>
      %gt3A_790 = arith.cmpf ogt, %get3A_787, %select_n3A_779 : vector<16xf32>
      %gt3A_791 = arith.cmpf ogt, %get3A_787, %select_n3A_781 : vector<16xf32>
      %select_n3A_792 = arith.select %gt3A_790, %get3A_787, %select_n3A_779 : vector<16xi1>, vector<16xf32>
      %select_n3A_793 = arith.select %gt3A_790, %broadcast_in_dim3A_789, %select_n3A_780 : vector<16xi1>, vector<16xi32>
      %select_n3A_794 = arith.select %gt3A_791, %select_n3A_781, %select_n3A_792 : vector<16xi1>, vector<16xf32>
      %select_n3A_795 = arith.select %gt3A_791, %select_n3A_782, %select_n3A_793 : vector<16xi1>, vector<16xi32>
      %select_n3A_796 = arith.select %gt3A_791, %get3A_787, %select_n3A_781 : vector<16xi1>, vector<16xf32>
      %select_n3A_797 = arith.select %gt3A_791, %broadcast_in_dim3A_789, %select_n3A_782 : vector<16xi1>, vector<16xi32>
      %get3A_798 = arith.constant 53 : i32
      %get3A_799 = arith.index_cast %get3A_798 : i32 to index
      %get3A_800 = arith.index_cast %mul3A_10 : i32 to index
      %get3A_801 = tpu.vector_load %arg5[%get3A_799, %get3A_800] {strides = array<i32>} : memref<64x1024xf32, #tpu.memory_space<vmem>>, vector<1x16xf32>,
      %get3A_802 = vector.shape_cast %get3A_801 : vector<1x16xf32> to vector<16xf32>
      %broadcast_in_dim3A_803 = arith.constant 53 : i32
      %broadcast_in_dim3A_804 = vector.broadcast %broadcast_in_dim3A_803 : i32 to vector<16xi32>
      %gt3A_805 = arith.cmpf ogt, %get3A_802, %select_n3A_794 : vector<16xf32>
      %gt3A_806 = arith.cmpf ogt, %get3A_802, %select_n3A_796 : vector<16xf32>
      %select_n3A_807 = arith.select %gt3A_805, %get3A_802, %select_n3A_794 : vector<16xi1>, vector<16xf32>
      %select_n3A_808 = arith.select %gt3A_805, %broadcast_in_dim3A_804, %select_n3A_795 : vector<16xi1>, vector<16xi32>
      %select_n3A_809 = arith.select %gt3A_806, %select_n3A_796, %select_n3A_807 : vector<16xi1>, vector<16xf32>
      %select_n3A_810 = arith.select %gt3A_806, %select_n3A_797, %select_n3A_808 : vector<16xi1>, vector<16xi32>
      %select_n3A_811 = arith.select %gt3A_806, %get3A_802, %select_n3A_796 : vector<16xi1>, vector<16xf32>
      %select_n3A_812 = arith.select %gt3A_806, %broadcast_in_dim3A_804, %select_n3A_797 : vector<16xi1>, vector<16xi32>
      %get3A_813 = arith.constant 54 : i32
      %get3A_814 = arith.index_cast %get3A_813 : i32 to index
      %get3A_815 = arith.index_cast %mul3A_10 : i32 to index
      %get3A_816 = tpu.vector_load %arg5[%get3A_814, %get3A_815] {strides = array<i32>} : memref<64x1024xf32, #tpu.memory_space<vmem>>, vector<1x16xf32>,
      %get3A_817 = vector.shape_cast %get3A_816 : vector<1x16xf32> to vector<16xf32>
      %broadcast_in_dim3A_818 = arith.constant 54 : i32
      %broadcast_in_dim3A_819 = vector.broadcast %broadcast_in_dim3A_818 : i32 to vector<16xi32>
      %gt3A_820 = arith.cmpf ogt, %get3A_817, %select_n3A_809 : vector<16xf32>
      %gt3A_821 = arith.cmpf ogt, %get3A_817, %select_n3A_811 : vector<16xf32>
      %select_n3A_822 = arith.select %gt3A_820, %get3A_817, %select_n3A_809 : vector<16xi1>, vector<16xf32>
      %select_n3A_823 = arith.select %gt3A_820, %broadcast_in_dim3A_819, %select_n3A_810 : vector<16xi1>, vector<16xi32>
      %select_n3A_824 = arith.select %gt3A_821, %select_n3A_811, %select_n3A_822 : vector<16xi1>, vector<16xf32>
      %select_n3A_825 = arith.select %gt3A_821, %select_n3A_812, %select_n3A_823 : vector<16xi1>, vector<16xi32>
      %select_n3A_826 = arith.select %gt3A_821, %get3A_817, %select_n3A_811 : vector<16xi1>, vector<16xf32>
      %select_n3A_827 = arith.select %gt3A_821, %broadcast_in_dim3A_819, %select_n3A_812 : vector<16xi1>, vector<16xi32>
      %get3A_828 = arith.constant 55 : i32
      %get3A_829 = arith.index_cast %get3A_828 : i32 to index
      %get3A_830 = arith.index_cast %mul3A_10 : i32 to index
      %get3A_831 = tpu.vector_load %arg5[%get3A_829, %get3A_830] {strides = array<i32>} : memref<64x1024xf32, #tpu.memory_space<vmem>>, vector<1x16xf32>,
      %get3A_832 = vector.shape_cast %get3A_831 : vector<1x16xf32> to vector<16xf32>
      %broadcast_in_dim3A_833 = arith.constant 55 : i32
      %broadcast_in_dim3A_834 = vector.broadcast %broadcast_in_dim3A_833 : i32 to vector<16xi32>
      %gt3A_835 = arith.cmpf ogt, %get3A_832, %select_n3A_824 : vector<16xf32>
      %gt3A_836 = arith.cmpf ogt, %get3A_832, %select_n3A_826 : vector<16xf32>
      %select_n3A_837 = arith.select %gt3A_835, %get3A_832, %select_n3A_824 : vector<16xi1>, vector<16xf32>
      %select_n3A_838 = arith.select %gt3A_835, %broadcast_in_dim3A_834, %select_n3A_825 : vector<16xi1>, vector<16xi32>
      %select_n3A_839 = arith.select %gt3A_836, %select_n3A_826, %select_n3A_837 : vector<16xi1>, vector<16xf32>
      %select_n3A_840 = arith.select %gt3A_836, %select_n3A_827, %select_n3A_838 : vector<16xi1>, vector<16xi32>
      %select_n3A_841 = arith.select %gt3A_836, %get3A_832, %select_n3A_826 : vector<16xi1>, vector<16xf32>
      %select_n3A_842 = arith.select %gt3A_836, %broadcast_in_dim3A_834, %select_n3A_827 : vector<16xi1>, vector<16xi32>
      %get3A_843 = arith.constant 56 : i32
      %get3A_844 = arith.index_cast %get3A_843 : i32 to index
      %get3A_845 = arith.index_cast %mul3A_10 : i32 to index
      %get3A_846 = tpu.vector_load %arg5[%get3A_844, %get3A_845] {strides = array<i32>} : memref<64x1024xf32, #tpu.memory_space<vmem>>, vector<1x16xf32>,
      %get3A_847 = vector.shape_cast %get3A_846 : vector<1x16xf32> to vector<16xf32>
      %broadcast_in_dim3A_848 = arith.constant 56 : i32
      %broadcast_in_dim3A_849 = vector.broadcast %broadcast_in_dim3A_848 : i32 to vector<16xi32>
      %gt3A_850 = arith.cmpf ogt, %get3A_847, %select_n3A_839 : vector<16xf32>
      %gt3A_851 = arith.cmpf ogt, %get3A_847, %select_n3A_841 : vector<16xf32>
      %select_n3A_852 = arith.select %gt3A_850, %get3A_847, %select_n3A_839 : vector<16xi1>, vector<16xf32>
      %select_n3A_853 = arith.select %gt3A_850, %broadcast_in_dim3A_849, %select_n3A_840 : vector<16xi1>, vector<16xi32>
      %select_n3A_854 = arith.select %gt3A_851, %select_n3A_841, %select_n3A_852 : vector<16xi1>, vector<16xf32>
      %select_n3A_855 = arith.select %gt3A_851, %select_n3A_842, %select_n3A_853 : vector<16xi1>, vector<16xi32>
      %select_n3A_856 = arith.select %gt3A_851, %get3A_847, %select_n3A_841 : vector<16xi1>, vector<16xf32>
      %select_n3A_857 = arith.select %gt3A_851, %broadcast_in_dim3A_849, %select_n3A_842 : vector<16xi1>, vector<16xi32>
      %get3A_858 = arith.constant 57 : i32
      %get3A_859 = arith.index_cast %get3A_858 : i32 to index
      %get3A_860 = arith.index_cast %mul3A_10 : i32 to index
      %get3A_861 = tpu.vector_load %arg5[%get3A_859, %get3A_860] {strides = array<i32>} : memref<64x1024xf32, #tpu.memory_space<vmem>>, vector<1x16xf32>,
      %get3A_862 = vector.shape_cast %get3A_861 : vector<1x16xf32> to vector<16xf32>
      %broadcast_in_dim3A_863 = arith.constant 57 : i32
      %broadcast_in_dim3A_864 = vector.broadcast %broadcast_in_dim3A_863 : i32 to vector<16xi32>
      %gt3A_865 = arith.cmpf ogt, %get3A_862, %select_n3A_854 : vector<16xf32>
      %gt3A_866 = arith.cmpf ogt, %get3A_862, %select_n3A_856 : vector<16xf32>
      %select_n3A_867 = arith.select %gt3A_865, %get3A_862, %select_n3A_854 : vector<16xi1>, vector<16xf32>
      %select_n3A_868 = arith.select %gt3A_865, %broadcast_in_dim3A_864, %select_n3A_855 : vector<16xi1>, vector<16xi32>
      %select_n3A_869 = arith.select %gt3A_866, %select_n3A_856, %select_n3A_867 : vector<16xi1>, vector<16xf32>
      %select_n3A_870 = arith.select %gt3A_866, %select_n3A_857, %select_n3A_868 : vector<16xi1>, vector<16xi32>
      %select_n3A_871 = arith.select %gt3A_866, %get3A_862, %select_n3A_856 : vector<16xi1>, vector<16xf32>
      %select_n3A_872 = arith.select %gt3A_866, %broadcast_in_dim3A_864, %select_n3A_857 : vector<16xi1>, vector<16xi32>
      %get3A_873 = arith.constant 58 : i32
      %get3A_874 = arith.index_cast %get3A_873 : i32 to index
      %get3A_875 = arith.index_cast %mul3A_10 : i32 to index
      %get3A_876 = tpu.vector_load %arg5[%get3A_874, %get3A_875] {strides = array<i32>} : memref<64x1024xf32, #tpu.memory_space<vmem>>, vector<1x16xf32>,
      %get3A_877 = vector.shape_cast %get3A_876 : vector<1x16xf32> to vector<16xf32>
      %broadcast_in_dim3A_878 = arith.constant 58 : i32
      %broadcast_in_dim3A_879 = vector.broadcast %broadcast_in_dim3A_878 : i32 to vector<16xi32>
      %gt3A_880 = arith.cmpf ogt, %get3A_877, %select_n3A_869 : vector<16xf32>
      %gt3A_881 = arith.cmpf ogt, %get3A_877, %select_n3A_871 : vector<16xf32>
      %select_n3A_882 = arith.select %gt3A_880, %get3A_877, %select_n3A_869 : vector<16xi1>, vector<16xf32>
      %select_n3A_883 = arith.select %gt3A_880, %broadcast_in_dim3A_879, %select_n3A_870 : vector<16xi1>, vector<16xi32>
      %select_n3A_884 = arith.select %gt3A_881, %select_n3A_871, %select_n3A_882 : vector<16xi1>, vector<16xf32>
      %select_n3A_885 = arith.select %gt3A_881, %select_n3A_872, %select_n3A_883 : vector<16xi1>, vector<16xi32>
      %select_n3A_886 = arith.select %gt3A_881, %get3A_877, %select_n3A_871 : vector<16xi1>, vector<16xf32>
      %select_n3A_887 = arith.select %gt3A_881, %broadcast_in_dim3A_879, %select_n3A_872 : vector<16xi1>, vector<16xi32>
      %get3A_888 = arith.constant 59 : i32
      %get3A_889 = arith.index_cast %get3A_888 : i32 to index
      %get3A_890 = arith.index_cast %mul3A_10 : i32 to index
      %get3A_891 = tpu.vector_load %arg5[%get3A_889, %get3A_890] {strides = array<i32>} : memref<64x1024xf32, #tpu.memory_space<vmem>>, vector<1x16xf32>,
      %get3A_892 = vector.shape_cast %get3A_891 : vector<1x16xf32> to vector<16xf32>
      %broadcast_in_dim3A_893 = arith.constant 59 : i32
      %broadcast_in_dim3A_894 = vector.broadcast %broadcast_in_dim3A_893 : i32 to vector<16xi32>
      %gt3A_895 = arith.cmpf ogt, %get3A_892, %select_n3A_884 : vector<16xf32>
      %gt3A_896 = arith.cmpf ogt, %get3A_892, %select_n3A_886 : vector<16xf32>
      %select_n3A_897 = arith.select %gt3A_895, %get3A_892, %select_n3A_884 : vector<16xi1>, vector<16xf32>
      %select_n3A_898 = arith.select %gt3A_895, %broadcast_in_dim3A_894, %select_n3A_885 : vector<16xi1>, vector<16xi32>
      %select_n3A_899 = arith.select %gt3A_896, %select_n3A_886, %select_n3A_897 : vector<16xi1>, vector<16xf32>
      %select_n3A_900 = arith.select %gt3A_896, %select_n3A_887, %select_n3A_898 : vector<16xi1>, vector<16xi32>
      %select_n3A_901 = arith.select %gt3A_896, %get3A_892, %select_n3A_886 : vector<16xi1>, vector<16xf32>
      %select_n3A_902 = arith.select %gt3A_896, %broadcast_in_dim3A_894, %select_n3A_887 : vector<16xi1>, vector<16xi32>
      %get3A_903 = arith.constant 60 : i32
      %get3A_904 = arith.index_cast %get3A_903 : i32 to index
      %get3A_905 = arith.index_cast %mul3A_10 : i32 to index
      %get3A_906 = tpu.vector_load %arg5[%get3A_904, %get3A_905] {strides = array<i32>} : memref<64x1024xf32, #tpu.memory_space<vmem>>, vector<1x16xf32>,
      %get3A_907 = vector.shape_cast %get3A_906 : vector<1x16xf32> to vector<16xf32>
      %broadcast_in_dim3A_908 = arith.constant 60 : i32
      %broadcast_in_dim3A_909 = vector.broadcast %broadcast_in_dim3A_908 : i32 to vector<16xi32>
      %gt3A_910 = arith.cmpf ogt, %get3A_907, %select_n3A_899 : vector<16xf32>
      %gt3A_911 = arith.cmpf ogt, %get3A_907, %select_n3A_901 : vector<16xf32>
      %select_n3A_912 = arith.select %gt3A_910, %get3A_907, %select_n3A_899 : vector<16xi1>, vector<16xf32>
      %select_n3A_913 = arith.select %gt3A_910, %broadcast_in_dim3A_909, %select_n3A_900 : vector<16xi1>, vector<16xi32>
      %select_n3A_914 = arith.select %gt3A_911, %select_n3A_901, %select_n3A_912 : vector<16xi1>, vector<16xf32>
      %select_n3A_915 = arith.select %gt3A_911, %select_n3A_902, %select_n3A_913 : vector<16xi1>, vector<16xi32>
      %select_n3A_916 = arith.select %gt3A_911, %get3A_907, %select_n3A_901 : vector<16xi1>, vector<16xf32>
      %select_n3A_917 = arith.select %gt3A_911, %broadcast_in_dim3A_909, %select_n3A_902 : vector<16xi1>, vector<16xi32>
      %get3A_918 = arith.constant 61 : i32
      %get3A_919 = arith.index_cast %get3A_918 : i32 to index
      %get3A_920 = arith.index_cast %mul3A_10 : i32 to index
      %get3A_921 = tpu.vector_load %arg5[%get3A_919, %get3A_920] {strides = array<i32>} : memref<64x1024xf32, #tpu.memory_space<vmem>>, vector<1x16xf32>,
      %get3A_922 = vector.shape_cast %get3A_921 : vector<1x16xf32> to vector<16xf32>
      %broadcast_in_dim3A_923 = arith.constant 61 : i32
      %broadcast_in_dim3A_924 = vector.broadcast %broadcast_in_dim3A_923 : i32 to vector<16xi32>
      %gt3A_925 = arith.cmpf ogt, %get3A_922, %select_n3A_914 : vector<16xf32>
      %gt3A_926 = arith.cmpf ogt, %get3A_922, %select_n3A_916 : vector<16xf32>
      %select_n3A_927 = arith.select %gt3A_925, %get3A_922, %select_n3A_914 : vector<16xi1>, vector<16xf32>
      %select_n3A_928 = arith.select %gt3A_925, %broadcast_in_dim3A_924, %select_n3A_915 : vector<16xi1>, vector<16xi32>
      %select_n3A_929 = arith.select %gt3A_926, %select_n3A_916, %select_n3A_927 : vector<16xi1>, vector<16xf32>
      %select_n3A_930 = arith.select %gt3A_926, %select_n3A_917, %select_n3A_928 : vector<16xi1>, vector<16xi32>
      %select_n3A_931 = arith.select %gt3A_926, %get3A_922, %select_n3A_916 : vector<16xi1>, vector<16xf32>
      %select_n3A_932 = arith.select %gt3A_926, %broadcast_in_dim3A_924, %select_n3A_917 : vector<16xi1>, vector<16xi32>
      %get3A_933 = arith.constant 62 : i32
      %get3A_934 = arith.index_cast %get3A_933 : i32 to index
      %get3A_935 = arith.index_cast %mul3A_10 : i32 to index
      %get3A_936 = tpu.vector_load %arg5[%get3A_934, %get3A_935] {strides = array<i32>} : memref<64x1024xf32, #tpu.memory_space<vmem>>, vector<1x16xf32>,
      %get3A_937 = vector.shape_cast %get3A_936 : vector<1x16xf32> to vector<16xf32>
      %broadcast_in_dim3A_938 = arith.constant 62 : i32
      %broadcast_in_dim3A_939 = vector.broadcast %broadcast_in_dim3A_938 : i32 to vector<16xi32>
      %gt3A_940 = arith.cmpf ogt, %get3A_937, %select_n3A_929 : vector<16xf32>
      %gt3A_941 = arith.cmpf ogt, %get3A_937, %select_n3A_931 : vector<16xf32>
      %select_n3A_942 = arith.select %gt3A_940, %get3A_937, %select_n3A_929 : vector<16xi1>, vector<16xf32>
      %select_n3A_943 = arith.select %gt3A_940, %broadcast_in_dim3A_939, %select_n3A_930 : vector<16xi1>, vector<16xi32>
      %select_n3A_944 = arith.select %gt3A_941, %select_n3A_931, %select_n3A_942 : vector<16xi1>, vector<16xf32>
      %select_n3A_945 = arith.select %gt3A_941, %select_n3A_932, %select_n3A_943 : vector<16xi1>, vector<16xi32>
      %select_n3A_946 = arith.select %gt3A_941, %get3A_937, %select_n3A_931 : vector<16xi1>, vector<16xf32>
      %select_n3A_947 = arith.select %gt3A_941, %broadcast_in_dim3A_939, %select_n3A_932 : vector<16xi1>, vector<16xi32>
      %get3A_948 = arith.constant 63 : i32
      %get3A_949 = arith.index_cast %get3A_948 : i32 to index
      %get3A_950 = arith.index_cast %mul3A_10 : i32 to index
      %get3A_951 = tpu.vector_load %arg5[%get3A_949, %get3A_950] {strides = array<i32>} : memref<64x1024xf32, #tpu.memory_space<vmem>>, vector<1x16xf32>,
      %get3A_952 = vector.shape_cast %get3A_951 : vector<1x16xf32> to vector<16xf32>
      %broadcast_in_dim3A_953 = arith.constant 63 : i32
      %broadcast_in_dim3A_954 = vector.broadcast %broadcast_in_dim3A_953 : i32 to vector<16xi32>
      %gt3A_955 = arith.cmpf ogt, %get3A_952, %select_n3A_944 : vector<16xf32>
      %gt3A_956 = arith.cmpf ogt, %get3A_952, %select_n3A_946 : vector<16xf32>
      %select_n3A_957 = arith.select %gt3A_955, %get3A_952, %select_n3A_944 : vector<16xi1>, vector<16xf32>
      %select_n3A_958 = arith.select %gt3A_955, %broadcast_in_dim3A_954, %select_n3A_945 : vector<16xi1>, vector<16xi32>
      %select_n3A_959 = arith.select %gt3A_956, %select_n3A_946, %select_n3A_957 : vector<16xi1>, vector<16xf32>
      %select_n3A_960 = arith.select %gt3A_956, %select_n3A_947, %select_n3A_958 : vector<16xi1>, vector<16xi32>
      %select_n3A_961 = arith.select %gt3A_956, %get3A_952, %select_n3A_946 : vector<16xi1>, vector<16xf32>
      %select_n3A_962 = arith.select %gt3A_956, %broadcast_in_dim3A_954, %select_n3A_947 : vector<16xi1>, vector<16xi32>
      %sub3A = arith.subf %select_n3A_959, %select_n3A_961 : vector<16xf32>
      %exp3A = math.exp %sub3A : vector<16xf32>
      %add3A_963 = arith.constant 1.000000e+00 : f32
      %add3A_964 = vector.broadcast %add3A_963 : f32 to vector<16xf32>
      %add3A_965 = arith.addf %add3A_964, %exp3A : vector<16xf32>
      %div3A = arith.constant 1.000000e+00 : f32
      %div3A_966 = vector.broadcast %div3A : f32 to vector<16xf32>
      %div3A_967 = arith.divf %div3A_966, %add3A_965 : vector<16xf32>
      %swap3A = arith.constant 0 : i32
      %swap3A_968 = arith.index_cast %swap3A : i32 to index
      %swap3A_969 = arith.index_cast %mul3A_10 : i32 to index
      %swap3A_970 = tpu.vector_load %arg6[%swap3A_968, %swap3A_969] {strides = array<i32>} : memref<2x1024xf32, #tpu.memory_space<vmem>>, vector<1x16xf32>,
      %swap3A_971 = vector.shape_cast %swap3A_970 : vector<1x16xf32> to vector<16xf32>
      %swap3A_972 = vector.shape_cast %div3A_967 : vector<16xf32> to vector<1x16xf32>
      tpu.vector_store %arg6[%swap3A_968, %swap3A_969], %swap3A_972 {strides = array<i32>} : memref<2x1024xf32, #tpu.memory_space<vmem>>, vector<1x16xf32>,
      %div3A_973 = arith.divf %exp3A, %add3A_965 : vector<16xf32>
      %swap3A_974 = arith.constant 1 : i32
      %swap3A_975 = arith.index_cast %swap3A_974 : i32 to index
      %swap3A_976 = arith.index_cast %mul3A_10 : i32 to index
      %swap3A_977 = tpu.vector_load %arg6[%swap3A_975, %swap3A_976] {strides = array<i32>} : memref<2x1024xf32, #tpu.memory_space<vmem>>, vector<1x16xf32>,
      %swap3A_978 = vector.shape_cast %swap3A_977 : vector<1x16xf32> to vector<16xf32>
      %swap3A_979 = vector.shape_cast %div3A_973 : vector<16xf32> to vector<1x16xf32>
      tpu.vector_store %arg6[%swap3A_975, %swap3A_976], %swap3A_979 {strides = array<i32>} : memref<2x1024xf32, #tpu.memory_space<vmem>>, vector<1x16xf32>,
      %swap3A_980 = arith.constant 0 : i32
      %swap3A_981 = arith.index_cast %swap3A_980 : i32 to index
      %swap3A_982 = arith.index_cast %mul3A_10 : i32 to index
      %swap3A_983 = tpu.vector_load %arg7[%swap3A_981, %swap3A_982] {strides = array<i32>} : memref<2x1024xi32, #tpu.memory_space<vmem>>, vector<1x16xi32>,
      %swap3A_984 = vector.shape_cast %swap3A_983 : vector<1x16xi32> to vector<16xi32>
      %swap3A_985 = vector.shape_cast %select_n3A_962 : vector<16xi32> to vector<1x16xi32>
      tpu.vector_store %arg7[%swap3A_981, %swap3A_982], %swap3A_985 {strides = array<i32>} : memref<2x1024xi32, #tpu.memory_space<vmem>>, vector<1x16xi32>,
      %swap3A_986 = arith.constant 1 : i32
      %swap3A_987 = arith.index_cast %swap3A_986 : i32 to index
      %swap3A_988 = arith.index_cast %mul3A_10 : i32 to index
      %swap3A_989 = tpu.vector_load %arg7[%swap3A_987, %swap3A_988] {strides = array<i32>} : memref<2x1024xi32, #tpu.memory_space<vmem>>, vector<1x16xi32>,
      %swap3A_990 = vector.shape_cast %swap3A_989 : vector<1x16xi32> to vector<16xi32>
      %swap3A_991 = vector.shape_cast %select_n3A_960 : vector<16xi32> to vector<1x16xi32>
      tpu.vector_store %arg7[%swap3A_987, %swap3A_988], %swap3A_991 {strides = array<i32>} : memref<2x1024xi32, #tpu.memory_space<vmem>>, vector<1x16xi32>,
    }
    %scan3A_7 = arith.constant 64 : i32
    "tpu.region"() ({
      %run_scoped3A = tpu.sem_alloc : memref<!tpu.dma_semaphore, #tpu.memory_space<semaphore_mem>>
      %dma_start3A = arith.constant 0 : i32
      %dma_start3A_8 = tpu.memref_slice %arg3[%dma_start3A, %mul3A_2] : memref<2x32768xf32, #tpu.memory_space<hbm>> -> memref<2x1024xf32, #tpu.memory_space<hbm>>
      %dma_start3A_9 = arith.constant 0 : i32
      %dma_start3A_10 = tpu.memref_slice %arg3[%dma_start3A_9, %mul3A_2] : memref<2x32768xf32, #tpu.memory_space<hbm>> -> memref<2x1024xf32, #tpu.memory_space<hbm>>
      tpu.enqueue_dma source(%arg6 : memref<2x1024xf32, #tpu.memory_space<vmem>>) target(%dma_start3A_10 : memref<2x1024xf32, #tpu.memory_space<hbm>>) target_semaphore(%run_scoped3A : memref<!tpu.dma_semaphore, #tpu.memory_space<semaphore_mem>>)
      %dma_wait3A = arith.constant 0 : i32
      %dma_wait3A_11 = tpu.memref_slice %arg3[%dma_wait3A, %mul3A_2] : memref<2x32768xf32, #tpu.memory_space<hbm>> -> memref<2x1024xf32, #tpu.memory_space<hbm>>
      %dma_wait3A_12 = arith.constant 0 : i32
      %dma_wait3A_13 = tpu.memref_slice %arg3[%dma_wait3A_12, %mul3A_2] : memref<2x32768xf32, #tpu.memory_space<hbm>> -> memref<2x1024xf32, #tpu.memory_space<hbm>>
      tpu.wait_dma2 semaphore(%run_scoped3A : memref<!tpu.dma_semaphore, #tpu.memory_space<semaphore_mem>>) src(%arg6 : memref<2x1024xf32, #tpu.memory_space<vmem>>) dst(%dma_wait3A_13 : memref<2x1024xf32, #tpu.memory_space<hbm>>)
      tpu.yield
    }) : () -> ()
    "tpu.region"() ({
      %run_scoped3A = tpu.sem_alloc : memref<!tpu.dma_semaphore, #tpu.memory_space<semaphore_mem>>
      %dma_start3A = arith.constant 0 : i32
      %dma_start3A_8 = tpu.memref_slice %arg4[%dma_start3A, %mul3A_2] : memref<2x32768xi32, #tpu.memory_space<hbm>> -> memref<2x1024xi32, #tpu.memory_space<hbm>>
      %dma_start3A_9 = arith.constant 0 : i32
      %dma_start3A_10 = tpu.memref_slice %arg4[%dma_start3A_9, %mul3A_2] : memref<2x32768xi32, #tpu.memory_space<hbm>> -> memref<2x1024xi32, #tpu.memory_space<hbm>>
      tpu.enqueue_dma source(%arg7 : memref<2x1024xi32, #tpu.memory_space<vmem>>) target(%dma_start3A_10 : memref<2x1024xi32, #tpu.memory_space<hbm>>) target_semaphore(%run_scoped3A : memref<!tpu.dma_semaphore, #tpu.memory_space<semaphore_mem>>)
      %dma_wait3A = arith.constant 0 : i32
      %dma_wait3A_11 = tpu.memref_slice %arg4[%dma_wait3A, %mul3A_2] : memref<2x32768xi32, #tpu.memory_space<hbm>> -> memref<2x1024xi32, #tpu.memory_space<hbm>>
      %dma_wait3A_12 = arith.constant 0 : i32
      %dma_wait3A_13 = tpu.memref_slice %arg4[%dma_wait3A_12, %mul3A_2] : memref<2x32768xi32, #tpu.memory_space<hbm>> -> memref<2x1024xi32, #tpu.memory_space<hbm>>
      tpu.wait_dma2 semaphore(%run_scoped3A : memref<!tpu.dma_semaphore, #tpu.memory_space<semaphore_mem>>) src(%arg7 : memref<2x1024xi32, #tpu.memory_space<vmem>>) dst(%dma_wait3A_13 : memref<2x1024xi32, #tpu.memory_space<hbm>>)
      tpu.yield
    }) : () -> ()
    return
  }
}

module attributes {stable_mosaic.version = 14 : i64} {
  func.func @_logits_body(%arg0: i32, %arg1: memref<4096x768xf32, #tpu.memory_space<vmem>>, %arg2: memref<64x768xf32, #tpu.memory_space<vmem>>, %arg3: memref<64x1xf32, #tpu.memory_space<vmem>>, %arg4: memref<64x4096xf32, #tpu.memory_space<vmem>>) attributes {dimension_semantics = [#tpu.dimension_semantics<arbitrary>], iteration_bounds = array<i64: 8>, scalar_prefetch = 0 : i64, scratch_operands = 0 : i64, tpu.core_type = #tpu.core_type<tc>, window_params = [{transform_indices = @transform_0, window_bounds = array<i64: 4096, 768>}, {pipeline_mode = #tpu.pipeline_mode<synchronous>, transform_indices = @transform_1, window_bounds = array<i64: 64, 768>}, {pipeline_mode = #tpu.pipeline_mode<synchronous>, transform_indices = @transform_2, window_bounds = array<i64: 64, 1>}, {transform_indices = @transform_3, window_bounds = array<i64: 64, 4096>}]} {
    %get3A = arith.constant 0 : index
    %get3A_0 = arith.constant 0 : index
    %get3A_1 = vector.load %arg2[%get3A, %get3A_0] : memref<64x768xf32, #tpu.memory_space<vmem>>, vector<64x768xf32>
    %get3A_2 = arith.constant 0 : index
    %get3A_3 = arith.constant 0 : index
    %get3A_4 = vector.load %arg1[%get3A_2, %get3A_3] : memref<4096x768xf32, #tpu.memory_space<vmem>>, vector<4096x768xf32>
    %dot_general3A = arith.constant dense<0.000000e+00> : vector<64x4096xf32>
    %dot_general3A_5 = tpu.matmul %get3A_1, %get3A_4, %dot_general3A {dimension_numbers = #tpu.dot_dimension_numbers<[1], [1], [0], [0], [0, 0, 1, 0], [], []>, transpose_lhs_hint = false} : vector<64x768xf32>, vector<4096x768xf32>, vector<64x4096xf32> -> vector<64x4096xf32>
    %get3A_6 = arith.constant 0 : index
    %get3A_7 = arith.constant 0 : index
    %get3A_8 = vector.load %arg3[%get3A_6, %get3A_7] : memref<64x1xf32, #tpu.memory_space<vmem>>, vector<64x1xf32>
    %add3A = vector.broadcast %get3A_8 : vector<64x1xf32> to vector<64x4096xf32>
    %add3A_9 = arith.addf %dot_general3A_5, %add3A : vector<64x4096xf32>
    %swap3A = arith.constant 0 : index
    %swap3A_10 = arith.constant 0 : index
    %swap3A_11 = vector.load %arg4[%swap3A, %swap3A_10] : memref<64x4096xf32, #tpu.memory_space<vmem>>, vector<64x4096xf32>
    tpu.vector_store %arg4[%swap3A, %swap3A_10], %add3A_9 {strides = array<i32>} : memref<64x4096xf32, #tpu.memory_space<vmem>>, vector<64x4096xf32>,
    return
  }
  func.func @transform_0(%arg0: i32) -> (i32, i32) {
    %c0_i32 = arith.constant 0 : i32
    %c0_i32_0 = arith.constant 0 : i32
    return %arg0, %c0_i32 : i32, i32
  }
  func.func @transform_1(%arg0: i32) -> (i32, i32) {
    %c0_i32 = arith.constant 0 : i32
    %c0_i32_0 = arith.constant 0 : i32
    %c0_i32_1 = arith.constant 0 : i32
    return %c0_i32, %c0_i32_0 : i32, i32
  }
  func.func @transform_2(%arg0: i32) -> (i32, i32) {
    %c0_i32 = arith.constant 0 : i32
    %c0_i32_0 = arith.constant 0 : i32
    %c0_i32_1 = arith.constant 0 : i32
    return %c0_i32, %c0_i32_0 : i32, i32
  }
  func.func @transform_3(%arg0: i32) -> (i32, i32) {
    %c0_i32 = arith.constant 0 : i32
    %c0_i32_0 = arith.constant 0 : i32
    return %c0_i32, %arg0 : i32, i32
  }
}

</mosaic_0001>

<sc_bundles>
// kernel: kernel.4.cloned.1.call-start
scs
__scs_entry_jumppad:
0x0: {  	(pc) =	sbr.rel $0x88, $3  }
0x1: {  	(tag) =	ssettag $0x0;
	lr =	simm.s32 $0x1  }
0x2: {  	[smem:$0x3F9E] =	sst lr;
	_ =	strace $0xD0000000  }
0x3: {  	_ = 	snop  }
0x4: {  	_ = 	snop  }
0x5: {  	_ = 	snop  }
0x6: {  	_ = 	snop  }
0x7: {  	_ = 	snop  }
__scs_overlays_trampoline_lowered:
0x8: {  	[smem:$0x3FAD] =	sst s0  }
0x9: {  	[smem:$0x3FAE] =	sst s1  }
0xa: {  	[smem:$0x3FAF] =	sst s2  }
0xb: {  	[smem:$0x3FB0] =	sst s3  }
0xc: {  	[smem:$0x3FB1] =	sst s4  }
0xd: {  	[smem:$0x3FB2] =	sst s5  }
0xe: {  	[smem:$0x3FB3] =	sst s6  }
0xf: {  	[smem:$0x3FB4] =	sst s7  }
0x10: {  	[smem:$0x3FB5] =	sst s8  }
0x11: {  	[smem:$0x3FB6] =	sst s9;
	s0 =	simm.s32 @!p0 $0x0  }
0x12: {  	s1 =	sld [smem:$0x3F9C];
	s0 =	simm.s32 @p0 $0x1  }
0x13: {  	[smem:$0x3FB7] =	sst s0;
	s0 =	simm.s32 @!p1 $0x0  }
0x14: {  	s2 =	sld [smem:$0x3F9B];
	s0 =	simm.s32 @p1 $0x1  }
0x15: {  	[smem:$0x3FB8] =	sst s0;
	s0 =	simm.s32 @!p2 $0x0  }
0x16: {  	s3 =	sld [smem:$0x3FDB];
	s0 =	simm.s32 @p2 $0x1  }
0x17: {  	s4 =	simm.s32 $0x1BF5;
	[smem:$0x3FBA] =	sst s0  }
0x18: {  	s0 =	sld [smem:$0x3F9D];
	_ =	swait.ge [sflag:s4], $0x0  }
0x19: {  	s7 =	sld [smem:$0x3F9E]  }
0x1a: {  	s8 =	sadd.s32 $0xFFFFE003, lr  }
0x1b: {  	s9 =	sadd.s32 $0xFFFFFEF7, lr;
	s5 =	simm.s32 $0xFFFFFFFF;
	p2 =	slt.u32 s8, $0xFFFFF086  }
0x1c: {  	p1 =	slt.u32 s9, $0xF7A;
	s5 =	simm.s32 @!p2 $0x0  }
0x1d: {  	s5 =	simm.s32 @p1 $0x1;
	p0 =	seq.s32 s7, s2  }
0x1e: {  	s7 =	smul.u32 @!p0 $0xF7A, s2;
	p2 =	seq.s32 @!p0 s5, $0x0  }
0x1f: {  	s9 =	smul.u32 $0xF7A, s1;
	s8 =	simm.s32 @!p0 $0x1BF5;
	p2 =	por !p2, p0  }
0x20: {  	[sflag:s8] =	ssyncset.s32 @!p0 $0xFFFFF086;
	s6 =	sadd.s32 @!p0 s3, s7;
	s7 =	simm.s32 @!p0 $0x108  }
0x21: {  	s3 =	sadd.s32 s3, s9;
	s6 =	sadd.s32 @!p0 $0x88, s6;
	s7 =	simm.s32 @p2 $0x1082  }
0x22: {  	[simem:s7], [sflag:s8] =	dma.local @!p0 [hbm:s6], $0xF7A  }
0x23: {  	s9 =	sor.u32 $0xD0000000, s2;
	s6 =	simm.s32 $0x108;
	_ =	swait.ge @!p0 [sflag:s8], $0x0  }
0x24: {  	s3 =	sadd.s32 $0x88, s3;
	s6 =	simm.s32 @!p1 $0x1082;
	[sflag:s4] =	ssyncset.s32 $0xFFFFF086  }
0x25: {  	[simem:s6], [sflag:s4] =	dma.local [hbm:s3], $0xF7A  }
0x26: {  	[smem:$0x3F9E] =	sst s1;
	(tag) =	ssettag s2;
	_ =	strace s9  }
0x27: {  	s1 =	sld [smem:$0x3FAE]  }
0x28: {  	s2 =	sld [smem:$0x3FAF]  }
0x29: {  	s4 =	sld [smem:$0x3FB1]  }
0x2a: {  	p0 =	seq.s32 s5, $0x0;
	s5 =	sld [smem:$0x3FB2]  }
0x2b: {  	s6 =	sld [smem:$0x3FB3]  }
0x2c: {  	s7 =	sld [smem:$0x3FB4]  }
0x2d: {  	s3 =	simm.s32 $0x108;
	s8 =	sld [smem:$0x3FB5]  }
0x2e: {  	s3 =	simm.s32 @!p0 $0x1082;
	s9 =	sld [smem:$0x3FB6]  }
0x2f: {  	lr =	sadd.s32 s0, s3;
	s0 =	sld [smem:$0x3FAD]  }
0x30: {  	s3 =	sld [smem:$0x3FB0]  }
0x31: {  	[smem:$0x3FB9] =	sst s10  }
0x32: {  	s10 =	sld [smem:$0x3FB7];
	_ =	sdelay $0x3  }
0x33: {  	p0 =	seq.s32 s10, $0x1;
	s10 =	sld [smem:$0x3FB9];
	_ =	sdelay $0x3  }
0x34: {  	[smem:$0x3FB9] =	sst s10  }
0x35: {  	s10 =	sld [smem:$0x3FB8];
	_ =	sdelay $0x3  }
0x36: {  	p1 =	seq.s32 s10, $0x1;
	s10 =	sld [smem:$0x3FB9];
	_ =	sdelay $0x3  }
0x37: {  	[smem:$0x3FB9] =	sst s10  }
0x38: {  	s10 =	sld [smem:$0x3FBA]  }
0x39: {  	_ = 	snop;
	(pc) =	sbr.ind lr, $3  }
0x3a: {  	_ = 	snop  }
0x3b: {  	_ = 	snop  }
0x3c: {  	p2 =	seq.s32 s10, $0x1;
	s10 =	sld [smem:$0x3FB9]  }
0x3d: {  	_ =	shalt  }
0x3e: {  	_ =	shalt  }
0x3f: {  	_ =	shalt  }
0x40: {  	_ =	shalt  }
0x41: {  	_ =	shalt  }
0x42: {  	_ =	shalt  }
0x43: {  	_ =	shalt  }
0x44: {  	_ =	shalt  }
0x45: {  	_ =	shalt  }
0x46: {  	_ =	shalt  }
0x47: {  	_ =	shalt  }
0x48: {  	_ =	shalt  }
0x49: {  	_ =	shalt  }
0x4a: {  	_ =	shalt  }
0x4b: {  	_ =	shalt  }
0x4c: {  	_ =	shalt  }
0x4d: {  	_ =	shalt  }
0x4e: {  	_ =	shalt  }
0x4f: {  	_ =	shalt  }
0x50: {  	_ =	shalt  }
0x51: {  	_ =	shalt  }
0x52: {  	_ =	shalt  }
0x53: {  	_ =	shalt  }
0x54: {  	_ =	shalt  }
0x55: {  	_ =	shalt  }
0x56: {  	_ =	shalt  }
0x57: {  	_ =	shalt  }
0x58: {  	_ =	shalt  }
0x59: {  	_ =	shalt  }
0x5a: {  	_ =	shalt  }
0x5b: {  	_ =	shalt  }
0x5c: {  	_ =	shalt  }
0x5d: {  	_ =	shalt  }
0x5e: {  	_ =	shalt  }
0x5f: {  	_ =	shalt  }
0x60: {  	_ =	shalt  }
0x61: {  	_ =	shalt  }
0x62: {  	_ =	shalt  }
0x63: {  	_ =	shalt  }
0x64: {  	_ =	shalt  }
0x65: {  	_ =	shalt  }
0x66: {  	_ =	shalt  }
0x67: {  	_ =	shalt  }
0x68: {  	_ =	shalt  }
0x69: {  	_ =	shalt  }
0x6a: {  	_ =	shalt  }
0x6b: {  	_ =	shalt  }
0x6c: {  	_ =	shalt  }
0x6d: {  	_ =	shalt  }
0x6e: {  	_ =	shalt  }
0x6f: {  	_ =	shalt  }
0x70: {  	_ =	shalt  }
0x71: {  	_ =	shalt  }
0x72: {  	_ =	shalt  }
0x73: {  	_ =	shalt  }
0x74: {  	_ =	shalt  }
0x75: {  	_ =	shalt  }
0x76: {  	_ =	shalt  }
0x77: {  	_ =	shalt  }
0x78: {  	_ =	shalt  }
0x79: {  	_ =	shalt  }
0x7a: {  	_ =	shalt  }
0x7b: {  	_ =	shalt  }
0x7c: {  	_ =	shalt  }
0x7d: {  	_ =	shalt  }
0x7e: {  	_ =	shalt  }
0x7f: {  	_ =	shalt  }
0x80: {  	_ =	shalt  }
0x81: {  	_ =	shalt  }
0x82: {  	_ =	shalt  }
0x83: {  	_ =	shalt  }
0x84: {  	_ =	shalt  }
0x85: {  	_ =	shalt  }
0x86: {  	_ =	shalt  }
0x87: {  	_ =	shalt  }
.Lfunc_end0:
.L_simem_size_0:
called_computation_lowered:
.L_overlay_start_0:
0x88: {  	s2 =	sld [smem:$0x3FD9]  }
0x89: {  	s3 =	sld [smem:$0x3FFE];
	_ =	sdelay $0x1  }
0x8a: {  	s1 =	srdreg.scid  }
0x8b: {  	s0 =	sand.u32 $0x1, s1  }
0x8c: {  	s14 =	sshll.u32 s0, $0xA;
	s2 =	sadd.s32 s3, s2  }
0x8d: {  	s2 =	sadd.s32 s2, s14  }
0x8e: {  	[smem:$0x3FC5] =	sst s2  }
0x8f: {  	_ = 	snop  }
0x90: {  	s2 =	sld [smem:$0x3FD0];
	_ =	sdelay $0x2  }
0x91: {  	s15 =	simm.s32 $0xA;
	s4 =	simm.s32 $0x10  }
0x92: {  	[smem:s4], [sflag:s15] =	dma.local [hbm:s2], $0x1  }
0x93: {  	_ =	swait.eq [sflag:s15], $0x1  }
0x94: {  	[sflag:s15] =	ssyncset.done $0x0  }
0x95: {  	s16 =	sld [smem:$0x10];
	[sflag:s15] =	ssyncadd.s32 $0xFFFFFFFF  }
0x96: {  	s17 =	sld [smem:$0x11];
	(tm) =	ssettm $0x1  }
0x97: {  	s18 =	sld [smem:$0x3FFB];
	_ =	sdelay $0x3  }
0x98: {  	_ =	strace s18  }
0x99: {  	s4 =	sld [smem:$0x3FFC];
	_ =	sdelay $0x3  }
0x9a: {  	_ =	strace s4  }
0x9b: {  	s4 =	sld [smem:$0x3FFD];
	_ =	sdelay $0x3  }
0x9c: {  	_ =	strace s4  }
0x9d: {  	_ =	strace $0x8FFFFFFF  }
0x9e: {  	s19 =	sld [smem:$0x3FDB];
	_ =	sdelay $0x1  }
0x9f: {  	s5 =	simm.s32 $_scs_section_size  }
0xa0: {  	s6 =	simm.s32 $_size__tile_overlayer_lowered;
	s7 =	simm.s32 $_tile_overlayer_lowered  }
0xa1: {  	s22 =	simm.s32 $0x1BFF;
	s21 =	sshll.u32 s7, $0x1;
	s4 =	sadd.s32 s5, s19  }
0xa2: {  	s8 =	simm.s32 $0x0;
	s20 =	sshll.u32 s6, $0x1;
	s6 =	sadd.s32 s21, s4  }
0xa3: {  	[timem:s8], [sflag:s22] =	dma.local [hbm:s6], s20  }
0xa4: {  	_ =	swait.ge [sflag:s22], s20  }
0xa5: {  	s5 =	ssub.s32 $0x0, s20;
	[sflag:s22] =	ssyncset.done $0x0  }
0xa6: {  	[sflag:s22] =	ssyncadd.s32 s5;
	_ =	sdelay $0x1  }
0xa7: {  	s23 =	simm.s32 $0x1B8B  }
0xa8: {  	_ =	swait.ge [sflag:s23], $0x1  }
0xa9: {  	[sflag:s23] =	ssyncset.done $0x0  }
0xaa: {  	s25 =	simm.s32 $0x1B8E;
	s24 =	sld [smem:$0x3FFE];
	[sflag:s23] =	ssyncadd.s32 $0xFFFFFFFF  }
0xab: {  	s26 =	simm.s32 $execute0_lowered;
	[smem:$0x3FD2] =	sst s25  }
0xac: {  	s6 =	sshll.u32 s26, $0x1;
	_ =	strace $0x80000046;
	[dreg:$0x1] =	wrdreg $0xFFFFFFFF  }
0xad: {  	s28 =	simm.s32 $_size_execute0_lowered;
	s4 =	sadd.s32 s4, s6;
	[dreg:$0x0] =	wrdreg $0x0  }
0xae: {  	s6 =	sshll.u32 s28, $0x1;
	[dreg:$0x2] =	wrdreg s4  }
0xaf: {  	[dreg:$0x3] =	wrdreg s6  }
0xb0: {  	[dreg:$0x4] =	wrdreg $0xC0  }
0xb1: {  	_ =	task [dreg:s8], $0x5FFFF  }
0xb2: {  	[dreg:$0x1] =	wrdreg $0xFFFFFFFF  }
0xb3: {  	[dreg:$0x0] =	wrdreg $0x60  }
0xb4: {  	[dreg:$0x2] =	wrdreg s24  }
0xb5: {  	[dreg:$0x3] =	wrdreg s16  }
0xb6: {  	[dreg:$0x4] =	wrdreg s17  }
0xb7: {  	[dreg:$0x5] =	wrdreg $0x9  }
0xb8: {  	_ =	task.clear_ibuf [dreg:s8], $0x6FFFF;
	_ =	strace $0x90000046  }
0xb9: {  	s29 =	simm.s32 $0x9;
	_ =	strace $0x80000048  }
0xba: {  	_ =	swait.ge [sflag:s29], $0x1  }
0xbb: {  	[sflag:s29] =	ssyncadd.s32 $0xFFFFFFFF  }
0xbc: {  	_ =	strace $0x90000048  }
0xbd: {  	_ =	sfence  }
0xbe: {  	s30 =	sld [smem:$0x0];
	_ =	sdelay $0x2  }
0xbf: {  	s31 =	sshll.u32 s1, $0xD;
	s1 =	sshrl.u32 s1, $0x2  }
0xc0: {  	s3 =	sand.u32 $0x4000, s31;
	s1 =	sadd.s32 s1, s30  }
0xc1: {  	s0 =	sor.u32 s3, s0;
	s1 =	sshll.u32 s1, $0x11  }
0xc2: {  	s0 =	sor.u32 s1, s0  }
0xc3: {  	s0 =	sadd.s32 $0x8F2B, s0  }
0xc4: {  	[sflag:s0] =	ssyncadd.remote.s32 $0x1  }
0xc5: {  	_ =	sfence.sel $0xFFFF  }
0xc6: {  	[dreg:$0x0] =	wrdreg $0xFFFFFFFF;
	(pc) =	sbr.abs _section_cstart, $3  }
0xc7: {  	[dreg:$0x1] =	wrdreg $0xFFFFFFFF  }
0xc8: {  	_ =	task.clear_ibuf [dreg:s8], $0x2FFFF;
	_ =	strace $0x9FFFFFFF  }
0xc9: {  	(tm) =	ssettm $0x7FFFFFFF  }
tec
execute0_lowered:
.L_overlay_start_1:
0x0: {  	(tag) =	ssettag $0x1  }
0x1: {  	s3 =	rddreg [dreg:$0x0]  }
0x2: {  	s4 =	rddreg [dreg:$0x1]  }
0x3: {  	s5 =	rddreg [dreg:$0x2];
	s2 =	srdreg.scid  }
0x4: {  	s0 =	rddreg [dreg:$0x3];
	s1 =	stileid.u32;
	s9 =	simm.s32 $0x1  }
0x5: {  	s10 =	simm.s32 $0x10000;
	s11 =	simm.s32 $0x10800;
	s12 =	simm.s32 $0x0  }
0x6: {  	s6 =	sand.u32 $0x1, s2;
	s2 =	simm.s32 $0x0;
	s7 =	sshll.u32 s1, $0xB  }
0x7: {  	s8 =	sshll.u32 s6, $0xA;
	[smem:$0x7FF] =	sst s2;
	s6 =	ssub.s32 $0x2, s6  }
0x8: {  	s7 =	sor.u32 s8, s7;
	_ =	strace $0x80000047;
	s31 =	sshrl.u32 s6, $0x1  }
0x9: {  	s8 =	simm.s32 $0x40000;
	s3 =	sadd.s32 s7, s3;
	s7 =	sshrl.u32 s7, $0x2  }
0xa: {  	s6 =	ssub.s32 s6, s31;
	s3 =	sadd.s32 $0xC00, s3;
	s4 =	sadd.s32 s4, s7  }
0xb: {  	v0 =	vimm.s32 $0x0;
	s5 =	sadd.s32 s5, s7;
	s6 =	smax.u32 s6, $0x1;
	s7 =	simm.s32 $0x2000  }
.LBB2_1:
0xc: {  	[tilespmem:s2], [sflag:$0x1] =	stream.strided.gather [hbm4b:s3+s7], $0x10000, s8, s7, $0x38;
	[tilespmem:$0x11000] =	vst v63  }
0xd: {  	s14 =	simm.s32 $0x0;
	_ =	swait.ge [sflag:s9], $0x10000  }
0xe: {  	s13 =	sand.u32 $0x70, s2;
	s14 =	sand.u32 $0x3FFFFC00, s14;
	[sflag:s9] =	ssyncset.done $0x0  }
0xf: {  	s14 =	sor.u32 s13, s14;
	[sflag:s9] =	ssyncadd.s32 $0xFFFF0000  }
0x10: {  	v1 =	vld [tilespmem:s14+$0x80]  }
0x11: {  	v2 =	vld [tilespmem:s14+$0x0];
	_ =	sdelay $0x2  }
0x12: {  	v3 =	vld [tilespmem:s14+$0x100]  }
0x13: {  	vm0 =	vlt.f32 v1, $-Inf;
	vm1 =	vgt.f32 v1, $-Inf  }
0x14: {  	v4 =	vimm.s32 $0x0;
	vm8 =	vgt.f32 v1, v2;
	vm13 =	vmor vm1, vm0  }
0x15: {  	v5 =	vld [tilespmem:s14+$0x180];
	v4 =	vsel vm8, $0xFFFFFFFF, v4;
	vm1 =	vmneg vm8;
	v10 =	vnsel vm13, $0xFF800000, v1  }
0x16: {  	[tilespmem:$0x1FC90] =	vst v4;
	v4 =	vsel vm1, v10, v2  }
0x17: {  	v1 =	vsel vm1, v2, v1;
	vm14 =	vgt.f32 v3, v4  }
0x18: {  	v11 =	vld [tilespmem:s14+$0x200];
	vm2 =	vgt.f32 v3, v1;
	v2 =	vsel vm14, v3, v4  }
0x19: {  	v2 =	vsel vm2, v1, v2  }
0x1a: {  	v1 =	vsel vm2, v3, v1;
	vm15 =	vgt.f32 v5, v2  }
0x1b: {  	v3 =	vld [tilespmem:s14+$0x280];
	vm3 =	vgt.f32 v5, v1;
	v2 =	vsel vm15, v5, v2  }
0x1c: {  	v2 =	vsel vm3, v1, v2  }
0x1d: {  	v1 =	vsel vm3, v5, v1;
	vm9 =	vgt.f32 v11, v2  }
0x1e: {  	v13 =	vld [tilespmem:s14+$0x300];
	vm4 =	vgt.f32 v11, v1;
	v2 =	vsel vm9, v11, v2  }
0x1f: {  	v2 =	vsel vm4, v1, v2  }
0x20: {  	v1 =	vsel vm4, v11, v1;
	vm10 =	vgt.f32 v3, v2  }
0x21: {  	vm5 =	vgt.f32 v3, v1;
	v2 =	vsel vm10, v3, v2  }
0x22: {  	v12 =	vimm.s32 $0x0;
	v14 =	vimm.s32 $0x0;
	v15 =	vld [tilespmem:s14+$0x380];
	v2 =	vsel vm5, v1, v2  }
0x23: {  	v1 =	vsel vm5, v3, v1;
	v3 =	vimm.s32 $0x0;
	vm11 =	vgt.f32 v13, v2  }
0x24: {  	v16 =	vimm.s32 $0x0;
	v18 =	vimm.s32 $0x0;
	v3 =	vsel vm11, $0xFFFFFFFF, v3  }
0x25: {  	v20 =	vimm.s32 $0x0;
	vm6 =	vgt.f32 v13, v1;
	v2 =	vsel vm11, v13, v2;
	[tilespmem:$0x1FCC0] =	vst v3;
	v3 =	vld [tilespmem:s14+$0x2000]  }
0x26: {  	v22 =	vimm.s32 $0x0;
	v24 =	vimm.s32 $0x0;
	v2 =	vsel vm6, v1, v2  }
0x27: {  	v29 =	vimm.s32 $0x0;
	v1 =	vsel vm6, v13, v1;
	vm12 =	vgt.f32 v15, v2  }
0x28: {  	v32 =	vimm.s32 $0x0;
	v17 =	vld [tilespmem:s14+$0x2080];
	vm7 =	vgt.f32 v15, v1;
	v2 =	vsel vm12, v15, v2  }
0x29: {  	v35 =	vimm.s32 $0x0;
	v38 =	vimm.s32 $0x0;
	v2 =	vsel vm7, v1, v2  }
0x2a: {  	v4 =	vsel vm10, $0xFFFFFFFF, v14;
	v1 =	vsel vm7, v15, v1;
	vm8 =	vgt.f32 v3, v2  }
0x2b: {  	[tilespmem:$0x1FCB0] =	vst v4;
	v4 =	vsel vm8, $0xFFFFFFFF, v18;
	v2 =	vsel vm8, v3, v2;
	vm8 =	vgt.f32 v3, v1  }
0x2c: {  	v41 =	vimm.s32 $0x0;
	v19 =	vld [tilespmem:s14+$0x2100];
	v5 =	vsel vm9, $0xFFFFFFFF, v12;
	v2 =	vsel vm8, v1, v2  }
0x2d: {  	v1 =	vsel vm8, v3, v1;
	v3 =	vimm.s32 $0x0;
	vm9 =	vgt.f32 v17, v2  }
0x2e: {  	v44 =	vimm.s32 $0x0;
	v47 =	vimm.s32 $0x0;
	v3 =	vsel vm9, $0xFFFFFFFF, v3  }
0x2f: {  	v50 =	vimm.s32 $0x0;
	v2 =	vsel vm9, v17, v2;
	vm9 =	vgt.f32 v17, v1;
	[tilespmem:$0x1FCF0] =	vst v3;
	v3 =	vld [tilespmem:s14+$0x2180]  }
0x30: {  	v53 =	vimm.s32 $0x0;
	v56 =	vimm.s32 $0x0;
	v2 =	vsel vm9, v1, v2  }
0x31: {  	[tilespmem:$0x1FCA0] =	vst v5;
	v5 =	vsel vm12, $0xFFFFFFFF, v16;
	v1 =	vsel vm9, v17, v1;
	vm10 =	vgt.f32 v19, v2  }
0x32: {  	v21 =	vld [tilespmem:s14+$0x2200];
	[tilespmem:$0x1FCD0] =	vst v5;
	v5 =	vsel vm10, $0xFFFFFFFF, v20;
	v2 =	vsel vm10, v19, v2;
	vm10 =	vgt.f32 v19, v1  }
0x33: {  	v59 =	vimm.s32 $0x0;
	v9 =	vimm.s32 $0x0;
	v7 =	vld [tilespmem:$0x1FC90];
	v2 =	vsel vm10, v1, v2  }
0x34: {  	vm1 =	vmand vm1, vm13;
	v1 =	vsel vm10, v19, v1;
	vm11 =	vgt.f32 v3, v2  }
0x35: {  	[tilespmem:$0x1FCE0] =	vst v4;
	v4 =	vsel vm11, $0xFFFFFFFF, v22;
	v2 =	vsel vm11, v3, v2;
	vm11 =	vgt.f32 v3, v1  }
0x36: {  	v8 =	vimm.s32 $0x0;
	v23 =	vld [tilespmem:s14+$0x2280];
	v6 =	vsel vm1, $0x1, v0;
	v2 =	vsel vm11, v1, v2  }
0x37: {  	v1 =	vsel vm11, v3, v1;
	v3 =	vimm.s32 $0x0;
	vm12 =	vgt.f32 v21, v2  }
0x38: {  	v26 =	vsel vm14, $0x2, v6;
	vm13 =	vnez.u8 v7;
	v3 =	vsel vm12, $0xFFFFFFFF, v3  }
0x39: {  	v7 =	vsel vm13, $0x1, v0;
	v2 =	vsel vm12, v21, v2;
	vm12 =	vgt.f32 v21, v1;
	[tilespmem:$0x1FD20] =	vst v3;
	v3 =	vld [tilespmem:s14+$0x2300]  }
0x3a: {  	v12 =	vimm.s32 $0x0;
	v15 =	vimm.s32 $0x0;
	v2 =	vsel vm12, v1, v2  }
0x3b: {  	v18 =	vimm.s32 $0x0;
	v1 =	vsel vm12, v21, v1;
	vm0 =	vgt.f32 v23, v2  }
0x3c: {  	v25 =	vld [tilespmem:s14+$0x2380];
	[tilespmem:$0x1FD00] =	vst v5;
	v5 =	vsel vm0, $0xFFFFFFFF, v24;
	v2 =	vsel vm0, v23, v2;
	vm0 =	vgt.f32 v23, v1  }
0x3d: {  	[tilespmem:$0x1FD10] =	vst v4;
	v4 =	vsel vm2, v7, v26;
	v7 =	vsel vm2, $0x2, v7;
	v2 =	vsel vm0, v1, v2  }
0x3e: {  	v30 =	vld [tilespmem:$0x1FCA0];
	v21 =	vimm.s32 $0x0;
	v1 =	vsel vm0, v23, v1;
	vm13 =	vgt.f32 v3, v2  }
0x3f: {  	v27 =	vld [tilespmem:s14+$0x4000];
	v24 =	vimm.s32 $0x0;
	vm1 =	vgt.f32 v3, v1;
	v2 =	vsel vm13, v3, v2  }
0x40: {  	v33 =	vld [tilespmem:$0x1FCB0];
	vm14 =	vmmov vm13;
	v2 =	vsel vm1, v1, v2;
	v1 =	vsel vm1, v3, v1  }
0x41: {  	v3 =	vsel vm15, $0x3, v4;
	vm13 =	vgt.f32 v25, v2;
	vm2 =	vgt.f32 v25, v1  }
0x42: {  	v3 =	vsel vm3, v7, v3;
	v7 =	vsel vm3, $0x3, v7;
	v2 =	vsel vm13, v25, v2  }
0x43: {  	v36 =	vld [tilespmem:$0x1FCC0];
	vm15 =	vmmov vm13;
	vm13 =	vnez.u8 v30;
	v30 =	vimm.s32 $0x0  }
0x44: {  	v2 =	vsel vm2, v1, v2;
	v1 =	vsel vm2, v25, v1;
	v3 =	vsel vm13, $0x4, v3  }
0x45: {  	v28 =	vld [tilespmem:s14+$0x4080];
	vm13 =	vnez.u8 v33;
	v33 =	vimm.s32 $0x0;
	vm3 =	vgt.f32 v27, v2  }
0x46: {  	v39 =	vld [tilespmem:$0x1FCD0];
	[tilespmem:$0x1FD30] =	vst v5;
	v3 =	vsel vm4, v7, v3;
	v7 =	vsel vm4, $0x4, v7;
	v5 =	vsel vm3, $0xFFFFFFFF, v29  }
0x47: {  	v2 =	vsel vm3, v27, v2;
	vm3 =	vgt.f32 v27, v1;
	v3 =	vsel vm13, $0x5, v3  }
0x48: {  	v31 =	vld [tilespmem:s14+$0x4100];
	vm13 =	vnez.u8 v36;
	v36 =	vimm.s32 $0x0;
	v2 =	vsel vm3, v1, v2  }
0x49: {  	v42 =	vld [tilespmem:$0x1FCE0];
	v1 =	vsel vm3, v27, v1;
	v3 =	vsel vm5, v7, v3;
	v7 =	vsel vm5, $0x5, v7  }
0x4a: {  	v27 =	vimm.s32 $0x0;
	vm4 =	vgt.f32 v28, v2;
	v3 =	vsel vm13, $0x6, v3  }
0x4b: {  	vm13 =	vnez.u8 v39;
	v39 =	vimm.s32 $0x0;
	v6 =	vsel vm4, $0xFFFFFFFF, v32  }
0x4c: {  	v45 =	vld [tilespmem:$0x1FCF0];
	v2 =	vsel vm4, v28, v2;
	vm4 =	vgt.f32 v28, v1;
	v3 =	vsel vm6, v7, v3  }
0x4d: {  	v34 =	vld [tilespmem:s14+$0x4180];
	v7 =	vsel vm6, $0x6, v7;
	v2 =	vsel vm4, v1, v2;
	v1 =	vsel vm4, v28, v1  }
0x4e: {  	v48 =	vld [tilespmem:$0x1FD00];
	v3 =	vsel vm13, $0x7, v3;
	vm13 =	vnez.u8 v42;
	vm5 =	vgt.f32 v31, v2  }
0x4f: {  	v3 =	vsel vm7, v7, v3;
	v7 =	vsel vm7, $0x7, v7;
	v4 =	vsel vm5, $0xFFFFFFFF, v35  }
0x50: {  	v37 =	vld [tilespmem:s14+$0x4200];
	v2 =	vsel vm5, v31, v2;
	vm5 =	vgt.f32 v31, v1;
	v3 =	vsel vm13, $0x8, v3  }
0x51: {  	v51 =	vld [tilespmem:$0x1FD10];
	vm13 =	vnez.u8 v45;
	v2 =	vsel vm5, v1, v2;
	v1 =	vsel vm5, v31, v1  }
0x52: {  	v3 =	vsel vm8, v7, v3;
	v7 =	vsel vm8, $0x8, v7;
	vm6 =	vgt.f32 v34, v2  }
0x53: {  	[tilespmem:$0x1FD40] =	vst v5;
	v3 =	vsel vm13, $0x9, v3;
	vm13 =	vnez.u8 v48;
	v5 =	vsel vm6, $0xFFFFFFFF, v38  }
0x54: {  	v54 =	vld [tilespmem:$0x1FD20];
	v2 =	vsel vm6, v34, v2;
	vm6 =	vgt.f32 v34, v1;
	v3 =	vsel vm9, v7, v3  }
0x55: {  	v40 =	vld [tilespmem:s14+$0x4280];
	v7 =	vsel vm9, $0x9, v7;
	v2 =	vsel vm6, v1, v2;
	v1 =	vsel vm6, v34, v1  }
0x56: {  	v57 =	vld [tilespmem:$0x1FD30];
	v3 =	vsel vm13, $0xA, v3;
	vm13 =	vnez.u8 v51;
	vm7 =	vgt.f32 v37, v2  }
0x57: {  	[tilespmem:$0x1FD50] =	vst v6;
	v3 =	vsel vm10, v7, v3;
	v7 =	vsel vm10, $0xA, v7;
	v6 =	vsel vm7, $0xFFFFFFFF, v41  }
0x58: {  	v2 =	vsel vm7, v37, v2;
	vm7 =	vgt.f32 v37, v1;
	v3 =	vsel vm13, $0xB, v3  }
0x59: {  	v43 =	vld [tilespmem:s14+$0x4300];
	vm13 =	vnez.u8 v54;
	v2 =	vsel vm7, v1, v2;
	v1 =	vsel vm7, v37, v1  }
0x5a: {  	v3 =	vsel vm11, v7, v3;
	v7 =	vsel vm11, $0xB, v7;
	vm8 =	vgt.f32 v40, v2  }
0x5b: {  	[tilespmem:$0x1FD60] =	vst v4;
	v3 =	vsel vm13, $0xC, v3;
	vm13 =	vnez.u8 v57;
	v4 =	vsel vm8, $0xFFFFFFFF, v44  }
0x5c: {  	v46 =	vld [tilespmem:s14+$0x4380];
	v2 =	vsel vm8, v40, v2;
	vm8 =	vgt.f32 v40, v1;
	v3 =	vsel vm12, v7, v3  }
0x5d: {  	v7 =	vsel vm12, $0xC, v7;
	v44 =	vimm.s32 $0x0;
	v2 =	vsel vm8, v1, v2  }
0x5e: {  	v1 =	vsel vm8, v40, v1;
	v3 =	vsel vm13, $0xD, v3;
	vm9 =	vgt.f32 v43, v2  }
0x5f: {  	v49 =	vld [tilespmem:s14+$0x6000];
	[tilespmem:$0x1FD70] =	vst v5;
	v5 =	vsel vm9, $0xFFFFFFFF, v47;
	v2 =	vsel vm9, v43, v2;
	vm9 =	vgt.f32 v43, v1  }
0x60: {  	v3 =	vsel vm0, v7, v3;
	v7 =	vsel vm0, $0xD, v7;
	v2 =	vsel vm9, v1, v2  }
0x61: {  	v3 =	vsel vm14, $0xE, v3;
	v1 =	vsel vm9, v43, v1;
	vm10 =	vgt.f32 v46, v2  }
0x62: {  	v52 =	vld [tilespmem:s14+$0x6080];
	[tilespmem:$0x1FD80] =	vst v6;
	v6 =	vsel vm10, $0xFFFFFFFF, v50;
	v2 =	vsel vm10, v46, v2;
	vm10 =	vgt.f32 v46, v1  }
0x63: {  	v3 =	vsel vm1, v7, v3;
	v7 =	vsel vm1, $0xE, v7;
	v2 =	vsel vm10, v1, v2  }
0x64: {  	v3 =	vsel vm15, $0xF, v3;
	v1 =	vsel vm10, v46, v1;
	vm11 =	vgt.f32 v49, v2  }
0x65: {  	v55 =	vld [tilespmem:s14+$0x6100];
	[tilespmem:$0x1FD90] =	vst v4;
	v4 =	vsel vm11, $0xFFFFFFFF, v53;
	v2 =	vsel vm11, v49, v2;
	vm11 =	vgt.f32 v49, v1  }
0x66: {  	v47 =	vimm.s32 $0x0;
	v3 =	vsel vm2, v7, v3;
	v2 =	vsel vm11, v1, v2  }
0x67: {  	v62 =	vld [tilespmem:$0x1FD40];
	v7 =	vsel vm2, $0xF, v7;
	v1 =	vsel vm11, v49, v1;
	vm12 =	vgt.f32 v52, v2  }
0x68: {  	v10 =	vld [tilespmem:$0x1FD50];
	[tilespmem:$0x1FDA0] =	vst v5;
	v5 =	vsel vm12, $0xFFFFFFFF, v56;
	v2 =	vsel vm12, v52, v2;
	vm12 =	vgt.f32 v52, v1  }
0x69: {  	v58 =	vld [tilespmem:s14+$0x6180];
	v50 =	vimm.s32 $0x0;
	v53 =	vimm.s32 $0x0;
	v2 =	vsel vm12, v1, v2  }
0x6a: {  	v56 =	vimm.s32 $0x0;
	v1 =	vsel vm12, v52, v1;
	vm13 =	vgt.f32 v55, v2  }
0x6b: {  	v13 =	vld [tilespmem:$0x1FD60];
	[tilespmem:$0x1FDB0] =	vst v6;
	vm0 =	vgt.f32 v55, v1;
	v6 =	vsel vm13, $0xFFFFFFFF, v59;
	v2 =	vsel vm13, v55, v2  }
0x6c: {  	v60 =	vld [tilespmem:s14+$0x6200];
	vm13 =	vnez.u8 v62;
	v59 =	vimm.s32 $0x0;
	v2 =	vsel vm0, v1, v2  }
0x6d: {  	v16 =	vld [tilespmem:$0x1FD70];
	v1 =	vsel vm0, v55, v1;
	v3 =	vsel vm13, $0x10, v3;
	vm13 =	vnez.u8 v10  }
0x6e: {  	vm14 =	vgt.f32 v58, v2;
	vm1 =	vgt.f32 v58, v1;
	v3 =	vsel vm3, v7, v3  }
0x6f: {  	v61 =	vld [tilespmem:s14+$0x6280];
	v7 =	vsel vm3, $0x10, v7;
	v2 =	vsel vm14, v58, v2;
	v3 =	vsel vm13, $0x11, v3  }
0x70: {  	v19 =	vld [tilespmem:$0x1FD80];
	vm13 =	vnez.u8 v13;
	v2 =	vsel vm1, v1, v2;
	v1 =	vsel vm1, v58, v1  }
0x71: {  	v3 =	vsel vm4, v7, v3;
	v7 =	vsel vm4, $0x11, v7;
	vm15 =	vgt.f32 v60, v2  }
0x72: {  	vm2 =	vgt.f32 v60, v1;
	v3 =	vsel vm13, $0x12, v3;
	vm13 =	vnez.u8 v16  }
0x73: {  	v22 =	vld [tilespmem:$0x1FD90];
	v2 =	vsel vm15, v60, v2;
	v3 =	vsel vm5, v7, v3;
	v7 =	vsel vm5, $0x12, v7  }
0x74: {  	v63 =	vld [tilespmem:s14+$0x6300];
	v2 =	vsel vm2, v1, v2;
	v1 =	vsel vm2, v60, v1;
	v3 =	vsel vm13, $0x13, v3  }
0x75: {  	v25 =	vld [tilespmem:$0x1FDA0];
	vm13 =	vnez.u8 v19;
	v60 =	vimm.s32 $0x0;
	vm3 =	vgt.f32 v61, v2  }
0x76: {  	[tilespmem:$0x1FDE0] =	vst v6;
	v3 =	vsel vm6, v7, v3;
	v7 =	vsel vm6, $0x13, v7;
	v6 =	vsel vm3, $0xFFFFFFFF, v9  }
0x77: {  	v2 =	vsel vm3, v61, v2;
	vm3 =	vgt.f32 v61, v1;
	v3 =	vsel vm13, $0x14, v3  }
0x78: {  	v28 =	vld [tilespmem:$0x1FDB0];
	vm13 =	vnez.u8 v22;
	v2 =	vsel vm3, v1, v2;
	v1 =	vsel vm3, v61, v1  }
0x79: {  	v11 =	vld [tilespmem:s14+$0x6380];
	v3 =	vsel vm7, v7, v3;
	v7 =	vsel vm7, $0x14, v7;
	vm4 =	vgt.f32 v63, v2  }
0x7a: {  	[tilespmem:$0x1FDC0] =	vst v4;
	v3 =	vsel vm13, $0x15, v3;
	vm13 =	vnez.u8 v25;
	v4 =	vsel vm4, $0xFFFFFFFF, v12  }
0x7b: {  	v2 =	vsel vm4, v63, v2;
	vm4 =	vgt.f32 v63, v1;
	v3 =	vsel vm8, v7, v3  }
0x7c: {  	v31 =	vld [tilespmem:$0x1FDC0];
	v7 =	vsel vm8, $0x15, v7;
	v12 =	vimm.s32 $0x0;
	v2 =	vsel vm4, v1, v2  }
0x7d: {  	v1 =	vsel vm4, v63, v1;
	v3 =	vsel vm13, $0x16, v3;
	vm13 =	vnez.u8 v28  }
0x7e: {  	v14 =	vld [tilespmem:s14+$0x8000];
	v63 =	vimm.s32 $0x0;
	v28 =	vimm.s32 $0x0;
	vm5 =	vgt.f32 v11, v2  }
0x7f: {  	[tilespmem:$0x1FDD0] =	vst v5;
	v3 =	vsel vm9, v7, v3;
	v7 =	vsel vm9, $0x16, v7;
	v5 =	vsel vm5, $0xFFFFFFFF, v15  }
0x80: {  	v34 =	vld [tilespmem:$0x1FDD0];
	v2 =	vsel vm5, v11, v2;
	vm5 =	vgt.f32 v11, v1;
	v3 =	vsel vm13, $0x17, v3  }
0x81: {  	v17 =	vld [tilespmem:s14+$0x8080];
	vm13 =	vnez.u8 v31;
	v15 =	vimm.s32 $0x0;
	v31 =	vimm.s32 $0x0  }
0x82: {  	v2 =	vsel vm5, v1, v2;
	v1 =	vsel vm5, v11, v1;
	v3 =	vsel vm10, v7, v3  }
0x83: {  	v7 =	vsel vm10, $0x17, v7;
	vm6 =	vgt.f32 v14, v2;
	v3 =	vsel vm13, $0x18, v3  }
0x84: {  	v20 =	vld [tilespmem:s14+$0x8100];
	[tilespmem:$0x1FDF0] =	vst v6;
	v6 =	vsel vm6, $0xFFFFFFFF, v18;
	v2 =	vsel vm6, v14, v2;
	vm6 =	vgt.f32 v14, v1  }
0x85: {  	vm13 =	vnez.u8 v34;
	v34 =	vimm.s32 $0x0;
	v2 =	vsel vm6, v1, v2  }
0x86: {  	v37 =	vld [tilespmem:$0x1FDE0];
	v3 =	vsel vm11, v7, v3;
	v1 =	vsel vm6, v14, v1;
	vm7 =	vgt.f32 v17, v2  }
0x87: {  	v23 =	vld [tilespmem:s14+$0x8180];
	[tilespmem:$0x1FE00] =	vst v4;
	v4 =	vsel vm7, $0xFFFFFFFF, v21;
	v2 =	vsel vm7, v17, v2;
	vm7 =	vgt.f32 v17, v1  }
0x88: {  	v7 =	vsel vm11, $0x18, v7;
	v18 =	vimm.s32 $0x0;
	v2 =	vsel vm7, v1, v2  }
0x89: {  	v3 =	vsel vm13, $0x19, v3;
	v1 =	vsel vm7, v17, v1;
	vm8 =	vgt.f32 v20, v2  }
0x8a: {  	v26 =	vld [tilespmem:s14+$0x8200];
	[tilespmem:$0x1FE10] =	vst v5;
	v5 =	vsel vm8, $0xFFFFFFFF, v24;
	v2 =	vsel vm8, v20, v2;
	vm8 =	vgt.f32 v20, v1  }
0x8b: {  	vm13 =	vnez.u8 v37;
	v37 =	vimm.s32 $0x0;
	v2 =	vsel vm8, v1, v2  }
0x8c: {  	v3 =	vsel vm12, v7, v3;
	v1 =	vsel vm8, v20, v1;
	vm9 =	vgt.f32 v23, v2  }
0x8d: {  	v29 =	vld [tilespmem:s14+$0x8280];
	[tilespmem:$0x1FE20] =	vst v6;
	v6 =	vsel vm9, $0xFFFFFFFF, v27;
	v2 =	vsel vm9, v23, v2;
	vm9 =	vgt.f32 v23, v1  }
0x8e: {  	v7 =	vsel vm12, $0x19, v7;
	v3 =	vsel vm13, $0x1A, v3;
	v2 =	vsel vm9, v1, v2  }
0x8f: {  	v21 =	vimm.s32 $0x0;
	v1 =	vsel vm9, v23, v1;
	vm10 =	vgt.f32 v26, v2  }
0x90: {  	v32 =	vld [tilespmem:s14+$0x8300];
	[tilespmem:$0x1FE30] =	vst v4;
	v4 =	vsel vm10, $0xFFFFFFFF, v30;
	v2 =	vsel vm10, v26, v2;
	vm10 =	vgt.f32 v26, v1  }
0x91: {  	v3 =	vsel vm0, v7, v3;
	v7 =	vsel vm0, $0x1A, v7;
	v2 =	vsel vm10, v1, v2  }
0x92: {  	v3 =	vsel vm14, $0x1B, v3;
	v1 =	vsel vm10, v26, v1;
	vm11 =	vgt.f32 v29, v2  }
0x93: {  	v35 =	vld [tilespmem:s14+$0x8380];
	[tilespmem:$0x1FE40] =	vst v5;
	v5 =	vsel vm11, $0xFFFFFFFF, v33;
	v2 =	vsel vm11, v29, v2;
	vm11 =	vgt.f32 v29, v1  }
0x94: {  	v3 =	vsel vm1, v7, v3;
	v7 =	vsel vm1, $0x1B, v7;
	v2 =	vsel vm11, v1, v2  }
0x95: {  	v42 =	vld [tilespmem:$0x1FDF0];
	v3 =	vsel vm15, $0x1C, v3;
	v1 =	vsel vm11, v29, v1;
	vm12 =	vgt.f32 v32, v2  }
0x96: {  	v45 =	vld [tilespmem:$0x1FE00];
	[tilespmem:$0x1FE50] =	vst v6;
	v6 =	vsel vm12, $0xFFFFFFFF, v36;
	v2 =	vsel vm12, v32, v2;
	vm12 =	vgt.f32 v32, v1  }
0x97: {  	v38 =	vld [tilespmem:s14+$0xA000];
	v24 =	vimm.s32 $0x0;
	v3 =	vsel vm2, v7, v3;
	v2 =	vsel vm12, v1, v2  }
0x98: {  	v7 =	vsel vm2, $0x1C, v7;
	v1 =	vsel vm12, v32, v1;
	vm13 =	vgt.f32 v35, v2  }
0x99: {  	v26 =	vimm.s32 $0x0;
	vm0 =	vgt.f32 v35, v1;
	v2 =	vsel vm13, v35, v2  }
0x9a: {  	v48 =	vld [tilespmem:$0x1FE10];
	[tilespmem:$0x1FE60] =	vst v4;
	v4 =	vsel vm13, $0xFFFFFFFF, v39;
	vm13 =	vnez.u8 v42;
	v2 =	vsel vm0, v1, v2  }
0x9b: {  	v40 =	vld [tilespmem:s14+$0xA080];
	v1 =	vsel vm0, v35, v1;
	v3 =	vsel vm13, $0x1D, v3;
	vm13 =	vnez.u8 v45  }
0x9c: {  	v45 =	vimm.s32 $0x0;
	vm14 =	vgt.f32 v38, v2;
	vm1 =	vgt.f32 v38, v1  }
0x9d: {  	v51 =	vld [tilespmem:$0x1FE20];
	v3 =	vsel vm3, v7, v3;
	v7 =	vsel vm3, $0x1D, v7;
	v2 =	vsel vm14, v38, v2  }
0x9e: {  	v41 =	vld [tilespmem:s14+$0xA100];
	v3 =	vsel vm13, $0x1E, v3;
	v2 =	vsel vm1, v1, v2;
	v1 =	vsel vm1, v38, v1  }
0x9f: {  	v54 =	vld [tilespmem:$0x1FE30];
	v3 =	vsel vm4, v7, v3;
	v7 =	vsel vm4, $0x1E, v7;
	vm4 =	vnez.u8 v48  }
0xa0: {  	vm15 =	vgt.f32 v40, v2;
	vm2 =	vgt.f32 v40, v1;
	v3 =	vsel vm4, $0x1F, v3  }
0xa1: {  	v57 =	vld [tilespmem:$0x1FE40];
	v2 =	vsel vm15, v40, v2;
	v3 =	vsel vm5, v7, v3;
	v7 =	vsel vm5, $0x1F, v7  }
0xa2: {  	v43 =	vld [tilespmem:s14+$0xA180];
	vm5 =	vnez.u8 v51;
	v2 =	vsel vm2, v1, v2;
	v1 =	vsel vm2, v40, v1  }
0xa3: {  	v61 =	vld [tilespmem:$0x1FE50];
	v3 =	vsel vm5, $0x20, v3;
	vm3 =	vgt.f32 v41, v2;
	vm13 =	vgt.f32 v41, v1  }
0xa4: {  	v3 =	vsel vm6, v7, v3;
	v7 =	vsel vm6, $0x20, v7;
	vm6 =	vnez.u8 v54  }
0xa5: {  	[tilespmem:$0x1FE90] =	vst v4;
	v4 =	vsel vm3, $0xFFFFFFFF, v44;
	v2 =	vsel vm3, v41, v2;
	v3 =	vsel vm6, $0x21, v3  }
0xa6: {  	v46 =	vld [tilespmem:s14+$0xA200];
	vm6 =	vnez.u8 v57;
	v2 =	vsel vm13, v1, v2;
	v1 =	vsel vm13, v41, v1  }
0xa7: {  	v13 =	vld [tilespmem:$0x1FE60];
	v3 =	vsel vm7, v7, v3;
	v7 =	vsel vm7, $0x21, v7;
	vm3 =	vgt.f32 v43, v2  }
0xa8: {  	[tilespmem:$0x1FE70] =	vst v5;
	v3 =	vsel vm6, $0x22, v3;
	vm6 =	vnez.u8 v61;
	v5 =	vsel vm3, $0xFFFFFFFF, v47  }
0xa9: {  	v49 =	vld [tilespmem:s14+$0xA280];
	v2 =	vsel vm3, v43, v2;
	vm3 =	vgt.f32 v43, v1;
	v3 =	vsel vm8, v7, v3  }
0xaa: {  	v16 =	vld [tilespmem:$0x1FE70];
	v7 =	vsel vm8, $0x22, v7;
	v2 =	vsel vm3, v1, v2;
	v3 =	vsel vm6, $0x23, v3  }
0xab: {  	v1 =	vsel vm3, v43, v1;
	vm4 =	vgt.f32 v46, v2;
	v3 =	vsel vm9, v7, v3  }
0xac: {  	[tilespmem:$0x1FE80] =	vst v6;
	v7 =	vsel vm9, $0x23, v7;
	vm9 =	vnez.u8 v13;
	v6 =	vsel vm4, $0xFFFFFFFF, v50  }
0xad: {  	v52 =	vld [tilespmem:s14+$0xA300];
	v2 =	vsel vm4, v46, v2;
	vm4 =	vgt.f32 v46, v1;
	v3 =	vsel vm9, $0x24, v3  }
0xae: {  	v2 =	vsel vm4, v1, v2;
	v1 =	vsel vm4, v46, v1;
	v3 =	vsel vm10, v7, v3  }
0xaf: {  	v7 =	vsel vm10, $0x24, v7;
	vm10 =	vnez.u8 v16;
	vm5 =	vgt.f32 v49, v2  }
0xb0: {  	v55 =	vld [tilespmem:s14+$0xA380];
	[tilespmem:$0x1FEA0] =	vst v4;
	v4 =	vsel vm5, $0xFFFFFFFF, v53;
	v2 =	vsel vm5, v49, v2;
	vm5 =	vgt.f32 v49, v1  }
0xb1: {  	v19 =	vld [tilespmem:$0x1FE80];
	v41 =	vimm.s32 $0x0;
	v3 =	vsel vm10, $0x25, v3;
	v2 =	vsel vm5, v1, v2  }
0xb2: {  	v8 =	vsel vm5, $0xFFFFFFFF, v8;
	v1 =	vsel vm5, v49, v1;
	vm5 =	vgt.f32 v52, v2  }
0xb3: {  	v58 =	vld [tilespmem:s14+$0xC000];
	[tilespmem:$0x1FEB0] =	vst v5;
	v5 =	vsel vm5, $0xFFFFFFFF, v56;
	v2 =	vsel vm5, v52, v2;
	vm5 =	vgt.f32 v52, v1  }
0xb4: {  	v3 =	vsel vm11, v7, v3;
	v7 =	vsel vm11, $0x25, v7;
	v2 =	vsel vm5, v1, v2  }
0xb5: {  	v22 =	vld [tilespmem:$0x1FE90];
	[tilespmem:$0x1FEE0] =	vst v8;
	v8 =	vsel vm5, $0xFFFFFFFF, v59;
	v1 =	vsel vm5, v52, v1;
	vm5 =	vgt.f32 v55, v2  }
0xb6: {  	v62 =	vld [tilespmem:s14+$0xC080];
	vm11 =	vnez.u8 v19;
	vm8 =	vgt.f32 v55, v1;
	v2 =	vsel vm5, v55, v2  }
0xb7: {  	v3 =	vsel vm11, $0x26, v3;
	v49 =	vimm.s32 $0x0;
	v2 =	vsel vm8, v1, v2  }
0xb8: {  	[tilespmem:$0x1FEC0] =	vst v6;
	v6 =	vsel vm5, $0xFFFFFFFF, v60;
	v1 =	vsel vm8, v55, v1;
	vm5 =	vgt.f32 v58, v2  }
0xb9: {  	v14 =	vld [tilespmem:s14+$0xC100];
	v3 =	vsel vm12, v7, v3;
	vm9 =	vgt.f32 v58, v1;
	v2 =	vsel vm5, v58, v2  }
0xba: {  	v7 =	vsel vm12, $0x26, v7;
	vm12 =	vnez.u8 v22;
	v2 =	vsel vm9, v1, v2  }
0xbb: {  	[tilespmem:$0x1FED0] =	vst v4;
	v4 =	vsel vm5, $0xFFFFFFFF, v12;
	v1 =	vsel vm9, v58, v1;
	vm5 =	vgt.f32 v62, v2  }
0xbc: {  	v17 =	vld [tilespmem:s14+$0xC180];
	v3 =	vsel vm12, $0x27, v3;
	vm10 =	vgt.f32 v62, v1;
	v2 =	vsel vm5, v62, v2  }
0xbd: {  	v3 =	vsel vm0, v7, v3;
	v7 =	vsel vm0, $0x27, v7;
	v2 =	vsel vm10, v1, v2  }
0xbe: {  	v29 =	vld [tilespmem:$0x1FEA0];
	[tilespmem:$0x1FEF0] =	vst v5;
	v5 =	vsel vm5, $0xFFFFFFFF, v15;
	v1 =	vsel vm10, v62, v1;
	vm5 =	vgt.f32 v14, v2  }
0xbf: {  	v20 =	vld [tilespmem:s14+$0xC200];
	v3 =	vsel vm14, $0x28, v3;
	vm11 =	vgt.f32 v14, v1;
	v2 =	vsel vm5, v14, v2  }
0xc0: {  	[tilespmem:$0x1FF00] =	vst v8;
	v8 =	vsel vm8, $0xFFFFFFFF, v63;
	v3 =	vsel vm1, v7, v3;
	v2 =	vsel vm11, v1, v2  }
0xc1: {  	[tilespmem:$0x1FF10] =	vst v6;
	v6 =	vsel vm5, $0xFFFFFFFF, v18;
	v1 =	vsel vm11, v14, v1;
	vm5 =	vgt.f32 v17, v2  }
0xc2: {  	v23 =	vld [tilespmem:s14+$0xC280];
	v7 =	vsel vm1, $0x28, v7;
	vm12 =	vgt.f32 v17, v1;
	v2 =	vsel vm5, v17, v2  }
0xc3: {  	v3 =	vsel vm15, $0x29, v3;
	vm8 =	vnez.u8 v29;
	v2 =	vsel vm12, v1, v2  }
0xc4: {  	v32 =	vld [tilespmem:$0x1FEB0];
	[tilespmem:$0x1FF30] =	vst v4;
	v4 =	vsel vm5, $0xFFFFFFFF, v21;
	v1 =	vsel vm12, v17, v1;
	vm5 =	vgt.f32 v20, v2  }
0xc5: {  	v25 =	vld [tilespmem:s14+$0xC300];
	v3 =	vsel vm2, v7, v3;
	vm14 =	vgt.f32 v20, v1;
	v2 =	vsel vm5, v20, v2  }
0xc6: {  	v7 =	vsel vm2, $0x29, v7;
	v3 =	vsel vm8, $0x2A, v3;
	v2 =	vsel vm14, v1, v2  }
0xc7: {  	v3 =	vsel vm13, v7, v3;
	v1 =	vsel vm14, v20, v1;
	vm6 =	vgt.f32 v23, v2  }
0xc8: {  	v27 =	vld [tilespmem:s14+$0xC380];
	v7 =	vsel vm13, $0x2A, v7;
	vm15 =	vgt.f32 v23, v1;
	v2 =	vsel vm6, v23, v2  }
0xc9: {  	v30 =	vld [tilespmem:s14+$0xE000];
	[tilespmem:$0x1FF40] =	vst v5;
	v5 =	vsel vm5, $0xFFFFFFFF, v24;
	vm5 =	vnez.u8 v32;
	v2 =	vsel vm15, v1, v2  }
0xca: {  	v35 =	vld [tilespmem:$0x1FEC0];
	v3 =	vsel vm5, $0x2B, v3;
	v1 =	vsel vm15, v23, v1;
	vm7 =	vgt.f32 v25, v2  }
0xcb: {  	v38 =	vld [tilespmem:$0x1FED0];
	v3 =	vsel vm3, v7, v3;
	vm8 =	vgt.f32 v25, v1;
	v2 =	vsel vm7, v25, v2  }
0xcc: {  	v40 =	vld [tilespmem:$0x1FEE0];
	[tilespmem:$0x1FF50] =	vst v6;
	v7 =	vsel vm3, $0x2B, v7;
	v6 =	vsel vm6, $0xFFFFFFFF, v26;
	v2 =	vsel vm8, v1, v2  }
0xcd: {  	[tilespmem:$0x1FF60] =	vst v4;
	v4 =	vsel vm7, $0xFFFFFFFF, v28;
	v1 =	vsel vm8, v25, v1;
	vm13 =	vgt.f32 v27, v2  }
0xce: {  	[tilespmem:$0x1FF70] =	vst v5;
	vm7 =	vgt.f32 v27, v1;
	v5 =	vsel vm13, $0xFFFFFFFF, v31;
	v2 =	vsel vm13, v27, v2  }
0xcf: {  	v33 =	vld [tilespmem:s14+$0xE080];
	vm13 =	vnez.u8 v35;
	v2 =	vsel vm7, v1, v2;
	v1 =	vsel vm7, v27, v1  }
0xd0: {  	v3 =	vsel vm13, $0x2C, v3;
	vm13 =	vnez.u8 v38;
	vm6 =	vgt.f32 v30, v2  }
0xd1: {  	v42 =	vld [tilespmem:$0x1FEF0];
	v3 =	vsel vm4, v7, v3;
	v7 =	vsel vm4, $0x2C, v7;
	vm4 =	vnez.u8 v40  }
0xd2: {  	v36 =	vld [tilespmem:s14+$0xE100];
	[tilespmem:$0x1FF80] =	vst v6;
	v6 =	vsel vm6, $0xFFFFFFFF, v34;
	v2 =	vsel vm6, v30, v2;
	vm6 =	vgt.f32 v30, v1  }
0xd3: {  	v44 =	vld [tilespmem:$0x1FF00];
	v3 =	vsel vm13, $0x2D, v3;
	v2 =	vsel vm6, v1, v2;
	v1 =	vsel vm6, v30, v1  }
0xd4: {  	v39 =	vld [tilespmem:s14+$0xE180];
	[tilespmem:$0x1FF20] =	vst v8;
	v3 =	vsel vm4, v7, v3;
	v7 =	vsel vm4, $0x2D, v7;
	vm5 =	vgt.f32 v33, v2  }
0xd5: {  	v46 =	vld [tilespmem:$0x1FF10];
	[tilespmem:$0x1FF90] =	vst v4;
	v4 =	vsel vm5, $0xFFFFFFFF, v37;
	v2 =	vsel vm5, v33, v2;
	vm5 =	vgt.f32 v33, v1  }
0xd6: {  	v48 =	vld [tilespmem:$0x1FF20];
	vm4 =	vnez.u8 v42;
	v2 =	vsel vm5, v1, v2;
	v1 =	vsel vm5, v33, v1  }
0xd7: {  	v3 =	vsel vm4, $0x2E, v3;
	vm13 =	vgt.f32 v36, v2;
	vm4 =	vgt.f32 v36, v1  }
0xd8: {  	v50 =	vld [tilespmem:$0x1FF30];
	[tilespmem:$0x1FFA0] =	vst v5;
	v5 =	vsel vm13, $0xFFFFFFFF, v41;
	v2 =	vsel vm13, v36, v2;
	vm13 =	vnez.u8 v44  }
0xd9: {  	v43 =	vld [tilespmem:s14+$0xE200];
	v3 =	vsel vm13, v7, v3;
	v2 =	vsel vm4, v1, v2;
	v7 =	vsel vm13, $0x2E, v7  }
0xda: {  	v1 =	vsel vm4, v36, v1;
	vm13 =	vnez.u8 v46;
	vm1 =	vgt.f32 v39, v2  }
0xdb: {  	v52 =	vld [tilespmem:$0x1FF40];
	v3 =	vsel vm13, $0x2F, v3;
	vm3 =	vgt.f32 v39, v1;
	vm13 =	vnez.u8 v48  }
0xdc: {  	v54 =	vld [tilespmem:$0x1FF50];
	[tilespmem:$0x1FFB0] =	vst v6;
	v6 =	vsel vm1, $0xFFFFFFFF, v45;
	v2 =	vsel vm1, v39, v2;
	v3 =	vsel vm13, v7, v3  }
0xdd: {  	v47 =	vld [tilespmem:s14+$0xE280];
	v7 =	vsel vm13, $0x2F, v7;
	vm13 =	vnez.u8 v50;
	v2 =	vsel vm3, v1, v2  }
0xde: {  	v1 =	vsel vm3, v39, v1;
	v3 =	vsel vm13, $0x30, v3;
	vm1 =	vgt.f32 v43, v2  }
0xdf: {  	vm2 =	vgt.f32 v43, v1;
	v3 =	vsel vm9, v7, v3;
	v7 =	vsel vm9, $0x30, v7  }
0xe0: {  	v51 =	vld [tilespmem:s14+$0xE300];
	[tilespmem:$0x1FFC0] =	vst v4;
	vm9 =	vnez.u8 v52;
	v4 =	vsel vm1, $0xFFFFFFFF, v49;
	v2 =	vsel vm1, v43, v2  }
0xe1: {  	v56 =	vld [tilespmem:$0x1FF60];
	v3 =	vsel vm9, $0x31, v3;
	vm9 =	vnez.u8 v54;
	v2 =	vsel vm2, v1, v2  }
0xe2: {  	v1 =	vsel vm2, v43, v1;
	v3 =	vsel vm10, v7, v3;
	vm13 =	vgt.f32 v47, v2  }
0xe3: {  	v53 =	vld [tilespmem:s14+$0xE380];
	v7 =	vsel vm10, $0x31, v7;
	vm1 =	vgt.f32 v47, v1;
	v2 =	vsel vm13, v47, v2  }
0xe4: {  	v58 =	vld [tilespmem:$0x1FF70];
	v3 =	vsel vm9, $0x32, v3;
	v55 =	vsel vm11, $0x32, v7;
	v2 =	vsel vm1, v1, v2  }
0xe5: {  	v3 =	vsel vm11, v7, v3;
	v1 =	vsel vm1, v47, v1;
	vm10 =	vgt.f32 v51, v2  }
0xe6: {  	v59 =	vld [tilespmem:$0x1FF80];
	vm11 =	vnez.u8 v56;
	vm0 =	vgt.f32 v51, v1;
	v2 =	vsel vm10, v51, v2  }
0xe7: {  	v57 =	vsel vm12, $0x33, v55;
	v3 =	vsel vm11, $0x33, v3;
	v2 =	vsel vm0, v1, v2  }
0xe8: {  	v60 =	vld [tilespmem:$0x1FF90];
	v3 =	vsel vm12, v55, v3;
	v1 =	vsel vm0, v51, v1;
	vm9 =	vgt.f32 v53, v2  }
0xe9: {  	vm12 =	vnez.u8 v58;
	vm11 =	vgt.f32 v53, v1;
	v2 =	vsel vm9, v53, v2  }
0xea: {  	v3 =	vsel vm12, $0x34, v3;
	v2 =	vsel vm11, v1, v2;
	v1 =	vsel vm11, v53, v1  }
0xeb: {  	vm12 =	vnez.u8 v59;
	v1 =	vsub.f32 v2, v1;
	v2 =	vsel vm14, v57, v3  }
0xec: {  	v3 =	vsel vm14, $0x34, v57;
	v2 =	vsel vm12, $0x35, v2  }
0xed: {  	vm12 =	vnez.u8 v60;
	v1 =	vmul.f32 $1.442695020e+00, v1;
	v2 =	vsel vm15, v3, v2  }
0xee: {  	v3 =	vsel vm15, $0x35, v3;
	v2 =	vsel vm12, $0x36, v2  }
0xef: {  	(erf) = vpow2.f32 v1;
	v1 =	vsel vm8, v3, v2;
	v2 =	vsel vm8, $0x36, v3;
	v3 =	vld [tilespmem:$0x1FFA0];
	_ =	sdelay $0x4  }
0xf0: {  	vm12 =	vnez.u8 v3;
	v3 =	vld [tilespmem:$0x1FFB0];
	_ =	sdelay $0x4  }
0xf1: {  	vm14 =	vnez.u8 v3;
	v3 =	vld [tilespmem:$0x1FFC0];
	_ =	sdelay $0x3  }
0xf2: {  	[tilespmem:$0x1FFD0] =	vst v5  }
0xf3: {  	v1 =	vsel vm12, $0x37, v1;
	vm15 =	vnez.u8 v3;
	v3 =	vld [tilespmem:$0x1FFD0]  }
0xf4: {  	[tilespmem:$0x1FFE0] =	vst v6;
	v1 =	vsel vm7, v2, v1  }
0xf5: {  	v61 =	vld [tilespmem:$0x1FFE0];
	v2 =	vsel vm7, $0x37, v2;
	v1 =	vsel vm14, $0x38, v1  }
0xf6: {  	[tilespmem:$0x1FFF0] =	vst v4;
	v1 =	vsel vm6, v2, v1  }
0xf7: {  	v63 =	vld [tilespmem:$0x1FFF0];
	v2 =	vsel vm6, $0x38, v2;
	v1 =	vsel vm15, $0x39, v1  }
0xf8: {  	v1 =	vsel vm5, v2, v1;
	vm12 =	vnez.u8 v3  }
0xf9: {  	v2 =	vsel vm5, $0x39, v2;
	v1 =	vsel vm12, $0x3A, v1  }
0xfa: {  	vm14 =	vnez.u8 v61;
	v1 =	vsel vm4, v2, v1  }
0xfb: {  	v3 =	vpop (erf);
	v2 =	vsel vm4, $0x3A, v2;
	v1 =	vsel vm14, $0x3B, v1  }
0xfc: {  	vm15 =	vnez.u8 v63;
	v62 =	vadd.f32 $1.000000000e+00, v3;
	v1 =	vsel vm3, v2, v1  }
0xfd: {  	v2 =	vsel vm3, $0x3B, v2;
	v1 =	vsel vm15, $0x3C, v1  }
0xfe: {  	(erf) = vrcp.f32 v62;
	v1 =	vsel vm2, v2, v1  }
0xff: {  	v2 =	vsel vm2, $0x3C, v2;
	v1 =	vsel vm13, $0x3D, v1  }
0x100: {  	v1 =	vsel vm1, v2, v1  }
0x101: {  	v2 =	vsel vm1, $0x3D, v2;
	v1 =	vsel vm10, $0x3E, v1  }
0x102: {  	v1 =	vsel vm0, v2, v1  }
0x103: {  	s31 =	simm.s32 $0x0;
	v2 =	vsel vm0, $0x3E, v2;
	v1 =	vsel vm9, $0x3F, v1  }
0x104: {  	s14 =	sand.u32 $0xFFFFFF00, s31;
	v1 =	vsel vm11, v2, v1  }
0x105: {  	s17 =	sor.u32 s13, s14  }
0x106: {  	v2 =	vsel vm11, $0x3F, v2;
	[tilespmem:s17+$0x10880] =	vst v1  }
0x107: {  	s18 =	simm.s32 $0x80;
	s15 =	simm.s32 $0x10;
	s16 =	simm.s32 $0x2;
	[tilespmem:s17+$0x10800] =	vst v2;
	v1 =	vpop (erf)  }
0x108: {  	s18 =	sand.u32 $0x3FFFFC00, s18;
	s13 =	simm.s32 $0x1;
	s14 =	sand.u32 $0x70, s15;
	[tilespmem:s17+$0x10000] =	vst v1;
	v1 =	vmul.f32 v1, v3  }
.LBB2_2:
0x109: {  	p0 =	sne.s32 s16, $0x3F  }
0x10a: {  	s18 =	sor.u32 s14, s18;
	[tilespmem:s17+$0x10080] =	vst v1;
	s17 =	smov.u32 s16;
	s16 =	sadd.s32 $0x1, s16  }
0x10b: {  	v1 =	vld [tilespmem:s18+$0x80]  }
0x10c: {  	v2 =	vld [tilespmem:s18+$0x0];
	_ =	sdelay $0x2  }
0x10d: {  	v3 =	vld [tilespmem:s18+$0x100]  }
0x10e: {  	vm0 =	vlt.f32 v1, $-Inf;
	vm1 =	vgt.f32 v1, $-Inf  }
0x10f: {  	vm0 =	vmor vm1, vm0;
	vm1 =	vgt.f32 v1, v2  }
0x110: {  	vm2 =	vmneg vm1;
	v4 =	vnsel vm0, $0xFF800000, v1;
	v5 =	vld [tilespmem:s18+$0x180]  }
0x111: {  	v4 =	vsel vm2, v4, v2;
	vm0 =	vmand vm2, vm0;
	v1 =	vsel vm2, v2, v1  }
0x112: {  	v6 =	vsel vm1, $0x1, v0;
	v2 =	vsel vm0, $0x1, v0;
	vm0 =	vgt.f32 v3, v4  }
0x113: {  	vm1 =	vgt.f32 v3, v1;
	v4 =	vsel vm0, v3, v4;
	v2 =	vsel vm0, $0x2, v2;
	v7 =	vld [tilespmem:s18+$0x200]  }
0x114: {  	v4 =	vsel vm1, v1, v4;
	v2 =	vsel vm1, v6, v2  }
0x115: {  	v1 =	vsel vm1, v3, v1;
	v3 =	vsel vm1, $0x2, v6;
	vm0 =	vgt.f32 v5, v4  }
0x116: {  	vm1 =	vgt.f32 v5, v1;
	v4 =	vsel vm0, v5, v4;
	v2 =	vsel vm0, $0x3, v2;
	v6 =	vld [tilespmem:s18+$0x280]  }
0x117: {  	v4 =	vsel vm1, v1, v4;
	v2 =	vsel vm1, v3, v2  }
0x118: {  	v1 =	vsel vm1, v5, v1;
	v3 =	vsel vm1, $0x3, v3;
	vm0 =	vgt.f32 v7, v4  }
0x119: {  	vm1 =	vgt.f32 v7, v1;
	v4 =	vsel vm0, v7, v4;
	v2 =	vsel vm0, $0x4, v2;
	v5 =	vld [tilespmem:s18+$0x300]  }
0x11a: {  	v4 =	vsel vm1, v1, v4;
	v2 =	vsel vm1, v3, v2  }
0x11b: {  	v1 =	vsel vm1, v7, v1;
	v3 =	vsel vm1, $0x4, v3;
	vm0 =	vgt.f32 v6, v4  }
0x11c: {  	vm1 =	vgt.f32 v6, v1;
	v4 =	vsel vm0, v6, v4;
	v2 =	vsel vm0, $0x5, v2;
	v7 =	vld [tilespmem:s18+$0x380]  }
0x11d: {  	v4 =	vsel vm1, v1, v4;
	v2 =	vsel vm1, v3, v2;
	v1 =	vsel vm1, v6, v1  }
0x11e: {  	v3 =	vsel vm1, $0x5, v3;
	vm0 =	vgt.f32 v5, v4  }
0x11f: {  	vm1 =	vgt.f32 v5, v1;
	v4 =	vsel vm0, v5, v4;
	v2 =	vsel vm0, $0x6, v2;
	v6 =	vld [tilespmem:s18+$0x2000]  }
0x120: {  	v4 =	vsel vm1, v1, v4;
	v2 =	vsel vm1, v3, v2;
	v1 =	vsel vm1, v5, v1  }
0x121: {  	v3 =	vsel vm1, $0x6, v3;
	vm0 =	vgt.f32 v7, v4  }
0x122: {  	vm1 =	vgt.f32 v7, v1;
	v4 =	vsel vm0, v7, v4;
	v2 =	vsel vm0, $0x7, v2;
	v5 =	vld [tilespmem:s18+$0x2080]  }
0x123: {  	v4 =	vsel vm1, v1, v4;
	v2 =	vsel vm1, v3, v2;
	v1 =	vsel vm1, v7, v1  }
0x124: {  	v3 =	vsel vm1, $0x7, v3;
	vm0 =	vgt.f32 v6, v4  }
0x125: {  	vm1 =	vgt.f32 v6, v1;
	v4 =	vsel vm0, v6, v4;
	v2 =	vsel vm0, $0x8, v2;
	v7 =	vld [tilespmem:s18+$0x2100]  }
0x126: {  	v4 =	vsel vm1, v1, v4;
	v2 =	vsel vm1, v3, v2;
	v1 =	vsel vm1, v6, v1  }
0x127: {  	v3 =	vsel vm1, $0x8, v3;
	vm0 =	vgt.f32 v5, v4  }
0x128: {  	vm1 =	vgt.f32 v5, v1;
	v4 =	vsel vm0, v5, v4;
	v2 =	vsel vm0, $0x9, v2;
	v6 =	vld [tilespmem:s18+$0x2180]  }
0x129: {  	v4 =	vsel vm1, v1, v4;
	v2 =	vsel vm1, v3, v2;
	v1 =	vsel vm1, v5, v1  }
0x12a: {  	v3 =	vsel vm1, $0x9, v3;
	vm0 =	vgt.f32 v7, v4  }
0x12b: {  	vm1 =	vgt.f32 v7, v1;
	v4 =	vsel vm0, v7, v4;
	v2 =	vsel vm0, $0xA, v2;
	v5 =	vld [tilespmem:s18+$0x2200]  }
0x12c: {  	v4 =	vsel vm1, v1, v4;
	v2 =	vsel vm1, v3, v2;
	v1 =	vsel vm1, v7, v1  }
0x12d: {  	v3 =	vsel vm1, $0xA, v3;
	vm0 =	vgt.f32 v6, v4  }
0x12e: {  	vm1 =	vgt.f32 v6, v1;
	v4 =	vsel vm0, v6, v4;
	v2 =	vsel vm0, $0xB, v2;
	v7 =	vld [tilespmem:s18+$0x2280]  }
0x12f: {  	v4 =	vsel vm1, v1, v4;
	v2 =	vsel vm1, v3, v2  }
0x130: {  	v1 =	vsel vm1, v6, v1;
	vm0 =	vgt.f32 v5, v4  }
0x131: {  	v3 =	vsel vm1, $0xB, v3;
	vm1 =	vgt.f32 v5, v1;
	v4 =	vsel vm0, v5, v4;
	v6 =	vld [tilespmem:s18+$0x2300]  }
0x132: {  	v2 =	vsel vm0, $0xC, v2;
	v8 =	vsel vm1, $0xC, v3;
	v4 =	vsel vm1, v1, v4  }
0x133: {  	v2 =	vsel vm1, v3, v2;
	v1 =	vsel vm1, v5, v1;
	vm0 =	vgt.f32 v7, v4  }
0x134: {  	vm1 =	vgt.f32 v7, v1;
	v3 =	vsel vm0, v7, v4;
	v2 =	vsel vm0, $0xD, v2;
	v4 =	vld [tilespmem:s18+$0x2380]  }
0x135: {  	v3 =	vsel vm1, v1, v3;
	v2 =	vsel vm1, v8, v2;
	v1 =	vsel vm1, v7, v1  }
0x136: {  	v5 =	vsel vm1, $0xD, v8;
	vm0 =	vgt.f32 v6, v3  }
0x137: {  	vm1 =	vgt.f32 v6, v1;
	v3 =	vsel vm0, v6, v3;
	v2 =	vsel vm0, $0xE, v2;
	v7 =	vld [tilespmem:s18+$0x4000]  }
0x138: {  	v3 =	vsel vm1, v1, v3;
	v1 =	vsel vm1, v6, v1;
	v6 =	vsel vm1, $0xE, v5  }
0x139: {  	v2 =	vsel vm1, v5, v2;
	vm0 =	vgt.f32 v4, v3  }
0x13a: {  	vm1 =	vgt.f32 v4, v1;
	v3 =	vsel vm0, v4, v3;
	v2 =	vsel vm0, $0xF, v2;
	v5 =	vld [tilespmem:s18+$0x4080]  }
0x13b: {  	v3 =	vsel vm1, v1, v3;
	v2 =	vsel vm1, v6, v2;
	v1 =	vsel vm1, v4, v1  }
0x13c: {  	v4 =	vsel vm1, $0xF, v6;
	vm0 =	vgt.f32 v7, v3  }
0x13d: {  	vm1 =	vgt.f32 v7, v1;
	v3 =	vsel vm0, v7, v3;
	v2 =	vsel vm0, $0x10, v2;
	v6 =	vld [tilespmem:s18+$0x4100]  }
0x13e: {  	v3 =	vsel vm1, v1, v3;
	v2 =	vsel vm1, v4, v2  }
0x13f: {  	v1 =	vsel vm1, v7, v1;
	v4 =	vsel vm1, $0x10, v4;
	vm0 =	vgt.f32 v5, v3  }
0x140: {  	vm1 =	vgt.f32 v5, v1;
	v3 =	vsel vm0, v5, v3;
	v2 =	vsel vm0, $0x11, v2;
	v7 =	vld [tilespmem:s18+$0x4180]  }
0x141: {  	v3 =	vsel vm1, v1, v3;
	v2 =	vsel vm1, v4, v2;
	v4 =	vsel vm1, $0x11, v4  }
0x142: {  	v1 =	vsel vm1, v5, v1;
	vm0 =	vgt.f32 v6, v3  }
0x143: {  	vm1 =	vgt.f32 v6, v1;
	v3 =	vsel vm0, v6, v3;
	v2 =	vsel vm0, $0x12, v2;
	v5 =	vld [tilespmem:s18+$0x4200]  }
0x144: {  	v3 =	vsel vm1, v1, v3;
	v2 =	vsel vm1, v4, v2;
	v1 =	vsel vm1, v6, v1  }
0x145: {  	v4 =	vsel vm1, $0x12, v4;
	vm0 =	vgt.f32 v7, v3  }
0x146: {  	vm1 =	vgt.f32 v7, v1;
	v3 =	vsel vm0, v7, v3;
	v2 =	vsel vm0, $0x13, v2;
	v6 =	vld [tilespmem:s18+$0x4280]  }
0x147: {  	v3 =	vsel vm1, v1, v3;
	v1 =	vsel vm1, v7, v1;
	v7 =	vsel vm1, $0x13, v4  }
0x148: {  	v2 =	vsel vm1, v4, v2;
	vm0 =	vgt.f32 v5, v3  }
0x149: {  	vm1 =	vgt.f32 v5, v1;
	v3 =	vsel vm0, v5, v3;
	v2 =	vsel vm0, $0x14, v2;
	v4 =	vld [tilespmem:s18+$0x4300]  }
0x14a: {  	v3 =	vsel vm1, v1, v3;
	v2 =	vsel vm1, v7, v2;
	v7 =	vsel vm1, $0x14, v7  }
0x14b: {  	v1 =	vsel vm1, v5, v1;
	vm0 =	vgt.f32 v6, v3  }
0x14c: {  	vm1 =	vgt.f32 v6, v1;
	v3 =	vsel vm0, v6, v3;
	v2 =	vsel vm0, $0x15, v2;
	v5 =	vld [tilespmem:s18+$0x4380]  }
0x14d: {  	v3 =	vsel vm1, v1, v3;
	v2 =	vsel vm1, v7, v2;
	v7 =	vsel vm1, $0x15, v7  }
0x14e: {  	v1 =	vsel vm1, v6, v1;
	vm0 =	vgt.f32 v4, v3  }
0x14f: {  	vm1 =	vgt.f32 v4, v1;
	v3 =	vsel vm0, v4, v3;
	v2 =	vsel vm0, $0x16, v2;
	v6 =	vld [tilespmem:s18+$0x6000]  }
0x150: {  	v3 =	vsel vm1, v1, v3;
	v1 =	vsel vm1, v4, v1;
	v4 =	vsel vm1, $0x16, v7  }
0x151: {  	v2 =	vsel vm1, v7, v2;
	vm0 =	vgt.f32 v5, v3  }
0x152: {  	vm1 =	vgt.f32 v5, v1;
	v3 =	vsel vm0, v5, v3;
	v2 =	vsel vm0, $0x17, v2;
	v7 =	vld [tilespmem:s18+$0x6080]  }
0x153: {  	v3 =	vsel vm1, v1, v3;
	v2 =	vsel vm1, v4, v2;
	v1 =	vsel vm1, v5, v1  }
0x154: {  	vm0 =	vgt.f32 v6, v3  }
0x155: {  	v4 =	vsel vm1, $0x17, v4;
	vm1 =	vgt.f32 v6, v1;
	v3 =	vsel vm0, v6, v3;
	v5 =	vld [tilespmem:s18+$0x6100]  }
0x156: {  	v2 =	vsel vm0, $0x18, v2;
	v8 =	vsel vm1, $0x18, v4;
	v3 =	vsel vm1, v1, v3  }
0x157: {  	v2 =	vsel vm1, v4, v2;
	v1 =	vsel vm1, v6, v1;
	vm0 =	vgt.f32 v7, v3  }
0x158: {  	vm1 =	vgt.f32 v7, v1;
	v3 =	vsel vm0, v7, v3;
	v2 =	vsel vm0, $0x19, v2;
	v4 =	vld [tilespmem:s18+$0x6180]  }
0x159: {  	v3 =	vsel vm1, v1, v3;
	v2 =	vsel vm1, v8, v2;
	v1 =	vsel vm1, v7, v1  }
0x15a: {  	vm0 =	vgt.f32 v5, v3  }
0x15b: {  	v6 =	vsel vm1, $0x19, v8;
	vm1 =	vgt.f32 v5, v1;
	v3 =	vsel vm0, v5, v3;
	v7 =	vld [tilespmem:s18+$0x6200]  }
0x15c: {  	v2 =	vsel vm0, $0x1A, v2;
	v3 =	vsel vm1, v1, v3;
	v1 =	vsel vm1, v5, v1  }
0x15d: {  	v2 =	vsel vm1, v6, v2;
	v5 =	vsel vm1, $0x1A, v6;
	vm0 =	vgt.f32 v4, v3  }
0x15e: {  	vm1 =	vgt.f32 v4, v1;
	v3 =	vsel vm0, v4, v3;
	v2 =	vsel vm0, $0x1B, v2;
	v6 =	vld [tilespmem:s18+$0x6280]  }
0x15f: {  	v3 =	vsel vm1, v1, v3;
	v2 =	vsel vm1, v5, v2;
	v5 =	vsel vm1, $0x1B, v5  }
0x160: {  	v1 =	vsel vm1, v4, v1;
	vm0 =	vgt.f32 v7, v3  }
0x161: {  	vm1 =	vgt.f32 v7, v1;
	v3 =	vsel vm0, v7, v3;
	v2 =	vsel vm0, $0x1C, v2;
	v4 =	vld [tilespmem:s18+$0x6300]  }
0x162: {  	v3 =	vsel vm1, v1, v3;
	v2 =	vsel vm1, v5, v2  }
0x163: {  	v1 =	vsel vm1, v7, v1;
	v5 =	vsel vm1, $0x1C, v5;
	vm0 =	vgt.f32 v6, v3  }
0x164: {  	vm1 =	vgt.f32 v6, v1;
	v3 =	vsel vm0, v6, v3;
	v2 =	vsel vm0, $0x1D, v2;
	v7 =	vld [tilespmem:s18+$0x6380]  }
0x165: {  	v3 =	vsel vm1, v1, v3;
	v2 =	vsel vm1, v5, v2  }
0x166: {  	v1 =	vsel vm1, v6, v1;
	v5 =	vsel vm1, $0x1D, v5;
	vm0 =	vgt.f32 v4, v3  }
0x167: {  	vm1 =	vgt.f32 v4, v1;
	v3 =	vsel vm0, v4, v3;
	v2 =	vsel vm0, $0x1E, v2;
	v6 =	vld [tilespmem:s18+$0x8000]  }
0x168: {  	v3 =	vsel vm1, v1, v3;
	v2 =	vsel vm1, v5, v2;
	v5 =	vsel vm1, $0x1E, v5  }
0x169: {  	v1 =	vsel vm1, v4, v1;
	vm0 =	vgt.f32 v7, v3  }
0x16a: {  	vm1 =	vgt.f32 v7, v1;
	v3 =	vsel vm0, v7, v3;
	v2 =	vsel vm0, $0x1F, v2;
	v4 =	vld [tilespmem:s18+$0x8080]  }
0x16b: {  	v3 =	vsel vm1, v1, v3;
	v2 =	vsel vm1, v5, v2;
	v5 =	vsel vm1, $0x1F, v5  }
0x16c: {  	v1 =	vsel vm1, v7, v1;
	vm0 =	vgt.f32 v6, v3  }
0x16d: {  	vm1 =	vgt.f32 v6, v1;
	v3 =	vsel vm0, v6, v3;
	v2 =	vsel vm0, $0x20, v2;
	v7 =	vld [tilespmem:s18+$0x8100]  }
0x16e: {  	v3 =	vsel vm1, v1, v3;
	v2 =	vsel vm1, v5, v2;
	v5 =	vsel vm1, $0x20, v5  }
0x16f: {  	v1 =	vsel vm1, v6, v1;
	vm0 =	vgt.f32 v4, v3  }
0x170: {  	vm1 =	vgt.f32 v4, v1;
	v3 =	vsel vm0, v4, v3;
	v2 =	vsel vm0, $0x21, v2;
	v6 =	vld [tilespmem:s18+$0x8180]  }
0x171: {  	v3 =	vsel vm1, v1, v3;
	v2 =	vsel vm1, v5, v2  }
0x172: {  	v1 =	vsel vm1, v4, v1;
	v4 =	vsel vm1, $0x21, v5;
	vm0 =	vgt.f32 v7, v3  }
0x173: {  	vm1 =	vgt.f32 v7, v1;
	v3 =	vsel vm0, v7, v3;
	v2 =	vsel vm0, $0x22, v2;
	v5 =	vld [tilespmem:s18+$0x8200]  }
0x174: {  	v3 =	vsel vm1, v1, v3;
	v2 =	vsel vm1, v4, v2;
	v1 =	vsel vm1, v7, v1  }
0x175: {  	vm0 =	vgt.f32 v6, v3  }
0x176: {  	v4 =	vsel vm1, $0x22, v4;
	vm1 =	vgt.f32 v6, v1;
	v3 =	vsel vm0, v6, v3;
	v7 =	vld [tilespmem:s18+$0x8280]  }
0x177: {  	v2 =	vsel vm0, $0x23, v2;
	v8 =	vsel vm1, $0x23, v4;
	v3 =	vsel vm1, v1, v3  }
0x178: {  	v2 =	vsel vm1, v4, v2;
	v1 =	vsel vm1, v6, v1;
	vm0 =	vgt.f32 v5, v3  }
0x179: {  	vm1 =	vgt.f32 v5, v1;
	v3 =	vsel vm0, v5, v3;
	v2 =	vsel vm0, $0x24, v2;
	v4 =	vld [tilespmem:s18+$0x8300]  }
0x17a: {  	v6 =	vsel vm1, $0x24, v8;
	v3 =	vsel vm1, v1, v3;
	v2 =	vsel vm1, v8, v2  }
0x17b: {  	v1 =	vsel vm1, v5, v1;
	vm0 =	vgt.f32 v7, v3  }
0x17c: {  	vm1 =	vgt.f32 v7, v1;
	v3 =	vsel vm0, v7, v3;
	v2 =	vsel vm0, $0x25, v2;
	v5 =	vld [tilespmem:s18+$0x8380]  }
0x17d: {  	v3 =	vsel vm1, v1, v3;
	v2 =	vsel vm1, v6, v2;
	v1 =	vsel vm1, v7, v1  }
0x17e: {  	vm0 =	vgt.f32 v4, v3  }
0x17f: {  	v6 =	vsel vm1, $0x25, v6;
	vm1 =	vgt.f32 v4, v1;
	v3 =	vsel vm0, v4, v3;
	v7 =	vld [tilespmem:s18+$0xA000]  }
0x180: {  	v2 =	vsel vm0, $0x26, v2;
	v8 =	vsel vm1, $0x26, v6;
	v3 =	vsel vm1, v1, v3  }
0x181: {  	v2 =	vsel vm1, v6, v2;
	v1 =	vsel vm1, v4, v1;
	vm0 =	vgt.f32 v5, v3  }
0x182: {  	vm1 =	vgt.f32 v5, v1;
	v3 =	vsel vm0, v5, v3;
	v2 =	vsel vm0, $0x27, v2;
	v4 =	vld [tilespmem:s18+$0xA080]  }
0x183: {  	v3 =	vsel vm1, v1, v3;
	v2 =	vsel vm1, v8, v2  }
0x184: {  	v1 =	vsel vm1, v5, v1;
	v5 =	vsel vm1, $0x27, v8;
	vm0 =	vgt.f32 v7, v3  }
0x185: {  	vm1 =	vgt.f32 v7, v1;
	v3 =	vsel vm0, v7, v3;
	v2 =	vsel vm0, $0x28, v2;
	v6 =	vld [tilespmem:s18+$0xA100]  }
0x186: {  	v3 =	vsel vm1, v1, v3;
	v2 =	vsel vm1, v5, v2  }
0x187: {  	v1 =	vsel vm1, v7, v1;
	v5 =	vsel vm1, $0x28, v5;
	vm0 =	vgt.f32 v4, v3  }
0x188: {  	vm1 =	vgt.f32 v4, v1;
	v3 =	vsel vm0, v4, v3;
	v2 =	vsel vm0, $0x29, v2;
	v7 =	vld [tilespmem:s18+$0xA180]  }
0x189: {  	v3 =	vsel vm1, v1, v3;
	v2 =	vsel vm1, v5, v2;
	v5 =	vsel vm1, $0x29, v5  }
0x18a: {  	v1 =	vsel vm1, v4, v1;
	vm0 =	vgt.f32 v6, v3;
	v4 =	vld [tilespmem:s18+$0xA200]  }
0x18b: {  	vm1 =	vgt.f32 v6, v1;
	v3 =	vsel vm0, v6, v3;
	v2 =	vsel vm0, $0x2A, v2  }
0x18c: {  	v3 =	vsel vm1, v1, v3;
	v2 =	vsel vm1, v5, v2;
	v1 =	vsel vm1, v6, v1  }
0x18d: {  	v5 =	vsel vm1, $0x2A, v5;
	vm0 =	vgt.f32 v7, v3;
	vm1 =	vgt.f32 v7, v1  }
0x18e: {  	v3 =	vsel vm0, v7, v3;
	v6 =	vsel vm1, v7, v1;
	v7 =	vsel vm1, $0x2B, v5;
	v8 =	vld [tilespmem:s18+$0xA280]  }
0x18f: {  	v2 =	vsel vm0, $0x2B, v2;
	v1 =	vsel vm1, v1, v3;
	vm0 =	vgt.f32 v4, v6  }
0x190: {  	v2 =	vsel vm1, v5, v2;
	vm1 =	vgt.f32 v4, v1;
	v3 =	vsel vm0, $0x2C, v7  }
0x191: {  	v1 =	vsel vm1, v4, v1;
	v2 =	vsel vm1, $0x2C, v2;
	v5 =	vld [tilespmem:s18+$0xA300]  }
0x192: {  	v1 =	vsel vm0, v6, v1;
	v2 =	vsel vm0, v7, v2  }
0x193: {  	v4 =	vsel vm0, v4, v6;
	vm0 =	vgt.f32 v8, v1  }
0x194: {  	vm1 =	vgt.f32 v8, v4;
	v1 =	vsel vm0, v8, v1;
	v2 =	vsel vm0, $0x2D, v2;
	v6 =	vld [tilespmem:s18+$0xA380]  }
0x195: {  	v7 =	vsel vm1, $0x2D, v3;
	v1 =	vsel vm1, v4, v1;
	v4 =	vsel vm1, v8, v4  }
0x196: {  	v2 =	vsel vm1, v3, v2;
	vm0 =	vgt.f32 v5, v1  }
0x197: {  	vm1 =	vgt.f32 v5, v4;
	v1 =	vsel vm0, v5, v1;
	v2 =	vsel vm0, $0x2E, v2;
	v3 =	vld [tilespmem:s18+$0xC000]  }
0x198: {  	v1 =	vsel vm1, v4, v1;
	v2 =	vsel vm1, v7, v2;
	v7 =	vsel vm1, $0x2E, v7  }
0x199: {  	v4 =	vsel vm1, v5, v4;
	vm0 =	vgt.f32 v6, v1  }
0x19a: {  	vm1 =	vgt.f32 v6, v4;
	v1 =	vsel vm0, v6, v1;
	v2 =	vsel vm0, $0x2F, v2;
	v5 =	vld [tilespmem:s18+$0xC080]  }
0x19b: {  	v1 =	vsel vm1, v4, v1;
	v4 =	vsel vm1, v6, v4;
	v6 =	vsel vm1, $0x2F, v7  }
0x19c: {  	v2 =	vsel vm1, v7, v2;
	vm0 =	vgt.f32 v3, v1;
	vm1 =	vgt.f32 v3, v4  }
0x19d: {  	v1 =	vsel vm0, v3, v1;
	v2 =	vsel vm0, $0x30, v2;
	v7 =	vsel vm1, $0x30, v6;
	v8 =	vld [tilespmem:s18+$0xC100]  }
0x19e: {  	v1 =	vsel vm1, v4, v1;
	v2 =	vsel vm1, v6, v2  }
0x19f: {  	v3 =	vsel vm1, v3, v4;
	vm0 =	vgt.f32 v5, v1  }
0x1a0: {  	vm1 =	vgt.f32 v5, v3;
	v1 =	vsel vm0, v5, v1;
	v4 =	vld [tilespmem:s18+$0xC180]  }
0x1a1: {  	v2 =	vsel vm0, $0x31, v2;
	v6 =	vsel vm1, $0x31, v7;
	v1 =	vsel vm1, v3, v1  }
0x1a2: {  	v2 =	vsel vm1, v7, v2;
	v3 =	vsel vm1, v5, v3;
	vm0 =	vgt.f32 v8, v1  }
0x1a3: {  	vm1 =	vgt.f32 v8, v3;
	v1 =	vsel vm0, v8, v1;
	v2 =	vsel vm0, $0x32, v2;
	v5 =	vld [tilespmem:s18+$0xC200]  }
0x1a4: {  	v1 =	vsel vm1, v3, v1;
	v2 =	vsel vm1, v6, v2  }
0x1a5: {  	v3 =	vsel vm1, v8, v3;
	v6 =	vsel vm1, $0x32, v6;
	vm0 =	vgt.f32 v4, v1  }
0x1a6: {  	vm1 =	vgt.f32 v4, v3;
	v1 =	vsel vm0, v4, v1;
	v2 =	vsel vm0, $0x33, v2;
	v7 =	vld [tilespmem:s18+$0xC280]  }
0x1a7: {  	v1 =	vsel vm1, v3, v1;
	v2 =	vsel vm1, v6, v2;
	v6 =	vsel vm1, $0x33, v6  }
0x1a8: {  	v3 =	vsel vm1, v4, v3;
	vm0 =	vgt.f32 v5, v1  }
0x1a9: {  	vm1 =	vgt.f32 v5, v3;
	v1 =	vsel vm0, v5, v1;
	v2 =	vsel vm0, $0x34, v2;
	v4 =	vld [tilespmem:s18+$0xC300]  }
0x1aa: {  	v1 =	vsel vm1, v3, v1;
	v2 =	vsel vm1, v6, v2;
	v6 =	vsel vm1, $0x34, v6  }
0x1ab: {  	v3 =	vsel vm1, v5, v3;
	vm0 =	vgt.f32 v7, v1  }
0x1ac: {  	vm1 =	vgt.f32 v7, v3;
	v1 =	vsel vm0, v7, v1;
	v2 =	vsel vm0, $0x35, v2;
	v5 =	vld [tilespmem:s18+$0xC380]  }
0x1ad: {  	v1 =	vsel vm1, v3, v1;
	v2 =	vsel vm1, v6, v2  }
0x1ae: {  	v3 =	vsel vm1, v7, v3;
	v6 =	vsel vm1, $0x35, v6;
	vm0 =	vgt.f32 v4, v1  }
0x1af: {  	vm1 =	vgt.f32 v4, v3;
	v1 =	vsel vm0, v4, v1;
	v2 =	vsel vm0, $0x36, v2;
	v7 =	vld [tilespmem:s18+$0xE000]  }
0x1b0: {  	v8 =	vsel vm1, $0x36, v6;
	v1 =	vsel vm1, v3, v1  }
0x1b1: {  	v2 =	vsel vm1, v6, v2;
	v3 =	vsel vm1, v4, v3;
	vm0 =	vgt.f32 v5, v1  }
0x1b2: {  	vm1 =	vgt.f32 v5, v3;
	v1 =	vsel vm0, v5, v1;
	v2 =	vsel vm0, $0x37, v2;
	v4 =	vld [tilespmem:s18+$0xE080]  }
0x1b3: {  	v1 =	vsel vm1, v3, v1;
	v2 =	vsel vm1, v8, v2  }
0x1b4: {  	v3 =	vsel vm1, v5, v3;
	v5 =	vsel vm1, $0x37, v8;
	vm0 =	vgt.f32 v7, v1  }
0x1b5: {  	vm1 =	vgt.f32 v7, v3;
	v1 =	vsel vm0, v7, v1;
	v2 =	vsel vm0, $0x38, v2;
	v6 =	vld [tilespmem:s18+$0xE100]  }
0x1b6: {  	v1 =	vsel vm1, v3, v1;
	v2 =	vsel vm1, v5, v2  }
0x1b7: {  	v3 =	vsel vm1, v7, v3;
	vm0 =	vgt.f32 v4, v1  }
0x1b8: {  	vm2 =	vgt.f32 v4, v3;
	v1 =	vsel vm0, v4, v1;
	v2 =	vsel vm0, $0x39, v2;
	v7 =	vld [tilespmem:s18+$0xE180]  }
0x1b9: {  	v1 =	vsel vm2, v3, v1  }
0x1ba: {  	v5 =	vsel vm1, $0x38, v5;
	v3 =	vsel vm2, v4, v3;
	vm0 =	vgt.f32 v6, v1  }
0x1bb: {  	v4 =	vsel vm2, $0x39, v5;
	vm1 =	vgt.f32 v6, v3;
	v1 =	vsel vm0, v6, v1;
	v8 =	vld [tilespmem:s18+$0xE200]  }
0x1bc: {  	v2 =	vsel vm2, v5, v2;
	v5 =	vsel vm1, $0x3A, v4;
	v1 =	vsel vm1, v3, v1  }
0x1bd: {  	v2 =	vsel vm0, $0x3A, v2;
	v3 =	vsel vm1, v6, v3;
	vm0 =	vgt.f32 v7, v1  }
0x1be: {  	v2 =	vsel vm1, v4, v2;
	vm1 =	vgt.f32 v7, v3;
	v1 =	vsel vm0, v7, v1;
	v4 =	vld [tilespmem:s18+$0xE280]  }
0x1bf: {  	v6 =	vsel vm1, $0x3B, v5;
	v1 =	vsel vm1, v3, v1;
	v3 =	vsel vm1, v7, v3  }
0x1c0: {  	v2 =	vsel vm0, $0x3B, v2;
	vm0 =	vgt.f32 v8, v1;
	vm2 =	vgt.f32 v8, v3  }
0x1c1: {  	v1 =	vsel vm0, v8, v1;
	v7 =	vsel vm2, v8, v3;
	v8 =	vsel vm2, $0x3C, v6;
	v9 =	vld [tilespmem:s18+$0xE300]  }
0x1c2: {  	v2 =	vsel vm1, v5, v2;
	v1 =	vsel vm2, v3, v1  }
0x1c3: {  	v2 =	vsel vm0, $0x3C, v2;
	vm0 =	vgt.f32 v4, v1  }
0x1c4: {  	v2 =	vsel vm2, v6, v2;
	vm1 =	vgt.f32 v4, v7;
	v1 =	vsel vm0, v4, v1;
	v3 =	vld [tilespmem:s18+$0xE380]  }
0x1c5: {  	v2 =	vsel vm0, $0x3D, v2;
	v5 =	vsel vm1, $0x3D, v8;
	v1 =	vsel vm1, v7, v1  }
0x1c6: {  	v4 =	vsel vm1, v4, v7;
	v2 =	vsel vm1, v8, v2;
	vm0 =	vgt.f32 v9, v1  }
0x1c7: {  	vm1 =	vgt.f32 v9, v4;
	v1 =	vsel vm0, v9, v1;
	v2 =	vsel vm0, $0x3E, v2  }
0x1c8: {  	v1 =	vsel vm1, v4, v1;
	v2 =	vsel vm1, v5, v2  }
0x1c9: {  	s18 =	sshll.u32 s13, $0x5;
	s13 =	smov.u32 s17;
	v4 =	vsel vm1, v9, v4;
	v5 =	vsel vm1, $0x3E, v5;
	vm0 =	vgt.f32 v3, v1  }
0x1ca: {  	s17 =	sand.u32 $0xFFFFFF00, s18;
	vm1 =	vgt.f32 v3, v4;
	v1 =	vsel vm0, v3, v1;
	v2 =	vsel vm0, $0x3F, v2  }
0x1cb: {  	s17 =	sor.u32 s14, s17;
	v3 =	vsel vm1, v3, v4;
	v1 =	vsel vm1, v4, v1;
	v2 =	vsel vm1, v5, v2  }
0x1cc: {  	v4 =	vsel vm1, $0x3F, v5;
	v1 =	vsub.f32 v1, v3;
	[tilespmem:s17+$0x10880] =	vst v2  }
0x1cd: {  	[tilespmem:s17+$0x10800] =	vst v4  }
0x1ce: {  	v1 =	vmul.f32 $1.442695020e+00, v1;
	_ =	sdelay $0x1  }
0x1cf: {  	(erf) = vpow2.f32 v1;
	_ =	sdelay $0x8  }
0x1d0: {  	v1 =	vpop (erf)  }
0x1d1: {  	v2 =	vadd.f32 $1.000000000e+00, v1;
	_ =	sdelay $0x1  }
0x1d2: {  	(erf) = vrcp.f32 v2;
	_ =	sdelay $0x6  }
.Ltmp0:
0x1d3: {  	(pc) =	sbr.rel @p0 .LBB2_2-.Ltmp0, $4  }
0x1d4: {  	_ = 	snop  }
0x1d5: {  	v2 =	vpop (erf)  }
0x1d6: {  	s15 =	sadd.s32 $0x10, s15;
	s18 =	sshll.u32 s13, $0x7;
	[tilespmem:s17+$0x10000] =	vst v2;
	v1 =	vmul.f32 v2, v1  }
0x1d7: {  	s14 =	sand.u32 $0x70, s15;
	s18 =	sand.u32 $0x3FFFFC00, s18  }
0x1d8: {  	s15 =	sor.u32 s14, s18;
	[tilespmem:s17+$0x10080] =	vst v1  }
0x1d9: {  	v1 =	vld [tilespmem:s15+$0x80]  }
0x1da: {  	v2 =	vld [tilespmem:s15+$0x0];
	_ =	sdelay $0x2  }
0x1db: {  	v3 =	vld [tilespmem:s15+$0x100]  }
0x1dc: {  	vm0 =	vlt.f32 v1, $-Inf;
	vm1 =	vgt.f32 v1, $-Inf  }
0x1dd: {  	v4 =	vimm.s32 $0x0;
	vm8 =	vgt.f32 v1, v2;
	vm14 =	vmor vm1, vm0  }
0x1de: {  	v5 =	vld [tilespmem:s15+$0x180];
	v4 =	vsel vm8, $0xFFFFFFFF, v4;
	vm1 =	vmneg vm8;
	v58 =	vnsel vm14, $0xFF800000, v1  }
0x1df: {  	[tilespmem:$0x1F8A0] =	vst v4;
	v4 =	vsel vm1, v58, v2  }
0x1e0: {  	v1 =	vsel vm1, v2, v1;
	vm15 =	vgt.f32 v3, v4  }
0x1e1: {  	vm2 =	vgt.f32 v3, v1;
	v2 =	vsel vm15, v3, v4  }
0x1e2: {  	v59 =	vld [tilespmem:s15+$0x200];
	v2 =	vsel vm2, v1, v2  }
0x1e3: {  	v1 =	vsel vm2, v3, v1;
	v3 =	vimm.s32 $0x0;
	vm9 =	vgt.f32 v5, v2  }
0x1e4: {  	v3 =	vsel vm9, $0xFFFFFFFF, v3  }
0x1e5: {  	vm3 =	vgt.f32 v5, v1;
	v2 =	vsel vm9, v5, v2;
	[tilespmem:$0x1F8B0] =	vst v3;
	v3 =	vld [tilespmem:s15+$0x280]  }
0x1e6: {  	v2 =	vsel vm3, v1, v2  }
0x1e7: {  	v1 =	vsel vm3, v5, v1;
	vm10 =	vgt.f32 v59, v2  }
0x1e8: {  	v61 =	vld [tilespmem:s15+$0x300];
	vm4 =	vgt.f32 v59, v1;
	v2 =	vsel vm10, v59, v2  }
0x1e9: {  	v2 =	vsel vm4, v1, v2  }
0x1ea: {  	v1 =	vsel vm4, v59, v1;
	vm11 =	vgt.f32 v3, v2  }
0x1eb: {  	vm5 =	vgt.f32 v3, v1;
	v2 =	vsel vm11, v3, v2  }
0x1ec: {  	v63 =	vld [tilespmem:s15+$0x380];
	v2 =	vsel vm5, v1, v2  }
0x1ed: {  	v1 =	vsel vm5, v3, v1;
	v3 =	vimm.s32 $0x0;
	vm12 =	vgt.f32 v61, v2  }
0x1ee: {  	v60 =	vimm.s32 $0x0;
	v62 =	vimm.s32 $0x0;
	v3 =	vsel vm12, $0xFFFFFFFF, v3  }
0x1ef: {  	v8 =	vimm.s32 $0x0;
	vm6 =	vgt.f32 v61, v1;
	v2 =	vsel vm12, v61, v2;
	[tilespmem:$0x1F8E0] =	vst v3;
	v3 =	vld [tilespmem:s15+$0x2000]  }
0x1f0: {  	v10 =	vimm.s32 $0x0;
	v12 =	vimm.s32 $0x0;
	v2 =	vsel vm6, v1, v2  }
0x1f1: {  	v14 =	vimm.s32 $0x0;
	v1 =	vsel vm6, v61, v1;
	vm13 =	vgt.f32 v63, v2  }
0x1f2: {  	v16 =	vimm.s32 $0x0;
	v9 =	vld [tilespmem:s15+$0x2080];
	vm7 =	vgt.f32 v63, v1;
	v2 =	vsel vm13, v63, v2  }
0x1f3: {  	v18 =	vimm.s32 $0x0;
	v21 =	vimm.s32 $0x0;
	v2 =	vsel vm7, v1, v2  }
0x1f4: {  	v4 =	vsel vm11, $0xFFFFFFFF, v62;
	v1 =	vsel vm7, v63, v1;
	vm8 =	vgt.f32 v3, v2  }
0x1f5: {  	[tilespmem:$0x1F8D0] =	vst v4;
	v4 =	vsel vm8, $0xFFFFFFFF, v10;
	v2 =	vsel vm8, v3, v2;
	vm8 =	vgt.f32 v3, v1  }
0x1f6: {  	v24 =	vimm.s32 $0x0;
	v27 =	vimm.s32 $0x0;
	v11 =	vld [tilespmem:s15+$0x2100];
	v2 =	vsel vm8, v1, v2  }
0x1f7: {  	v1 =	vsel vm8, v3, v1;
	v3 =	vimm.s32 $0x0;
	vm9 =	vgt.f32 v9, v2  }
0x1f8: {  	v30 =	vimm.s32 $0x0;
	v33 =	vimm.s32 $0x0;
	v3 =	vsel vm9, $0xFFFFFFFF, v3  }
0x1f9: {  	v36 =	vimm.s32 $0x0;
	v2 =	vsel vm9, v9, v2;
	vm9 =	vgt.f32 v9, v1;
	[tilespmem:$0x1F910] =	vst v3;
	v3 =	vld [tilespmem:s15+$0x2180]  }
0x1fa: {  	v39 =	vimm.s32 $0x0;
	v5 =	vsel vm10, $0xFFFFFFFF, v60;
	v2 =	vsel vm9, v1, v2  }
0x1fb: {  	[tilespmem:$0x1F8C0] =	vst v5;
	v5 =	vsel vm13, $0xFFFFFFFF, v8;
	v1 =	vsel vm9, v9, v1;
	vm10 =	vgt.f32 v11, v2  }
0x1fc: {  	v13 =	vld [tilespmem:s15+$0x2200];
	[tilespmem:$0x1F8F0] =	vst v5;
	v5 =	vsel vm10, $0xFFFFFFFF, v12;
	v2 =	vsel vm10, v11, v2;
	vm10 =	vgt.f32 v11, v1  }
0x1fd: {  	v42 =	vimm.s32 $0x0;
	v45 =	vimm.s32 $0x0;
	v2 =	vsel vm10, v1, v2  }
0x1fe: {  	v48 =	vimm.s32 $0x0;
	v7 =	vld [tilespmem:$0x1F8A0];
	v1 =	vsel vm10, v11, v1;
	vm11 =	vgt.f32 v3, v2  }
0x1ff: {  	[tilespmem:$0x1F900] =	vst v4;
	v4 =	vsel vm11, $0xFFFFFFFF, v14;
	v2 =	vsel vm11, v3, v2;
	vm11 =	vgt.f32 v3, v1  }
0x200: {  	v51 =	vimm.s32 $0x0;
	v54 =	vimm.s32 $0x0;
	v15 =	vld [tilespmem:s15+$0x2280];
	v2 =	vsel vm11, v1, v2  }
0x201: {  	v1 =	vsel vm11, v3, v1;
	v3 =	vimm.s32 $0x0;
	vm12 =	vgt.f32 v13, v2  }
0x202: {  	v57 =	vimm.s32 $0x0;
	vm1 =	vmand vm1, vm14;
	v3 =	vsel vm12, $0xFFFFFFFF, v3  }
0x203: {  	vm14 =	vnez.u8 v7;
	v2 =	vsel vm12, v13, v2;
	vm12 =	vgt.f32 v13, v1;
	[tilespmem:$0x1F940] =	vst v3;
	v3 =	vld [tilespmem:s15+$0x2300]  }
0x204: {  	v6 =	vsel vm1, $0x1, v0;
	v7 =	vsel vm14, $0x1, v0;
	v2 =	vsel vm12, v1, v2  }
0x205: {  	v61 =	vimm.s32 $0x0;
	v1 =	vsel vm12, v13, v1;
	vm13 =	vgt.f32 v15, v2  }
0x206: {  	v17 =	vld [tilespmem:s15+$0x2380];
	[tilespmem:$0x1F920] =	vst v5;
	v5 =	vsel vm13, $0xFFFFFFFF, v16;
	v2 =	vsel vm13, v15, v2;
	vm13 =	vgt.f32 v15, v1  }
0x207: {  	v8 =	vimm.s32 $0x0;
	v11 =	vimm.s32 $0x0;
	v2 =	vsel vm13, v1, v2  }
0x208: {  	v22 =	vld [tilespmem:$0x1F8B0];
	v14 =	vimm.s32 $0x0;
	v1 =	vsel vm13, v15, v1;
	vm0 =	vgt.f32 v3, v2  }
0x209: {  	v25 =	vld [tilespmem:$0x1F8C0];
	[tilespmem:$0x1F930] =	vst v4;
	v4 =	vsel vm0, $0xFFFFFFFF, v18;
	v2 =	vsel vm0, v3, v2;
	vm0 =	vgt.f32 v3, v1  }
0x20a: {  	v19 =	vld [tilespmem:s15+$0x4000];
	v2 =	vsel vm0, v1, v2;
	v1 =	vsel vm0, v3, v1;
	v3 =	vsel vm15, $0x2, v6  }
0x20b: {  	vm14 =	vgt.f32 v17, v2;
	vm1 =	vgt.f32 v17, v1;
	v3 =	vsel vm2, v7, v3  }
0x20c: {  	v28 =	vld [tilespmem:$0x1F8D0];
	v7 =	vsel vm2, $0x2, v7;
	v2 =	vsel vm14, v17, v2;
	vm15 =	vmmov vm14  }
0x20d: {  	v20 =	vld [tilespmem:s15+$0x4080];
	vm14 =	vnez.u8 v22;
	v2 =	vsel vm1, v1, v2;
	v1 =	vsel vm1, v17, v1  }
0x20e: {  	v31 =	vld [tilespmem:$0x1F8E0];
	v3 =	vsel vm14, $0x3, v3;
	vm14 =	vnez.u8 v25;
	v17 =	vimm.s32 $0x0  }
0x20f: {  	vm2 =	vgt.f32 v19, v2;
	v3 =	vsel vm3, v7, v3;
	v7 =	vsel vm3, $0x3, v7  }
0x210: {  	[tilespmem:$0x1F950] =	vst v5;
	v5 =	vsel vm2, $0xFFFFFFFF, v21;
	v2 =	vsel vm2, v19, v2;
	vm2 =	vgt.f32 v19, v1  }
0x211: {  	v34 =	vld [tilespmem:$0x1F8F0];
	v3 =	vsel vm14, $0x4, v3;
	vm14 =	vnez.u8 v28;
	v2 =	vsel vm2, v1, v2  }
0x212: {  	v23 =	vld [tilespmem:s15+$0x4100];
	v1 =	vsel vm2, v19, v1;
	v3 =	vsel vm4, v7, v3;
	v7 =	vsel vm4, $0x4, v7  }
0x213: {  	vm3 =	vgt.f32 v20, v2;
	v3 =	vsel vm14, $0x5, v3;
	vm14 =	vnez.u8 v31  }
0x214: {  	v37 =	vld [tilespmem:$0x1F900];
	[tilespmem:$0x1F960] =	vst v4;
	v4 =	vsel vm3, $0xFFFFFFFF, v24;
	v2 =	vsel vm3, v20, v2;
	vm3 =	vgt.f32 v20, v1  }
0x215: {  	v3 =	vsel vm5, v7, v3;
	v7 =	vsel vm5, $0x5, v7;
	v2 =	vsel vm3, v1, v2  }
0x216: {  	v26 =	vld [tilespmem:s15+$0x4180];
	v1 =	vsel vm3, v20, v1;
	v3 =	vsel vm14, $0x6, v3;
	vm14 =	vnez.u8 v34  }
0x217: {  	v40 =	vld [tilespmem:$0x1F910];
	v20 =	vimm.s32 $0x0;
	vm4 =	vgt.f32 v23, v2;
	v3 =	vsel vm6, v7, v3  }
0x218: {  	v7 =	vsel vm6, $0x6, v7;
	v6 =	vsel vm4, $0xFFFFFFFF, v27;
	v2 =	vsel vm4, v23, v2  }
0x219: {  	vm4 =	vgt.f32 v23, v1;
	v3 =	vsel vm14, $0x7, v3;
	vm14 =	vnez.u8 v37  }
0x21a: {  	v43 =	vld [tilespmem:$0x1F920];
	v2 =	vsel vm4, v1, v2;
	v1 =	vsel vm4, v23, v1;
	v3 =	vsel vm7, v7, v3  }
0x21b: {  	v29 =	vld [tilespmem:s15+$0x4200];
	v7 =	vsel vm7, $0x7, v7;
	v23 =	vimm.s32 $0x0;
	vm5 =	vgt.f32 v26, v2  }
0x21c: {  	[tilespmem:$0x1F970] =	vst v5;
	v3 =	vsel vm14, $0x8, v3;
	vm14 =	vnez.u8 v40;
	v5 =	vsel vm5, $0xFFFFFFFF, v30  }
0x21d: {  	v46 =	vld [tilespmem:$0x1F930];
	v2 =	vsel vm5, v26, v2;
	vm5 =	vgt.f32 v26, v1;
	v3 =	vsel vm8, v7, v3  }
0x21e: {  	v7 =	vsel vm8, $0x8, v7;
	v2 =	vsel vm5, v1, v2;
	v1 =	vsel vm5, v26, v1  }
0x21f: {  	v32 =	vld [tilespmem:s15+$0x4280];
	v3 =	vsel vm14, $0x9, v3;
	vm14 =	vnez.u8 v43;
	v26 =	vimm.s32 $0x0  }
0x220: {  	v49 =	vld [tilespmem:$0x1F940];
	v43 =	vimm.s32 $0x0;
	vm6 =	vgt.f32 v29, v2;
	v3 =	vsel vm9, v7, v3  }
0x221: {  	[tilespmem:$0x1F980] =	vst v4;
	v7 =	vsel vm9, $0x9, v7;
	v4 =	vsel vm6, $0xFFFFFFFF, v33;
	v2 =	vsel vm6, v29, v2  }
0x222: {  	vm6 =	vgt.f32 v29, v1;
	v3 =	vsel vm14, $0xA, v3;
	vm14 =	vnez.u8 v46  }
0x223: {  	v52 =	vld [tilespmem:$0x1F950];
	v2 =	vsel vm6, v1, v2;
	v1 =	vsel vm6, v29, v1;
	v3 =	vsel vm10, v7, v3  }
0x224: {  	v35 =	vld [tilespmem:s15+$0x4300];
	v7 =	vsel vm10, $0xA, v7;
	v29 =	vimm.s32 $0x0;
	vm7 =	vgt.f32 v32, v2  }
0x225: {  	[tilespmem:$0x1F990] =	vst v6;
	v3 =	vsel vm14, $0xB, v3;
	vm14 =	vnez.u8 v49;
	v6 =	vsel vm7, $0xFFFFFFFF, v36  }
0x226: {  	v55 =	vld [tilespmem:$0x1F960];
	v2 =	vsel vm7, v32, v2;
	vm7 =	vgt.f32 v32, v1;
	v3 =	vsel vm11, v7, v3  }
0x227: {  	v38 =	vld [tilespmem:s15+$0x4380];
	v7 =	vsel vm11, $0xB, v7;
	v2 =	vsel vm7, v1, v2;
	v1 =	vsel vm7, v32, v1  }
0x228: {  	v3 =	vsel vm14, $0xC, v3;
	vm14 =	vnez.u8 v52;
	v32 =	vimm.s32 $0x0  }
0x229: {  	vm8 =	vgt.f32 v35, v2;
	v3 =	vsel vm12, v7, v3;
	v7 =	vsel vm12, $0xC, v7  }
0x22a: {  	v41 =	vld [tilespmem:s15+$0x6000];
	[tilespmem:$0x1F9A0] =	vst v5;
	v5 =	vsel vm8, $0xFFFFFFFF, v39;
	v2 =	vsel vm8, v35, v2;
	vm8 =	vgt.f32 v35, v1  }
0x22b: {  	v3 =	vsel vm14, $0xD, v3;
	vm14 =	vnez.u8 v55;
	v2 =	vsel vm8, v1, v2  }
0x22c: {  	v39 =	vimm.s32 $0x0;
	v1 =	vsel vm8, v35, v1;
	vm9 =	vgt.f32 v38, v2  }
0x22d: {  	v44 =	vld [tilespmem:s15+$0x6080];
	[tilespmem:$0x1F9B0] =	vst v4;
	v4 =	vsel vm9, $0xFFFFFFFF, v42;
	v2 =	vsel vm9, v38, v2;
	vm9 =	vgt.f32 v38, v1  }
0x22e: {  	v3 =	vsel vm13, v7, v3;
	v7 =	vsel vm13, $0xD, v7;
	v2 =	vsel vm9, v1, v2  }
0x22f: {  	v3 =	vsel vm14, $0xE, v3;
	v1 =	vsel vm9, v38, v1;
	vm10 =	vgt.f32 v41, v2  }
0x230: {  	v47 =	vld [tilespmem:s15+$0x6100];
	[tilespmem:$0x1F9C0] =	vst v6;
	v6 =	vsel vm10, $0xFFFFFFFF, v45;
	v2 =	vsel vm10, v41, v2;
	vm10 =	vgt.f32 v41, v1  }
0x231: {  	v35 =	vimm.s32 $0x0;
	v3 =	vsel vm0, v7, v3;
	v2 =	vsel vm10, v1, v2  }
0x232: {  	v7 =	vsel vm0, $0xE, v7;
	v1 =	vsel vm10, v41, v1;
	vm11 =	vgt.f32 v44, v2  }
0x233: {  	v50 =	vld [tilespmem:s15+$0x6180];
	[tilespmem:$0x1F9D0] =	vst v5;
	v5 =	vsel vm11, $0xFFFFFFFF, v48;
	v2 =	vsel vm11, v44, v2;
	vm11 =	vgt.f32 v44, v1  }
0x234: {  	v42 =	vimm.s32 $0x0;
	v3 =	vsel vm15, $0xF, v3;
	v2 =	vsel vm11, v1, v2  }
0x235: {  	v38 =	vimm.s32 $0x0;
	v1 =	vsel vm11, v44, v1;
	vm12 =	vgt.f32 v47, v2  }
0x236: {  	v53 =	vld [tilespmem:s15+$0x6200];
	[tilespmem:$0x1F9E0] =	vst v4;
	v4 =	vsel vm12, $0xFFFFFFFF, v51;
	v2 =	vsel vm12, v47, v2;
	vm12 =	vgt.f32 v47, v1  }
0x237: {  	v3 =	vsel vm1, v7, v3;
	v7 =	vsel vm1, $0xF, v7;
	v2 =	vsel vm12, v1, v2  }
0x238: {  	v59 =	vld [tilespmem:$0x1F970];
	v45 =	vimm.s32 $0x0;
	v1 =	vsel vm12, v47, v1;
	vm13 =	vgt.f32 v50, v2  }
0x239: {  	v62 =	vld [tilespmem:$0x1F980];
	[tilespmem:$0x1F9F0] =	vst v6;
	v6 =	vsel vm13, $0xFFFFFFFF, v54;
	v2 =	vsel vm13, v50, v2;
	vm13 =	vgt.f32 v50, v1  }
0x23a: {  	v56 =	vld [tilespmem:s15+$0x6280];
	v48 =	vimm.s32 $0x0;
	v51 =	vimm.s32 $0x0;
	v2 =	vsel vm13, v1, v2  }
0x23b: {  	v54 =	vimm.s32 $0x0;
	v1 =	vsel vm13, v50, v1;
	vm14 =	vgt.f32 v53, v2  }
0x23c: {  	v9 =	vld [tilespmem:$0x1F990];
	[tilespmem:$0x1FA00] =	vst v5;
	vm0 =	vgt.f32 v53, v1;
	v5 =	vsel vm14, $0xFFFFFFFF, v57;
	v2 =	vsel vm14, v53, v2  }
0x23d: {  	v58 =	vld [tilespmem:s15+$0x6300];
	vm14 =	vnez.u8 v59;
	v57 =	vimm.s32 $0x0;
	v2 =	vsel vm0, v1, v2  }
0x23e: {  	v12 =	vld [tilespmem:$0x1F9A0];
	v1 =	vsel vm0, v53, v1;
	v3 =	vsel vm14, $0x10, v3;
	vm14 =	vnez.u8 v62  }
0x23f: {  	v62 =	vimm.s32 $0x0;
	vm15 =	vgt.f32 v56, v2;
	vm1 =	vgt.f32 v56, v1  }
0x240: {  	v3 =	vsel vm2, v7, v3;
	v7 =	vsel vm2, $0x10, v7;
	v2 =	vsel vm15, v56, v2  }
0x241: {  	v60 =	vld [tilespmem:s15+$0x6380];
	v3 =	vsel vm14, $0x11, v3;
	vm14 =	vnez.u8 v9;
	v2 =	vsel vm1, v1, v2  }
0x242: {  	v15 =	vld [tilespmem:$0x1F9B0];
	v1 =	vsel vm1, v56, v1;
	v3 =	vsel vm3, v7, v3;
	v7 =	vsel vm3, $0x11, v7  }
0x243: {  	vm2 =	vgt.f32 v58, v2;
	v3 =	vsel vm14, $0x12, v3;
	vm14 =	vnez.u8 v12  }
0x244: {  	[tilespmem:$0x1FA20] =	vst v6;
	v6 =	vsel vm2, $0xFFFFFFFF, v61;
	v2 =	vsel vm2, v58, v2;
	vm2 =	vgt.f32 v58, v1  }
0x245: {  	v18 =	vld [tilespmem:$0x1F9C0];
	v3 =	vsel vm4, v7, v3;
	v7 =	vsel vm4, $0x12, v7;
	v61 =	vimm.s32 $0x0  }
0x246: {  	v63 =	vld [tilespmem:s15+$0x8000];
	v2 =	vsel vm2, v1, v2;
	v1 =	vsel vm2, v58, v1;
	v3 =	vsel vm14, $0x13, v3  }
0x247: {  	v21 =	vld [tilespmem:$0x1F9D0];
	vm14 =	vnez.u8 v15;
	v58 =	vimm.s32 $0x0;
	vm3 =	vgt.f32 v60, v2  }
0x248: {  	[tilespmem:$0x1FA30] =	vst v5;
	v3 =	vsel vm5, v7, v3;
	v7 =	vsel vm5, $0x13, v7;
	v5 =	vsel vm3, $0xFFFFFFFF, v8  }
0x249: {  	v2 =	vsel vm3, v60, v2;
	vm3 =	vgt.f32 v60, v1;
	v3 =	vsel vm14, $0x14, v3  }
0x24a: {  	v24 =	vld [tilespmem:$0x1F9E0];
	vm14 =	vnez.u8 v18;
	v8 =	vimm.s32 $0x0;
	v2 =	vsel vm3, v1, v2  }
0x24b: {  	v10 =	vld [tilespmem:s15+$0x8080];
	v1 =	vsel vm3, v60, v1;
	v3 =	vsel vm6, v7, v3;
	v7 =	vsel vm6, $0x14, v7  }
0x24c: {  	vm4 =	vgt.f32 v63, v2;
	v3 =	vsel vm14, $0x15, v3;
	vm14 =	vnez.u8 v21  }
0x24d: {  	v27 =	vld [tilespmem:$0x1F9F0];
	[tilespmem:$0x1FA10] =	vst v4;
	v4 =	vsel vm4, $0xFFFFFFFF, v11;
	v2 =	vsel vm4, v63, v2;
	vm4 =	vgt.f32 v63, v1  }
0x24e: {  	v3 =	vsel vm7, v7, v3;
	v7 =	vsel vm7, $0x15, v7;
	v2 =	vsel vm4, v1, v2  }
0x24f: {  	v13 =	vld [tilespmem:s15+$0x8100];
	v1 =	vsel vm4, v63, v1;
	v3 =	vsel vm14, $0x16, v3;
	vm14 =	vnez.u8 v24  }
0x250: {  	v30 =	vld [tilespmem:$0x1FA00];
	vm5 =	vgt.f32 v10, v2;
	v3 =	vsel vm8, v7, v3;
	v7 =	vsel vm8, $0x16, v7  }
0x251: {  	[tilespmem:$0x1FA40] =	vst v6;
	v6 =	vsel vm5, $0xFFFFFFFF, v14;
	v2 =	vsel vm5, v10, v2;
	vm5 =	vgt.f32 v10, v1  }
0x252: {  	v16 =	vld [tilespmem:s15+$0x8180];
	v3 =	vsel vm14, $0x17, v3;
	vm14 =	vnez.u8 v27;
	v27 =	vimm.s32 $0x0  }
0x253: {  	v33 =	vld [tilespmem:$0x1FA10];
	v2 =	vsel vm5, v1, v2;
	v1 =	vsel vm5, v10, v1;
	v3 =	vsel vm9, v7, v3  }
0x254: {  	v7 =	vsel vm9, $0x17, v7;
	v10 =	vimm.s32 $0x0;
	vm6 =	vgt.f32 v13, v2  }
0x255: {  	[tilespmem:$0x1FA50] =	vst v5;
	v3 =	vsel vm14, $0x18, v3;
	vm14 =	vnez.u8 v30;
	v5 =	vsel vm6, $0xFFFFFFFF, v17  }
0x256: {  	v19 =	vld [tilespmem:s15+$0x8200];
	v2 =	vsel vm6, v13, v2;
	vm6 =	vgt.f32 v13, v1;
	v3 =	vsel vm10, v7, v3  }
0x257: {  	v7 =	vsel vm10, $0x18, v7;
	v2 =	vsel vm6, v1, v2;
	v1 =	vsel vm6, v13, v1  }
0x258: {  	v3 =	vsel vm14, $0x19, v3;
	vm14 =	vnez.u8 v33;
	vm7 =	vgt.f32 v16, v2  }
0x259: {  	v22 =	vld [tilespmem:s15+$0x8280];
	[tilespmem:$0x1FA60] =	vst v4;
	v4 =	vsel vm7, $0xFFFFFFFF, v20;
	v2 =	vsel vm7, v16, v2;
	vm7 =	vgt.f32 v16, v1  }
0x25a: {  	v3 =	vsel vm11, v7, v3;
	v7 =	vsel vm11, $0x19, v7;
	v2 =	vsel vm7, v1, v2  }
0x25b: {  	v36 =	vld [tilespmem:$0x1FA20];
	v3 =	vsel vm14, $0x1A, v3;
	v1 =	vsel vm7, v16, v1;
	vm8 =	vgt.f32 v19, v2  }
0x25c: {  	v25 =	vld [tilespmem:s15+$0x8300];
	[tilespmem:$0x1FA70] =	vst v6;
	v6 =	vsel vm8, $0xFFFFFFFF, v23;
	v2 =	vsel vm8, v19, v2;
	vm8 =	vgt.f32 v19, v1  }
0x25d: {  	v13 =	vimm.s32 $0x0;
	v3 =	vsel vm12, v7, v3;
	v2 =	vsel vm8, v1, v2  }
0x25e: {  	v7 =	vsel vm12, $0x1A, v7;
	v1 =	vsel vm8, v19, v1;
	vm9 =	vgt.f32 v22, v2  }
0x25f: {  	v28 =	vld [tilespmem:s15+$0x8380];
	[tilespmem:$0x1FA80] =	vst v5;
	v5 =	vsel vm9, $0xFFFFFFFF, v26;
	v2 =	vsel vm9, v22, v2;
	vm9 =	vgt.f32 v22, v1  }
0x260: {  	vm12 =	vnez.u8 v36;
	v16 =	vimm.s32 $0x0;
	v2 =	vsel vm9, v1, v2  }
0x261: {  	v3 =	vsel vm12, $0x1B, v3;
	v1 =	vsel vm9, v22, v1;
	vm10 =	vgt.f32 v25, v2  }
0x262: {  	v31 =	vld [tilespmem:s15+$0xA000];
	[tilespmem:$0x1FA90] =	vst v4;
	v4 =	vsel vm10, $0xFFFFFFFF, v29;
	v2 =	vsel vm10, v25, v2;
	vm10 =	vgt.f32 v25, v1  }
0x263: {  	v3 =	vsel vm13, v7, v3;
	v7 =	vsel vm13, $0x1B, v7;
	v2 =	vsel vm10, v1, v2  }
0x264: {  	v40 =	vld [tilespmem:$0x1FA30];
	v23 =	vimm.s32 $0x0;
	v1 =	vsel vm10, v25, v1;
	vm11 =	vgt.f32 v28, v2  }
0x265: {  	v34 =	vld [tilespmem:s15+$0xA080];
	v19 =	vimm.s32 $0x0;
	vm14 =	vgt.f32 v28, v1;
	v2 =	vsel vm11, v28, v2  }
0x266: {  	v46 =	vld [tilespmem:$0x1FA40];
	[tilespmem:$0x1FAA0] =	vst v6;
	v6 =	vsel vm11, $0xFFFFFFFF, v32;
	v2 =	vsel vm14, v1, v2;
	v1 =	vsel vm14, v28, v1  }
0x267: {  	[tilespmem:$0x1FAB0] =	vst v5;
	v8 =	vsel vm14, $0xFFFFFFFF, v8;
	vm11 =	vgt.f32 v31, v2;
	vm12 =	vgt.f32 v31, v1  }
0x268: {  	[tilespmem:$0x1FAE0] =	vst v8;
	v5 =	vsel vm11, $0xFFFFFFFF, v35;
	v2 =	vsel vm11, v31, v2;
	v8 =	vsel vm12, $0xFFFFFFFF, v38  }
0x269: {  	v2 =	vsel vm12, v1, v2;
	v1 =	vsel vm12, v31, v1;
	vm12 =	vnez.u8 v40  }
0x26a: {  	v37 =	vld [tilespmem:s15+$0xA100];
	v31 =	vimm.s32 $0x0;
	v40 =	vimm.s32 $0x0;
	vm11 =	vgt.f32 v34, v2  }
0x26b: {  	v49 =	vld [tilespmem:$0x1FA50];
	[tilespmem:$0x1FAC0] =	vst v4;
	v3 =	vsel vm12, $0x1C, v3;
	vm13 =	vgt.f32 v34, v1;
	vm12 =	vnez.u8 v46  }
0x26c: {  	v52 =	vld [tilespmem:$0x1FA60];
	[tilespmem:$0x1FB00] =	vst v8;
	v4 =	vsel vm11, $0xFFFFFFFF, v39;
	v2 =	vsel vm11, v34, v2;
	v8 =	vsel vm13, $0xFFFFFFFF, v42  }
0x26d: {  	v3 =	vsel vm0, v7, v3;
	v7 =	vsel vm0, $0x1C, v7;
	v2 =	vsel vm13, v1, v2  }
0x26e: {  	v41 =	vld [tilespmem:s15+$0xA180];
	v1 =	vsel vm13, v34, v1;
	v3 =	vsel vm15, $0x1D, v3;
	v34 =	vimm.s32 $0x0  }
0x26f: {  	v55 =	vld [tilespmem:$0x1FA70];
	vm14 =	vgt.f32 v37, v2;
	vm0 =	vgt.f32 v37, v1;
	v3 =	vsel vm1, v7, v3  }
0x270: {  	[tilespmem:$0x1FAD0] =	vst v6;
	v7 =	vsel vm1, $0x1D, v7;
	v6 =	vsel vm14, $0xFFFFFFFF, v43;
	v2 =	vsel vm14, v37, v2  }
0x271: {  	v3 =	vsel vm12, $0x1E, v3;
	vm14 =	vnez.u8 v49;
	vm12 =	vnez.u8 v52  }
0x272: {  	v44 =	vld [tilespmem:s15+$0xA200];
	v43 =	vimm.s32 $0x0;
	v2 =	vsel vm0, v1, v2;
	v1 =	vsel vm0, v37, v1  }
0x273: {  	v3 =	vsel vm2, v7, v3;
	v7 =	vsel vm2, $0x1E, v7;
	v37 =	vimm.s32 $0x0  }
0x274: {  	vm15 =	vgt.f32 v41, v2;
	v3 =	vsel vm14, $0x1F, v3;
	vm14 =	vnez.u8 v55  }
0x275: {  	v47 =	vld [tilespmem:s15+$0xA280];
	[tilespmem:$0x1FAF0] =	vst v5;
	v5 =	vsel vm15, $0xFFFFFFFF, v45;
	v2 =	vsel vm15, v41, v2;
	vm15 =	vgt.f32 v41, v1  }
0x276: {  	v3 =	vsel vm3, v7, v3;
	v7 =	vsel vm3, $0x1F, v7;
	v2 =	vsel vm15, v1, v2  }
0x277: {  	v1 =	vsel vm15, v41, v1;
	v3 =	vsel vm12, $0x20, v3;
	vm13 =	vgt.f32 v44, v2  }
0x278: {  	v50 =	vld [tilespmem:s15+$0xA300];
	vm1 =	vgt.f32 v44, v1;
	v3 =	vsel vm4, v7, v3;
	v2 =	vsel vm13, v44, v2  }
0x279: {  	[tilespmem:$0x1FB10] =	vst v4;
	v7 =	vsel vm4, $0x20, v7;
	v4 =	vsel vm13, $0xFFFFFFFF, v48;
	v2 =	vsel vm1, v1, v2  }
0x27a: {  	v59 =	vld [tilespmem:$0x1FA80];
	v3 =	vsel vm14, $0x21, v3;
	v1 =	vsel vm1, v44, v1;
	vm11 =	vgt.f32 v47, v2  }
0x27b: {  	v53 =	vld [tilespmem:s15+$0xA380];
	[tilespmem:$0x1FB50] =	vst v4;
	v3 =	vsel vm5, v7, v3;
	vm2 =	vgt.f32 v47, v1;
	v2 =	vsel vm11, v47, v2  }
0x27c: {  	[tilespmem:$0x1FB30] =	vst v6;
	v7 =	vsel vm5, $0x21, v7;
	v38 =	vld [tilespmem:$0x1FB50];
	v6 =	vsel vm11, $0xFFFFFFFF, v51;
	v2 =	vsel vm2, v1, v2  }
0x27d: {  	v24 =	vld [tilespmem:$0x1FAF0];
	v51 =	vimm.s32 $0x0;
	v1 =	vsel vm2, v47, v1;
	vm13 =	vgt.f32 v50, v2  }
0x27e: {  	[tilespmem:$0x1FB40] =	vst v5;
	v47 =	vimm.s32 $0x0;
	vm11 =	vgt.f32 v50, v1;
	v5 =	vsel vm13, $0xFFFFFFFF, v54  }
0x27f: {  	v63 =	vld [tilespmem:$0x1FA90];
	[tilespmem:$0x1FB20] =	vst v8;
	v2 =	vsel vm13, v50, v2;
	v8 =	vsel vm11, $0xFFFFFFFF, v57;
	vm13 =	vnez.u8 v59  }
0x280: {  	v56 =	vld [tilespmem:s15+$0xC000];
	v2 =	vsel vm11, v1, v2;
	v1 =	vsel vm11, v50, v1;
	v3 =	vsel vm13, $0x22, v3  }
0x281: {  	v14 =	vld [tilespmem:$0x1FAB0];
	vm5 =	vnez.u8 v38;
	vm12 =	vgt.f32 v53, v2;
	vm14 =	vgt.f32 v53, v1  }
0x282: {  	v11 =	vld [tilespmem:$0x1FAA0];
	v3 =	vsel vm6, v7, v3;
	v7 =	vsel vm6, $0x22, v7;
	vm6 =	vnez.u8 v24  }
0x283: {  	[tilespmem:$0x1FB80] =	vst v8;
	v4 =	vsel vm12, $0xFFFFFFFF, v58;
	v2 =	vsel vm12, v53, v2;
	v8 =	vsel vm14, $0xFFFFFFFF, v61  }
0x284: {  	v60 =	vld [tilespmem:s15+$0xC080];
	vm12 =	vnez.u8 v63;
	v2 =	vsel vm14, v1, v2;
	v1 =	vsel vm14, v53, v1  }
0x285: {  	v3 =	vsel vm12, $0x23, v3;
	vm11 =	vgt.f32 v56, v2;
	vm14 =	vgt.f32 v56, v1  }
0x286: {  	v20 =	vld [tilespmem:$0x1FAD0];
	v3 =	vsel vm7, v7, v3;
	v7 =	vsel vm7, $0x23, v7;
	vm7 =	vnez.u8 v14  }
0x287: {  	v17 =	vld [tilespmem:$0x1FAC0];
	[tilespmem:$0x1FB60] =	vst v6;
	v6 =	vsel vm11, $0xFFFFFFFF, v62;
	v2 =	vsel vm11, v56, v2;
	vm11 =	vnez.u8 v11  }
0x288: {  	v9 =	vld [tilespmem:s15+$0xC100];
	v2 =	vsel vm14, v1, v2;
	v1 =	vsel vm14, v56, v1;
	v3 =	vsel vm11, $0x24, v3  }
0x289: {  	vm13 =	vgt.f32 v60, v2;
	v3 =	vsel vm8, v7, v3;
	v7 =	vsel vm8, $0x24, v7  }
0x28a: {  	[tilespmem:$0x1FB70] =	vst v5;
	v5 =	vsel vm13, $0xFFFFFFFF, v10;
	v2 =	vsel vm13, v60, v2;
	vm13 =	vgt.f32 v60, v1  }
0x28b: {  	v12 =	vld [tilespmem:s15+$0xC180];
	v3 =	vsel vm7, $0x25, v3;
	vm7 =	vnez.u8 v20;
	v2 =	vsel vm13, v1, v2  }
0x28c: {  	v26 =	vld [tilespmem:$0x1FB00];
	v3 =	vsel vm9, v7, v3;
	v7 =	vsel vm9, $0x25, v7;
	vm9 =	vnez.u8 v17  }
0x28d: {  	v22 =	vld [tilespmem:$0x1FAE0];
	v1 =	vsel vm13, v60, v1;
	vm12 =	vgt.f32 v9, v2;
	v3 =	vsel vm9, $0x26, v3  }
0x28e: {  	v15 =	vld [tilespmem:s15+$0xC200];
	[tilespmem:$0x1FB90] =	vst v4;
	v4 =	vsel vm12, $0xFFFFFFFF, v13;
	v2 =	vsel vm12, v9, v2;
	vm12 =	vgt.f32 v9, v1  }
0x28f: {  	v28 =	vld [tilespmem:$0x1FB10];
	v3 =	vsel vm10, v7, v3;
	v7 =	vsel vm10, $0x26, v7;
	v2 =	vsel vm12, v1, v2  }
0x290: {  	v30 =	vld [tilespmem:$0x1FB20];
	v1 =	vsel vm12, v9, v1;
	v3 =	vsel vm7, $0x27, v3;
	vm8 =	vgt.f32 v12, v2  }
0x291: {  	vm7 =	vnez.u8 v26;
	vm11 =	vgt.f32 v12, v1;
	v2 =	vsel vm8, v12, v2  }
0x292: {  	v32 =	vld [tilespmem:$0x1FB30];
	[tilespmem:$0x1FBB0] =	vst v6;
	v6 =	vsel vm8, $0xFFFFFFFF, v16;
	vm8 =	vnez.u8 v22;
	v2 =	vsel vm11, v1, v2  }
0x293: {  	v18 =	vld [tilespmem:s15+$0xC280];
	v1 =	vsel vm11, v12, v1;
	v3 =	vsel vm8, v7, v3;
	v7 =	vsel vm8, $0x27, v7  }
0x294: {  	vm8 =	vnez.u8 v28;
	vm10 =	vgt.f32 v15, v2;
	v3 =	vsel vm6, $0x28, v3  }
0x295: {  	v35 =	vld [tilespmem:$0x1FB40];
	[tilespmem:$0x1FBC0] =	vst v5;
	vm6 =	vnez.u8 v30;
	v5 =	vsel vm10, $0xFFFFFFFF, v19;
	v2 =	vsel vm10, v15, v2  }
0x296: {  	v21 =	vld [tilespmem:s15+$0xC300];
	vm10 =	vgt.f32 v15, v1;
	v3 =	vsel vm7, v7, v3;
	v7 =	vsel vm7, $0x28, v7  }
0x297: {  	vm7 =	vnez.u8 v32;
	v2 =	vsel vm10, v1, v2;
	v3 =	vsel vm8, $0x29, v3  }
0x298: {  	v1 =	vsel vm10, v15, v1;
	vm9 =	vgt.f32 v18, v2;
	v3 =	vsel vm6, v7, v3  }
0x299: {  	v25 =	vld [tilespmem:s15+$0xC380];
	[tilespmem:$0x1FBD0] =	vst v4;
	v4 =	vsel vm9, $0xFFFFFFFF, v23;
	v2 =	vsel vm9, v18, v2;
	vm9 =	vgt.f32 v18, v1  }
0x29a: {  	v7 =	vsel vm6, $0x29, v7;
	vm6 =	vnez.u8 v35;
	v2 =	vsel vm9, v1, v2  }
0x29b: {  	v3 =	vsel vm7, $0x2A, v3;
	v1 =	vsel vm9, v18, v1;
	vm4 =	vgt.f32 v21, v2  }
0x29c: {  	v29 =	vld [tilespmem:s15+$0xE000];
	v3 =	vsel vm0, v7, v3;
	vm8 =	vgt.f32 v21, v1;
	v2 =	vsel vm4, v21, v2  }
0x29d: {  	v7 =	vsel vm0, $0x2A, v7;
	v3 =	vsel vm6, $0x2B, v3;
	v2 =	vsel vm8, v1, v2  }
0x29e: {  	v41 =	vld [tilespmem:$0x1FB60];
	[tilespmem:$0x1FBE0] =	vst v6;
	v6 =	vsel vm4, $0xFFFFFFFF, v27;
	v1 =	vsel vm8, v21, v1;
	vm4 =	vgt.f32 v25, v2  }
0x29f: {  	v33 =	vld [tilespmem:s15+$0xE080];
	v3 =	vsel vm15, v7, v3;
	vm7 =	vgt.f32 v25, v1;
	v2 =	vsel vm4, v25, v2  }
0x2a0: {  	v7 =	vsel vm15, $0x2B, v7;
	v3 =	vsel vm5, $0x2C, v3;
	v2 =	vsel vm7, v1, v2  }
0x2a1: {  	v3 =	vsel vm1, v7, v3;
	v1 =	vsel vm7, v25, v1;
	vm3 =	vgt.f32 v29, v2  }
0x2a2: {  	v36 =	vld [tilespmem:s15+$0xE100];
	v7 =	vsel vm1, $0x2C, v7;
	vm6 =	vgt.f32 v29, v1;
	v2 =	vsel vm3, v29, v2  }
0x2a3: {  	v39 =	vld [tilespmem:s15+$0xE180];
	[tilespmem:$0x1FBF0] =	vst v5;
	v5 =	vsel vm4, $0xFFFFFFFF, v31;
	vm4 =	vnez.u8 v41;
	v2 =	vsel vm6, v1, v2  }
0x2a4: {  	v44 =	vld [tilespmem:$0x1FB70];
	v3 =	vsel vm4, $0x2D, v3;
	v1 =	vsel vm6, v29, v1;
	vm15 =	vgt.f32 v33, v2  }
0x2a5: {  	v46 =	vld [tilespmem:$0x1FB80];
	[tilespmem:$0x1FBA0] =	vst v8;
	v3 =	vsel vm2, v7, v3;
	vm5 =	vgt.f32 v33, v1;
	v2 =	vsel vm15, v33, v2  }
0x2a6: {  	[tilespmem:$0x1FC00] =	vst v4;
	v7 =	vsel vm2, $0x2D, v7;
	v4 =	vsel vm3, $0xFFFFFFFF, v34;
	v2 =	vsel vm5, v1, v2  }
0x2a7: {  	v48 =	vld [tilespmem:$0x1FB90];
	[tilespmem:$0x1FC10] =	vst v6;
	v6 =	vsel vm15, $0xFFFFFFFF, v37;
	v1 =	vsel vm5, v33, v1;
	vm15 =	vgt.f32 v36, v2  }
0x2a8: {  	v50 =	vld [tilespmem:$0x1FBA0];
	[tilespmem:$0x1FC20] =	vst v5;
	vm4 =	vgt.f32 v36, v1;
	v5 =	vsel vm15, $0xFFFFFFFF, v40;
	v2 =	vsel vm15, v36, v2  }
0x2a9: {  	v42 =	vld [tilespmem:s15+$0xE200];
	vm15 =	vnez.u8 v44;
	v2 =	vsel vm4, v1, v2;
	v1 =	vsel vm4, v36, v1  }
0x2aa: {  	v52 =	vld [tilespmem:$0x1FBB0];
	v3 =	vsel vm15, $0x2E, v3;
	vm15 =	vnez.u8 v46;
	vm1 =	vgt.f32 v39, v2  }
0x2ab: {  	vm3 =	vgt.f32 v39, v1;
	v3 =	vsel vm15, v7, v3;
	v7 =	vsel vm15, $0x2E, v7  }
0x2ac: {  	v45 =	vld [tilespmem:s15+$0xE280];
	[tilespmem:$0x1FC30] =	vst v4;
	vm15 =	vnez.u8 v48;
	v4 =	vsel vm1, $0xFFFFFFFF, v43;
	v2 =	vsel vm1, v39, v2  }
0x2ad: {  	v54 =	vld [tilespmem:$0x1FBC0];
	v3 =	vsel vm15, $0x2F, v3;
	vm15 =	vnez.u8 v50;
	v2 =	vsel vm3, v1, v2  }
0x2ae: {  	v1 =	vsel vm3, v39, v1;
	v3 =	vsel vm15, v7, v3;
	v7 =	vsel vm15, $0x2F, v7  }
0x2af: {  	v57 =	vld [tilespmem:$0x1FBE0];
	vm15 =	vnez.u8 v52;
	vm1 =	vgt.f32 v42, v2;
	vm2 =	vgt.f32 v42, v1  }
0x2b0: {  	v49 =	vld [tilespmem:s15+$0xE300];
	[tilespmem:$0x1FC40] =	vst v6;
	v3 =	vsel vm15, $0x30, v3;
	v6 =	vsel vm1, $0xFFFFFFFF, v47;
	v2 =	vsel vm1, v42, v2  }
0x2b1: {  	v3 =	vsel vm14, v7, v3;
	v7 =	vsel vm14, $0x30, v7;
	v2 =	vsel vm2, v1, v2  }
0x2b2: {  	v56 =	vld [tilespmem:$0x1FBD0];
	vm14 =	vnez.u8 v54;
	v1 =	vsel vm2, v42, v1;
	vm1 =	vgt.f32 v45, v2  }
0x2b3: {  	v53 =	vld [tilespmem:s15+$0xE380];
	[tilespmem:$0x1FC50] =	vst v5;
	v5 =	vsel vm1, $0xFFFFFFFF, v51;
	v2 =	vsel vm1, v45, v2;
	vm1 =	vgt.f32 v45, v1  }
0x2b4: {  	vm15 =	vnez.u8 v57;
	v3 =	vsel vm14, $0x31, v3;
	v2 =	vsel vm1, v1, v2  }
0x2b5: {  	v55 =	vsel vm13, $0x31, v7;
	v1 =	vsel vm1, v45, v1;
	vm14 =	vgt.f32 v49, v2  }
0x2b6: {  	v58 =	vld [tilespmem:$0x1FBF0];
	v3 =	vsel vm13, v7, v3;
	vm0 =	vgt.f32 v49, v1;
	v2 =	vsel vm14, v49, v2  }
0x2b7: {  	[tilespmem:$0x1FC60] =	vst v4;
	vm13 =	vnez.u8 v56;
	v4 =	vsel vm12, $0x32, v55;
	v2 =	vsel vm0, v1, v2  }
0x2b8: {  	v59 =	vld [tilespmem:$0x1FC00];
	v3 =	vsel vm13, $0x32, v3;
	v1 =	vsel vm0, v49, v1;
	vm13 =	vgt.f32 v53, v2  }
0x2b9: {  	v3 =	vsel vm12, v55, v3;
	vm12 =	vgt.f32 v53, v1;
	v2 =	vsel vm13, v53, v2  }
0x2ba: {  	v3 =	vsel vm15, $0x33, v3;
	v2 =	vsel vm12, v1, v2;
	v1 =	vsel vm12, v53, v1  }
0x2bb: {  	vm15 =	vnez.u8 v58;
	v1 =	vsub.f32 v2, v1;
	v2 =	vsel vm11, v4, v3  }
0x2bc: {  	v3 =	vsel vm11, $0x33, v4;
	v2 =	vsel vm15, $0x34, v2  }
0x2bd: {  	vm15 =	vnez.u8 v59;
	v2 =	vsel vm10, v3, v2;
	v1 =	vmul.f32 $1.442695020e+00, v1  }
0x2be: {  	v3 =	vsel vm10, $0x34, v3;
	v2 =	vsel vm15, $0x35, v2  }
0x2bf: {  	(erf) = vpow2.f32 v1;
	v1 =	vsel vm9, v3, v2;
	v2 =	vsel vm9, $0x35, v3;
	v3 =	vld [tilespmem:$0x1FC10];
	_ =	sdelay $0x4  }
0x2c0: {  	vm15 =	vnez.u8 v3;
	v3 =	vld [tilespmem:$0x1FC20];
	_ =	sdelay $0x4  }
0x2c1: {  	v1 =	vsel vm15, $0x36, v1;
	vm15 =	vnez.u8 v3;
	v3 =	vld [tilespmem:$0x1FC30];
	_ =	sdelay $0x4  }
0x2c2: {  	vm11 =	vnez.u8 v3;
	v3 =	vld [tilespmem:$0x1FC40];
	_ =	sdelay $0x3  }
0x2c3: {  	v1 =	vsel vm8, v2, v1  }
0x2c4: {  	v2 =	vsel vm8, $0x36, v2;
	v1 =	vsel vm15, $0x37, v1;
	vm15 =	vnez.u8 v3;
	v3 =	vld [tilespmem:$0x1FC50]  }
0x2c5: {  	v1 =	vsel vm7, v2, v1  }
0x2c6: {  	v61 =	vld [tilespmem:$0x1FC60];
	v2 =	vsel vm7, $0x37, v2;
	v1 =	vsel vm11, $0x38, v1  }
0x2c7: {  	[tilespmem:$0x1FC70] =	vst v6;
	v1 =	vsel vm6, v2, v1  }
0x2c8: {  	v62 =	vld [tilespmem:$0x1FC70];
	v2 =	vsel vm6, $0x38, v2;
	v1 =	vsel vm15, $0x39, v1  }
0x2c9: {  	[tilespmem:$0x1FC80] =	vst v5;
	v1 =	vsel vm5, v2, v1;
	vm9 =	vnez.u8 v3  }
0x2ca: {  	v63 =	vld [tilespmem:$0x1FC80];
	v2 =	vsel vm5, $0x39, v2;
	v1 =	vsel vm9, $0x3A, v1  }
0x2cb: {  	vm10 =	vnez.u8 v61;
	v1 =	vsel vm4, v2, v1  }
0x2cc: {  	v3 =	vpop (erf);
	v2 =	vsel vm4, $0x3A, v2;
	v1 =	vsel vm10, $0x3B, v1  }
0x2cd: {  	vm11 =	vnez.u8 v62;
	v60 =	vadd.f32 $1.000000000e+00, v3;
	v1 =	vsel vm3, v2, v1  }
0x2ce: {  	v2 =	vsel vm3, $0x3B, v2;
	v1 =	vsel vm11, $0x3C, v1  }
0x2cf: {  	vm15 =	vnez.u8 v63;
	(erf) = vrcp.f32 v60;
	v1 =	vsel vm2, v2, v1  }
0x2d0: {  	v2 =	vsel vm2, $0x3C, v2;
	v1 =	vsel vm15, $0x3D, v1  }
0x2d1: {  	v1 =	vsel vm1, v2, v1  }
0x2d2: {  	v2 =	vsel vm1, $0x3D, v2;
	v1 =	vsel vm14, $0x3E, v1  }
0x2d3: {  	v1 =	vsel vm0, v2, v1  }
0x2d4: {  	v2 =	vsel vm0, $0x3E, v2;
	v1 =	vsel vm13, $0x3F, v1  }
0x2d5: {  	s13 =	sshll.u32 s13, $0x5;
	v1 =	vsel vm12, v2, v1  }
0x2d6: {  	s13 =	sand.u32 $0xFFFFFF00, s13  }
0x2d7: {  	s13 =	sor.u32 s14, s13  }
0x2d8: {  	v2 =	vsel vm12, $0x3F, v2;
	[tilespmem:s13+$0x10880] =	vst v1;
	v1 =	vpop (erf)  }
0x2d9: {  	[tilespmem:s13+$0x10800] =	vst v2;
	v2 =	vmul.f32 v1, v3  }
0x2da: {  	[tilespmem:s13+$0x10000] =	vst v1  }
0x2db: {  	[tilespmem:s13+$0x10080] =	vst v2  }
0x2dc: {  	[hbm4b:s4+s2] =	stream.linear.scatter [tilespmem:s10], [sflag:$0x1], $0x800, $0x38;
	[tilespmem:$0x11000] =	vst v63  }
0x2dd: {  	s12 =	sadd.s32 $0x1, s12;
	_ =	swait.ge [sflag:s9], $0x800  }
0x2de: {  	p0 =	sne.s32 s12, s6;
	[sflag:s9] =	ssyncset.done $0x0  }
.Ltmp1:
0x2df: {  	[sflag:s9] =	ssyncadd.s32 $0xFFFFF800;
	(pc) =	sbr.rel @p0 .LBB2_1-.Ltmp1, $4  }
0x2e0: {  	[hbm4b:s5+s2] =	stream.linear.scatter [tilespmem:s11], [sflag:$0x1], $0x800, $0x38;
	[tilespmem:$0x11000] =	vst v63  }
0x2e1: {  	_ =	swait.ge [sflag:s9], $0x800  }
0x2e2: {  	[sflag:s9] =	ssyncset.done $0x0  }
0x2e3: {  	[sflag:s9] =	ssyncadd.s32 $0xFFFFF800  }
0x2e4: {  	_ =	sfence.sel $0x180000  }
0x2e5: {  	[bflag:$0x0] =	sbarrier.arrive $0xFFFF  }
0x2e6: {  	p0 =	sne.s32 s1, $0x0;
	_ =	strace $0x90000047  }
0x2e7: {  	s0 =	sadd.s32 @!p0 $0x100000, s0;
	[bflag:$0x2] =	sbarrier.arrive $0xFFFF  }
0x2e8: {  	[sflag:s0] =	ssyncadd.tile.s32 @!p0 $0x1;
	_ =	shalt  }
.Lfunc_end2:
_tile_overlayer_lowered:
.L_overlay_start_2:
0x2e9: {  	(tag) =	ssettag $0x2  }
0x2ea: {  	s0 =	rddreg [dreg:$0x0];
	s2 =	stileid.u32  }
0x2eb: {  	s1 =	rddreg [dreg:$0x1];
	p0 =	sne.s32 s2, $0x0  }
0x2ec: {  	s3 =	rddreg [dreg:$0x2];
	[bflag:$0x3] =	sbarrier.arrive $0xFFFF;
	s2 =	simm.s32 @!p0 $0x1C01  }
0x2ed: {  	[timem:s3], [sflag:s2] =	dma.local @!p0 [hbm:s0], s1  }
0x2ee: {  	s0 =	simm.s32 @!p0 $0x1  }
0x2ef: {  	_ =	swait.ge @!p0 [sflag:s0], s1  }
0x2f0: {  	s1 =	ssub.s32 @!p0 $0x0, s1;
	[sflag:s0] =	ssyncset.done @!p0 $0x0  }
0x2f1: {  	[sflag:s0] =	ssyncadd.s32 @!p0 s1  }
0x2f2: {  	[bflag:$0x3] =	sbarrier.arrive $0xFFFF  }
0x2f3: {  	_ =	shalt  }

</sc_bundles>
